<compile_context>
chip_gen: v7x
topology: tpu7x:2x2x1
jax: 0.10.2.dev20260603
libtpu: 0.0.44.dev20260713+nightly
codegen_flags: <defaults>
</compile_context>

<pallas_src>
import functools

import jax
import jax.numpy as jnp
from jax import lax
from jax.experimental import pallas as pl
from jax.experimental.pallas import tpu as pltpu
from jax.experimental.pallas import tpu_sc as plsc

D = 64
S = 50
NBT = 128
NC, NS = 2, 16
NW = NC * NS
BTW = NBT // NW
NP = S * BTW

_mesh = plsc.VectorSubcoreMesh(core_axis_name="c", subcore_axis_name="s")

NVT = 7813
NVT_W = 245


@functools.partial(
    pl.kernel,
    out_type=jax.ShapeDtypeStruct((500000, 128), jnp.float32),
    mesh=_mesh,
    scratch_types=[
        pltpu.VMEM((2, D, 128), jnp.float32),
        pltpu.VMEM((2, D, 128), jnp.float32),
        pltpu.SemaphoreType.DMA((2,)),
        pltpu.SemaphoreType.DMA((2,)),
    ],
    compiler_params=pltpu.CompilerParams(
        use_tc_tiling_on_sc=True, needs_layout_passes=False),
)
def _format_table(wt_hbm, tail_hbm, w2_hbm, cbuf, pbuf, sv, sw):
    wid = lax.axis_index("s") * NC + lax.axis_index("c")
    iota = lax.iota(jnp.int32, 16)
    dvecs = [D0 + iota for D0 in range(0, D, 16)]

    def fire_slab(i, buf):
        vt = wid + i * NW

        @pl.when(vt < NVT - 1)
        def _body():
            pltpu.async_copy(
                wt_hbm.at[:, pl.ds(vt * 128, 128)], cbuf.at[buf], sv.at[buf])

        @pl.when(vt == NVT - 1)
        def _tail():
            pltpu.async_copy(tail_hbm, cbuf.at[buf], sv.at[buf])

    def transpose(buf):
        @plsc.parallel_loop(0, 16, unroll=2)
        def _j(j):
            perm = lax.rem(iota + j, 16)
            rbase = perm // 2
            cvecs = [lax.rem(perm, 2) * 64 + dv for dv in dvecs]
            vvecs = [V0 + perm for V0 in range(0, 128, 16)]
            rvecs = [V0 // 2 + rbase for V0 in range(0, 128, 16)]
            for di in range(4):
                for vi in range(8):
                    x = plsc.load_gather(cbuf.at[buf], [dvecs[di], vvecs[vi]])
                    plsc.store_scatter(
                        pbuf.at[buf], [rvecs[vi], cvecs[di]], x)

    def fire_write(vt, buf):
        @pl.when(vt < NVT - 1)
        def _full():
            pltpu.async_copy(pbuf.at[buf],
                             w2_hbm.at[pl.ds(vt * 64, 64)], sw.at[buf])

        @pl.when(vt == NVT - 1)
        def _tail():
            pltpu.async_copy(pbuf.at[buf, pl.ds(0, 32)],
                             w2_hbm.at[pl.ds(vt * 64, 32)], sw.at[buf])

    def wait_write(vt, buf):
        @pl.when(vt < NVT - 1)
        def _full():
            pltpu.make_async_copy(
                pbuf.at[buf], w2_hbm.at[pl.ds(0, 64)], sw.at[buf]).wait()

        @pl.when(vt == NVT - 1)
        def _tail():
            pltpu.make_async_copy(
                pbuf.at[buf, pl.ds(0, 32)],
                w2_hbm.at[pl.ds(0, 32)], sw.at[buf]).wait()

    @pl.loop(0, NVT_W)
    def _slab(i):
        vt = wid + i * NW

        @pl.when(vt < NVT)
        def _active():
            buf = lax.rem(i, 2)

            @pl.when(i == 0)
            def _prime():
                fire_slab(i, buf)

            pltpu.make_async_copy(
                wt_hbm.at[:, pl.ds(0, 128)], cbuf.at[buf], sv.at[buf]).wait()

            @pl.when(wid + (i + 1) * NW < NVT)
            def _next():
                fire_slab(i + 1, 1 - buf)

            @pl.when(i >= 2)
            def _drain():
                wait_write(wid + (i - 2) * NW, buf)

            transpose(buf)
            fire_write(vt, buf)

    n_act = jnp.where(wid < NVT - (NVT_W - 1) * NW, NVT_W, NVT_W - 1)

    @pl.loop(0, 2)
    def _final(q):
        i_last = n_act - 1 - q
        wait_write(wid + i_last * NW, lax.rem(i_last, 2))


@functools.partial(
    pl.kernel,
    out_type=jax.ShapeDtypeStruct((S, 4, 2, NBT, 8, 128), jnp.float32),
    mesh=_mesh,
    scratch_types=[
        pltpu.VMEM((S, BTW, 128), jnp.int32),
        pltpu.VMEM((2, 128, D), jnp.float32),
        pltpu.VMEM((2, 4, 2, 8, 131), jnp.float32),
        pltpu.SemaphoreType.DMA((2,)),
        pltpu.SemaphoreType.DMA((2,)),
    ],
    compiler_params=pltpu.CompilerParams(
        use_tc_tiling_on_sc=False, needs_layout_passes=False),
)
def _emb_lookup(idx_hbm, table_hbm, out_hbm, idx_v, gbuf, tbuf, sg, sw):
    wid = lax.axis_index("s") * NC + lax.axis_index("c")
    bt0 = wid * BTW
    pltpu.sync_copy(idx_hbm.at[:, pl.ds(bt0, BTW)], idx_v)

    iota = lax.iota(jnp.int32, 16)
    dtlo_c = iota // 8
    dr_c = lax.rem(iota, 8)

    def fire_gather(p, par):
        s = p // BTW
        bl = lax.rem(p, BTW)
        pltpu.async_copy(
            table_hbm.at[idx_v.at[s, bl]], gbuf.at[par], sg.at[par])

    def transpose(par):
        @plsc.parallel_loop(0, 128, unroll=8)
        def _bc(bc):
            bcv = jnp.zeros((16,), jnp.int32) + bc
            for g in range(4):
                x = gbuf[par, bc, pl.ds(g * 16, 16)]
                plsc.store_scatter(tbuf.at[par, g], [dtlo_c, dr_c, bcv], x)

    @pl.loop(0, NP)
    def _pair(p):
        par = lax.rem(p, 2)
        s = p // BTW
        bl = lax.rem(p, BTW)

        @pl.when(p == 0)
        def _prime():
            fire_gather(p, par)

        pltpu.make_async_copy(
            table_hbm.at[idx_v.at[0, 0]], gbuf.at[par], sg.at[par]).wait()

        @pl.when(p < NP - 1)
        def _next():
            fire_gather(p + 1, 1 - par)

        @pl.when(p >= 2)
        def _drain():
            pltpu.make_async_copy(
                tbuf.at[par, :, :, :, pl.ds(0, 128)],
                out_hbm.at[0, :, :, 0], sw.at[par]).wait()

        transpose(par)
        pltpu.async_copy(
            tbuf.at[par, :, :, :, pl.ds(0, 128)],
            out_hbm.at[s, :, :, bt0 + bl], sw.at[par])

    for q in range(2):
        pltpu.make_async_copy(
            tbuf.at[q, :, :, :, pl.ds(0, 128)],
            out_hbm.at[0, :, :, 0], sw.at[q]).wait()


def kernel(input, weight):
    idx3 = input.T.reshape(S, NBT, 128).astype(jnp.int32)
    wt = weight.T
    tailp = jnp.pad(wt[:, (NVT - 1) * 128:], ((0, 0), (0, 64)))
    table = _format_table(wt, tailp).reshape(1000000, D)
    out5 = _emb_lookup(idx3, table).reshape(S, 8, NBT, 8, 128)
    return out5.transpose(2, 4, 0, 1, 3).reshape(16384, S, D)

# --- scband reference (transcript-rebuilt; emitter-appended) ---
"""Pipeline reference for scband-embedding-table-13400297963978 (READ-ONLY COPY).

The authoritative reference and input builder live on the scoring server;
editing this copy changes nothing except your own understanding.
"""

import jax, jax.numpy as jnp
import numpy as np

NTOKEN = 1000000
NINP = 64

def setup_inputs(seed: int = 0) -> dict:
    key = jax.random.key(seed)
    k_idx, k_w = jax.random.split(key)
    inp = jax.random.randint(k_idx, (16384, 50), 0, NTOKEN, dtype=jnp.int64 if jax.config.jax_enable_x64 else jnp.int32)
    # nn.init.uniform_(weight, -0.1, 0.1)
    weight = jax.random.uniform(k_w, (NTOKEN, NINP), dtype=jnp.float32, minval=-0.1, maxval=0.1)
    return {"input": inp, "weight": weight}

def reference(input, weight):
    # Embedding lookup: encoder(input)
    emb = jnp.take(weight, input, axis=0)
    # Dropout in eval/inference mode is identity
    return emb

if __name__ == "__main__":
    import jax
    _d = setup_inputs()
    print(jax.jit(kernel)(*tuple(_d.values())))

</pallas_src>

<mosaic_0001>
#map = affine_map<(d0, d1) -> (0, 0)>
module attributes {stable_mosaic.version = 14 : i64} {
  func.func @_format_table(%arg0: i32, %arg1: i32, %arg2: memref<64x1000000xf32, #tpu.memory_space<hbm>>, %arg3: memref<64x128xf32, #tpu.memory_space<hbm>>, %arg4: memref<500000x128xf32, #tpu.memory_space<hbm>>, %arg5: memref<2x64x128xf32, #tpu.memory_space<vmem>>, %arg6: memref<2x64x128xf32, #tpu.memory_space<vmem>>, %arg7: memref<2x!tpu.dma_semaphore, #tpu.memory_space<semaphore_mem>>, %arg8: memref<2x!tpu.dma_semaphore, #tpu.memory_space<semaphore_mem>>) attributes {dimension_semantics = [#tpu.dimension_semantics<core_parallel>, #tpu.dimension_semantics<subcore_parallel>], iteration_bounds = array<i64: 2, 16>, scalar_prefetch = 0 : i64, scratch_operands = 4 : i64, tpu.core_type = #tpu.core_type<sc_vector_subcore>, window_params = [{transform_indices = #map}, {transform_indices = #map}, {transform_indices = #map}]} {
    %mul3A = arith.constant 2 : i32
    %mul3A_0 = arith.muli %arg1, %mul3A : i32
    %add3A = arith.addi %mul3A_0, %arg0 : i32
    %iota3A = tpu.iota {dimensions = array<i32: 0>} : vector<16xi32>
    %add3A_1 = arith.constant 0 : i32
    %add3A_2 = vector.broadcast %add3A_1 : i32 to vector<16xi32>
    %add3A_3 = arith.addi %add3A_2, %iota3A : vector<16xi32>
    %add3A_4 = arith.constant 16 : i32
    %add3A_5 = vector.broadcast %add3A_4 : i32 to vector<16xi32>
    %add3A_6 = arith.addi %add3A_5, %iota3A : vector<16xi32>
    %add3A_7 = arith.constant 32 : i32
    %add3A_8 = vector.broadcast %add3A_7 : i32 to vector<16xi32>
    %add3A_9 = arith.addi %add3A_8, %iota3A : vector<16xi32>
    %add3A_10 = arith.constant 48 : i32
    %add3A_11 = vector.broadcast %add3A_10 : i32 to vector<16xi32>
    %add3A_12 = arith.addi %add3A_11, %iota3A : vector<16xi32>
    %scan3A = arith.constant 0 : i32
    %scan3A_13 = arith.constant 245 : i32
    %scan3A_14 = arith.addi %scan3A, %scan3A_13 : i32
    %scan3A_15 = arith.constant 1 : i32
    scf.for %scan3A_24 = %scan3A to %scan3A_14 step %scan3A_15  : i32 {
      %mul3A_25 = arith.constant 1 : i32
      %mul3A_26 = arith.muli %scan3A_24, %mul3A_25 : i32
      %add3A_27 = arith.constant 0 : i32
      %add3A_28 = arith.addi %add3A_27, %mul3A_26 : i32
      %mul3A_29 = arith.constant 32 : i32
      %mul3A_30 = arith.muli %add3A_28, %mul3A_29 : i32
      %add3A_31 = arith.addi %add3A, %mul3A_30 : i32
      %lt3A_32 = arith.constant 7813 : i32
      %lt3A_33 = arith.cmpi slt, %add3A_31, %lt3A_32 : i32
      %convert_element_type3A = arith.extui %lt3A_33 : i1 to i32
      %cond3A = arith.constant 0 : i32
      %cond3A_34 = arith.cmpi ne, %convert_element_type3A, %cond3A : i32
      scf.if %cond3A_34 {
        %rem3A = arith.constant 2 : i32
        %rem3A_35 = arith.remsi %add3A_28, %rem3A : i32
        %eq3A = arith.constant 0 : i32
        %eq3A_36 = arith.cmpi eq, %add3A_28, %eq3A : i32
        %convert_element_type3A_37 = arith.extui %eq3A_36 : i1 to i32
        %cond3A_38 = arith.constant 0 : i32
        %cond3A_39 = arith.cmpi ne, %convert_element_type3A_37, %cond3A_38 : i32
        scf.if %cond3A_39 {
          %mul3A_81 = arith.constant 32 : i32
          %mul3A_82 = arith.muli %add3A_28, %mul3A_81 : i32
          %add3A_83 = arith.addi %add3A, %mul3A_82 : i32
          %lt3A_84 = arith.constant 7812 : i32
          %lt3A_85 = arith.cmpi slt, %add3A_83, %lt3A_84 : i32
          %convert_element_type3A_86 = arith.extui %lt3A_85 : i1 to i32
          %cond3A_87 = arith.constant 0 : i32
          %cond3A_88 = arith.cmpi ne, %convert_element_type3A_86, %cond3A_87 : i32
          scf.if %cond3A_88 {
            %mul3A_94 = arith.constant 128 : i32
            %mul3A_95 = arith.muli %add3A_83, %mul3A_94 : i32
            %dma_start3A = arith.constant 0 : i32
            %dma_start3A_96 = arith.constant 0 : i32
            %dma_start3A_97 = tpu.memref_slice %arg5[%rem3A_35, %dma_start3A, %dma_start3A_96] : memref<2x64x128xf32, #tpu.memory_space<vmem>> -> memref<1x64x128xf32, #tpu.memory_space<vmem>>
            %dma_start3A_98 = tpu.memref_squeeze %dma_start3A_97 : memref<1x64x128xf32, #tpu.memory_space<vmem>> -> memref<64x128xf32, #tpu.memory_space<vmem>>
            %dma_start3A_99 = arith.constant 0 : i32
            %dma_start3A_100 = tpu.memref_slice %arg2[%dma_start3A_99, %mul3A_95] : memref<64x1000000xf32, #tpu.memory_space<hbm>> -> memref<64x128xf32, #tpu.memory_space<hbm>>
            %dma_start3A_101 = tpu.memref_slice %arg7[%rem3A_35] : memref<2x!tpu.dma_semaphore, #tpu.memory_space<semaphore_mem>> -> memref<1x!tpu.dma_semaphore, #tpu.memory_space<semaphore_mem>>
            %dma_start3A_102 = tpu.memref_squeeze %dma_start3A_101 : memref<1x!tpu.dma_semaphore, #tpu.memory_space<semaphore_mem>> -> memref<!tpu.dma_semaphore, #tpu.memory_space<semaphore_mem>>
            %dma_start3A_103 = arith.constant 0 : i32
            %dma_start3A_104 = arith.constant 0 : i32
            %dma_start3A_105 = tpu.memref_slice %arg5[%rem3A_35, %dma_start3A_103, %dma_start3A_104] : memref<2x64x128xf32, #tpu.memory_space<vmem>> -> memref<1x64x128xf32, #tpu.memory_space<vmem>>
            %dma_start3A_106 = tpu.memref_squeeze %dma_start3A_105 : memref<1x64x128xf32, #tpu.memory_space<vmem>> -> memref<64x128xf32, #tpu.memory_space<vmem>>
            %dma_start3A_107 = arith.constant 0 : i32
            %dma_start3A_108 = tpu.memref_slice %arg2[%dma_start3A_107, %mul3A_95] : memref<64x1000000xf32, #tpu.memory_space<hbm>> -> memref<64x128xf32, #tpu.memory_space<hbm>>
            tpu.enqueue_dma source(%dma_start3A_108 : memref<64x128xf32, #tpu.memory_space<hbm>>) target(%dma_start3A_106 : memref<64x128xf32, #tpu.memory_space<vmem>>) target_semaphore(%dma_start3A_102 : memref<!tpu.dma_semaphore, #tpu.memory_space<semaphore_mem>>)
          } else {
          }
          %eq3A_89 = arith.constant 7812 : i32
          %eq3A_90 = arith.cmpi eq, %add3A_83, %eq3A_89 : i32
          %convert_element_type3A_91 = arith.extui %eq3A_90 : i1 to i32
          %cond3A_92 = arith.constant 0 : i32
          %cond3A_93 = arith.cmpi ne, %convert_element_type3A_91, %cond3A_92 : i32
          scf.if %cond3A_93 {
            %dma_start3A = arith.constant 0 : i32
            %dma_start3A_94 = arith.constant 0 : i32
            %dma_start3A_95 = tpu.memref_slice %arg5[%rem3A_35, %dma_start3A, %dma_start3A_94] : memref<2x64x128xf32, #tpu.memory_space<vmem>> -> memref<1x64x128xf32, #tpu.memory_space<vmem>>
            %dma_start3A_96 = tpu.memref_squeeze %dma_start3A_95 : memref<1x64x128xf32, #tpu.memory_space<vmem>> -> memref<64x128xf32, #tpu.memory_space<vmem>>
            %dma_start3A_97 = tpu.memref_slice %arg7[%rem3A_35] : memref<2x!tpu.dma_semaphore, #tpu.memory_space<semaphore_mem>> -> memref<1x!tpu.dma_semaphore, #tpu.memory_space<semaphore_mem>>
            %dma_start3A_98 = tpu.memref_squeeze %dma_start3A_97 : memref<1x!tpu.dma_semaphore, #tpu.memory_space<semaphore_mem>> -> memref<!tpu.dma_semaphore, #tpu.memory_space<semaphore_mem>>
            %dma_start3A_99 = arith.constant 0 : i32
            %dma_start3A_100 = arith.constant 0 : i32
            %dma_start3A_101 = tpu.memref_slice %arg5[%rem3A_35, %dma_start3A_99, %dma_start3A_100] : memref<2x64x128xf32, #tpu.memory_space<vmem>> -> memref<1x64x128xf32, #tpu.memory_space<vmem>>
            %dma_start3A_102 = tpu.memref_squeeze %dma_start3A_101 : memref<1x64x128xf32, #tpu.memory_space<vmem>> -> memref<64x128xf32, #tpu.memory_space<vmem>>
            tpu.enqueue_dma source(%arg3 : memref<64x128xf32, #tpu.memory_space<hbm>>) target(%dma_start3A_102 : memref<64x128xf32, #tpu.memory_space<vmem>>) target_semaphore(%dma_start3A_98 : memref<!tpu.dma_semaphore, #tpu.memory_space<semaphore_mem>>)
          } else {
          }
        } else {
        }
        %dma_wait3A = arith.constant 0 : i32
        %dma_wait3A_40 = arith.constant 0 : i32
        %dma_wait3A_41 = tpu.memref_slice %arg5[%rem3A_35, %dma_wait3A, %dma_wait3A_40] : memref<2x64x128xf32, #tpu.memory_space<vmem>> -> memref<1x64x128xf32, #tpu.memory_space<vmem>>
        %dma_wait3A_42 = tpu.memref_squeeze %dma_wait3A_41 : memref<1x64x128xf32, #tpu.memory_space<vmem>> -> memref<64x128xf32, #tpu.memory_space<vmem>>
        %dma_wait3A_43 = arith.constant 0 : i32
        %dma_wait3A_44 = arith.constant 0 : i32
        %dma_wait3A_45 = tpu.memref_slice %arg2[%dma_wait3A_43, %dma_wait3A_44] : memref<64x1000000xf32, #tpu.memory_space<hbm>> -> memref<64x128xf32, #tpu.memory_space<hbm>>
        %dma_wait3A_46 = tpu.memref_slice %arg7[%rem3A_35] : memref<2x!tpu.dma_semaphore, #tpu.memory_space<semaphore_mem>> -> memref<1x!tpu.dma_semaphore, #tpu.memory_space<semaphore_mem>>
        %dma_wait3A_47 = tpu.memref_squeeze %dma_wait3A_46 : memref<1x!tpu.dma_semaphore, #tpu.memory_space<semaphore_mem>> -> memref<!tpu.dma_semaphore, #tpu.memory_space<semaphore_mem>>
        %dma_wait3A_48 = arith.constant 0 : i32
        %dma_wait3A_49 = arith.constant 0 : i32
        %dma_wait3A_50 = tpu.memref_slice %arg5[%rem3A_35, %dma_wait3A_48, %dma_wait3A_49] : memref<2x64x128xf32, #tpu.memory_space<vmem>> -> memref<1x64x128xf32, #tpu.memory_space<vmem>>
        %dma_wait3A_51 = tpu.memref_squeeze %dma_wait3A_50 : memref<1x64x128xf32, #tpu.memory_space<vmem>> -> memref<64x128xf32, #tpu.memory_space<vmem>>
        %dma_wait3A_52 = arith.constant 0 : i32
        %dma_wait3A_53 = arith.constant 0 : i32
        %dma_wait3A_54 = tpu.memref_slice %arg2[%dma_wait3A_52, %dma_wait3A_53] : memref<64x1000000xf32, #tpu.memory_space<hbm>> -> memref<64x128xf32, #tpu.memory_space<hbm>>
        tpu.wait_dma2 semaphore(%dma_wait3A_47 : memref<!tpu.dma_semaphore, #tpu.memory_space<semaphore_mem>>) src(%dma_wait3A_54 : memref<64x128xf32, #tpu.memory_space<hbm>>) dst(%dma_wait3A_51 : memref<64x128xf32, #tpu.memory_space<vmem>>)
        %add3A_55 = arith.constant 1 : i32
        %add3A_56 = arith.addi %add3A_28, %add3A_55 : i32
        %mul3A_57 = arith.constant 32 : i32
        %mul3A_58 = arith.muli %add3A_56, %mul3A_57 : i32
        %add3A_59 = arith.addi %add3A, %mul3A_58 : i32
        %lt3A_60 = arith.constant 7813 : i32
        %lt3A_61 = arith.cmpi slt, %add3A_59, %lt3A_60 : i32
        %convert_element_type3A_62 = arith.extui %lt3A_61 : i1 to i32
        %cond3A_63 = arith.constant 0 : i32
        %cond3A_64 = arith.cmpi ne, %convert_element_type3A_62, %cond3A_63 : i32
        scf.if %cond3A_64 {
          %add3A_81 = arith.constant 1 : i32
          %add3A_82 = arith.addi %add3A_28, %add3A_81 : i32
          %sub3A = arith.constant 1 : i32
          %sub3A_83 = arith.subi %sub3A, %rem3A_35 : i32
          %mul3A_84 = arith.constant 32 : i32
          %mul3A_85 = arith.muli %add3A_82, %mul3A_84 : i32
          %add3A_86 = arith.addi %add3A, %mul3A_85 : i32
          %lt3A_87 = arith.constant 7812 : i32
          %lt3A_88 = arith.cmpi slt, %add3A_86, %lt3A_87 : i32
          %convert_element_type3A_89 = arith.extui %lt3A_88 : i1 to i32
          %cond3A_90 = arith.constant 0 : i32
          %cond3A_91 = arith.cmpi ne, %convert_element_type3A_89, %cond3A_90 : i32
          scf.if %cond3A_91 {
            %mul3A_97 = arith.constant 128 : i32
            %mul3A_98 = arith.muli %add3A_86, %mul3A_97 : i32
            %dma_start3A = arith.constant 0 : i32
            %dma_start3A_99 = arith.constant 0 : i32
            %dma_start3A_100 = tpu.memref_slice %arg5[%sub3A_83, %dma_start3A, %dma_start3A_99] : memref<2x64x128xf32, #tpu.memory_space<vmem>> -> memref<1x64x128xf32, #tpu.memory_space<vmem>>
            %dma_start3A_101 = tpu.memref_squeeze %dma_start3A_100 : memref<1x64x128xf32, #tpu.memory_space<vmem>> -> memref<64x128xf32, #tpu.memory_space<vmem>>
            %dma_start3A_102 = arith.constant 0 : i32
            %dma_start3A_103 = tpu.memref_slice %arg2[%dma_start3A_102, %mul3A_98] : memref<64x1000000xf32, #tpu.memory_space<hbm>> -> memref<64x128xf32, #tpu.memory_space<hbm>>
            %dma_start3A_104 = tpu.memref_slice %arg7[%sub3A_83] : memref<2x!tpu.dma_semaphore, #tpu.memory_space<semaphore_mem>> -> memref<1x!tpu.dma_semaphore, #tpu.memory_space<semaphore_mem>>
            %dma_start3A_105 = tpu.memref_squeeze %dma_start3A_104 : memref<1x!tpu.dma_semaphore, #tpu.memory_space<semaphore_mem>> -> memref<!tpu.dma_semaphore, #tpu.memory_space<semaphore_mem>>
            %dma_start3A_106 = arith.constant 0 : i32
            %dma_start3A_107 = arith.constant 0 : i32
            %dma_start3A_108 = tpu.memref_slice %arg5[%sub3A_83, %dma_start3A_106, %dma_start3A_107] : memref<2x64x128xf32, #tpu.memory_space<vmem>> -> memref<1x64x128xf32, #tpu.memory_space<vmem>>
            %dma_start3A_109 = tpu.memref_squeeze %dma_start3A_108 : memref<1x64x128xf32, #tpu.memory_space<vmem>> -> memref<64x128xf32, #tpu.memory_space<vmem>>
            %dma_start3A_110 = arith.constant 0 : i32
            %dma_start3A_111 = tpu.memref_slice %arg2[%dma_start3A_110, %mul3A_98] : memref<64x1000000xf32, #tpu.memory_space<hbm>> -> memref<64x128xf32, #tpu.memory_space<hbm>>
            tpu.enqueue_dma source(%dma_start3A_111 : memref<64x128xf32, #tpu.memory_space<hbm>>) target(%dma_start3A_109 : memref<64x128xf32, #tpu.memory_space<vmem>>) target_semaphore(%dma_start3A_105 : memref<!tpu.dma_semaphore, #tpu.memory_space<semaphore_mem>>)
          } else {
          }
          %eq3A_92 = arith.constant 7812 : i32
          %eq3A_93 = arith.cmpi eq, %add3A_86, %eq3A_92 : i32
          %convert_element_type3A_94 = arith.extui %eq3A_93 : i1 to i32
          %cond3A_95 = arith.constant 0 : i32
          %cond3A_96 = arith.cmpi ne, %convert_element_type3A_94, %cond3A_95 : i32
          scf.if %cond3A_96 {
            %dma_start3A = arith.constant 0 : i32
            %dma_start3A_97 = arith.constant 0 : i32
            %dma_start3A_98 = tpu.memref_slice %arg5[%sub3A_83, %dma_start3A, %dma_start3A_97] : memref<2x64x128xf32, #tpu.memory_space<vmem>> -> memref<1x64x128xf32, #tpu.memory_space<vmem>>
            %dma_start3A_99 = tpu.memref_squeeze %dma_start3A_98 : memref<1x64x128xf32, #tpu.memory_space<vmem>> -> memref<64x128xf32, #tpu.memory_space<vmem>>
            %dma_start3A_100 = tpu.memref_slice %arg7[%sub3A_83] : memref<2x!tpu.dma_semaphore, #tpu.memory_space<semaphore_mem>> -> memref<1x!tpu.dma_semaphore, #tpu.memory_space<semaphore_mem>>
            %dma_start3A_101 = tpu.memref_squeeze %dma_start3A_100 : memref<1x!tpu.dma_semaphore, #tpu.memory_space<semaphore_mem>> -> memref<!tpu.dma_semaphore, #tpu.memory_space<semaphore_mem>>
            %dma_start3A_102 = arith.constant 0 : i32
            %dma_start3A_103 = arith.constant 0 : i32
            %dma_start3A_104 = tpu.memref_slice %arg5[%sub3A_83, %dma_start3A_102, %dma_start3A_103] : memref<2x64x128xf32, #tpu.memory_space<vmem>> -> memref<1x64x128xf32, #tpu.memory_space<vmem>>
            %dma_start3A_105 = tpu.memref_squeeze %dma_start3A_104 : memref<1x64x128xf32, #tpu.memory_space<vmem>> -> memref<64x128xf32, #tpu.memory_space<vmem>>
            tpu.enqueue_dma source(%arg3 : memref<64x128xf32, #tpu.memory_space<hbm>>) target(%dma_start3A_105 : memref<64x128xf32, #tpu.memory_space<vmem>>) target_semaphore(%dma_start3A_101 : memref<!tpu.dma_semaphore, #tpu.memory_space<semaphore_mem>>)
          } else {
          }
        } else {
        }
        %ge3A = arith.constant 2 : i32
        %ge3A_65 = arith.cmpi sge, %add3A_28, %ge3A : i32
        %convert_element_type3A_66 = arith.extui %ge3A_65 : i1 to i32
        %cond3A_67 = arith.constant 0 : i32
        %cond3A_68 = arith.cmpi ne, %convert_element_type3A_66, %cond3A_67 : i32
        scf.if %cond3A_68 {
          %sub3A = arith.constant 2 : i32
          %sub3A_81 = arith.subi %add3A_28, %sub3A : i32
          %mul3A_82 = arith.constant 32 : i32
          %mul3A_83 = arith.muli %sub3A_81, %mul3A_82 : i32
          %add3A_84 = arith.addi %add3A, %mul3A_83 : i32
          %lt3A_85 = arith.constant 7812 : i32
          %lt3A_86 = arith.cmpi slt, %add3A_84, %lt3A_85 : i32
          %convert_element_type3A_87 = arith.extui %lt3A_86 : i1 to i32
          %cond3A_88 = arith.constant 0 : i32
          %cond3A_89 = arith.cmpi ne, %convert_element_type3A_87, %cond3A_88 : i32
          scf.if %cond3A_89 {
            %dma_wait3A_95 = arith.constant 0 : i32
            %dma_wait3A_96 = arith.constant 0 : i32
            %dma_wait3A_97 = tpu.memref_slice %arg6[%rem3A_35, %dma_wait3A_95, %dma_wait3A_96] : memref<2x64x128xf32, #tpu.memory_space<vmem>> -> memref<1x64x128xf32, #tpu.memory_space<vmem>>
            %dma_wait3A_98 = tpu.memref_squeeze %dma_wait3A_97 : memref<1x64x128xf32, #tpu.memory_space<vmem>> -> memref<64x128xf32, #tpu.memory_space<vmem>>
            %dma_wait3A_99 = arith.constant 0 : i32
            %dma_wait3A_100 = arith.constant 0 : i32
            %dma_wait3A_101 = tpu.memref_slice %arg4[%dma_wait3A_99, %dma_wait3A_100] : memref<500000x128xf32, #tpu.memory_space<hbm>> -> memref<64x128xf32, #tpu.memory_space<hbm>>
            %dma_wait3A_102 = tpu.memref_slice %arg8[%rem3A_35] : memref<2x!tpu.dma_semaphore, #tpu.memory_space<semaphore_mem>> -> memref<1x!tpu.dma_semaphore, #tpu.memory_space<semaphore_mem>>
            %dma_wait3A_103 = tpu.memref_squeeze %dma_wait3A_102 : memref<1x!tpu.dma_semaphore, #tpu.memory_space<semaphore_mem>> -> memref<!tpu.dma_semaphore, #tpu.memory_space<semaphore_mem>>
            %dma_wait3A_104 = arith.constant 0 : i32
            %dma_wait3A_105 = arith.constant 0 : i32
            %dma_wait3A_106 = tpu.memref_slice %arg4[%dma_wait3A_104, %dma_wait3A_105] : memref<500000x128xf32, #tpu.memory_space<hbm>> -> memref<64x128xf32, #tpu.memory_space<hbm>>
            %dma_wait3A_107 = arith.constant 0 : i32
            %dma_wait3A_108 = arith.constant 0 : i32
            %dma_wait3A_109 = tpu.memref_slice %arg6[%rem3A_35, %dma_wait3A_107, %dma_wait3A_108] : memref<2x64x128xf32, #tpu.memory_space<vmem>> -> memref<1x64x128xf32, #tpu.memory_space<vmem>>
            %dma_wait3A_110 = tpu.memref_squeeze %dma_wait3A_109 : memref<1x64x128xf32, #tpu.memory_space<vmem>> -> memref<64x128xf32, #tpu.memory_space<vmem>>
            tpu.wait_dma2 semaphore(%dma_wait3A_103 : memref<!tpu.dma_semaphore, #tpu.memory_space<semaphore_mem>>) src(%dma_wait3A_110 : memref<64x128xf32, #tpu.memory_space<vmem>>) dst(%dma_wait3A_106 : memref<64x128xf32, #tpu.memory_space<hbm>>)
          } else {
          }
          %eq3A_90 = arith.constant 7812 : i32
          %eq3A_91 = arith.cmpi eq, %add3A_84, %eq3A_90 : i32
          %convert_element_type3A_92 = arith.extui %eq3A_91 : i1 to i32
          %cond3A_93 = arith.constant 0 : i32
          %cond3A_94 = arith.cmpi ne, %convert_element_type3A_92, %cond3A_93 : i32
          scf.if %cond3A_94 {
            %dma_wait3A_95 = arith.constant 0 : i32
            %dma_wait3A_96 = arith.constant 0 : i32
            %dma_wait3A_97 = tpu.memref_slice %arg6[%rem3A_35, %dma_wait3A_95, %dma_wait3A_96] : memref<2x64x128xf32, #tpu.memory_space<vmem>> -> memref<1x32x128xf32, #tpu.memory_space<vmem>>
            %dma_wait3A_98 = tpu.memref_squeeze %dma_wait3A_97 : memref<1x32x128xf32, #tpu.memory_space<vmem>> -> memref<32x128xf32, #tpu.memory_space<vmem>>
            %dma_wait3A_99 = arith.constant 0 : i32
            %dma_wait3A_100 = arith.constant 0 : i32
            %dma_wait3A_101 = tpu.memref_slice %arg4[%dma_wait3A_99, %dma_wait3A_100] : memref<500000x128xf32, #tpu.memory_space<hbm>> -> memref<32x128xf32, #tpu.memory_space<hbm>>
            %dma_wait3A_102 = tpu.memref_slice %arg8[%rem3A_35] : memref<2x!tpu.dma_semaphore, #tpu.memory_space<semaphore_mem>> -> memref<1x!tpu.dma_semaphore, #tpu.memory_space<semaphore_mem>>
            %dma_wait3A_103 = tpu.memref_squeeze %dma_wait3A_102 : memref<1x!tpu.dma_semaphore, #tpu.memory_space<semaphore_mem>> -> memref<!tpu.dma_semaphore, #tpu.memory_space<semaphore_mem>>
            %dma_wait3A_104 = arith.constant 0 : i32
            %dma_wait3A_105 = arith.constant 0 : i32
            %dma_wait3A_106 = tpu.memref_slice %arg4[%dma_wait3A_104, %dma_wait3A_105] : memref<500000x128xf32, #tpu.memory_space<hbm>> -> memref<32x128xf32, #tpu.memory_space<hbm>>
            %dma_wait3A_107 = arith.constant 0 : i32
            %dma_wait3A_108 = arith.constant 0 : i32
            %dma_wait3A_109 = tpu.memref_slice %arg6[%rem3A_35, %dma_wait3A_107, %dma_wait3A_108] : memref<2x64x128xf32, #tpu.memory_space<vmem>> -> memref<1x32x128xf32, #tpu.memory_space<vmem>>
            %dma_wait3A_110 = tpu.memref_squeeze %dma_wait3A_109 : memref<1x32x128xf32, #tpu.memory_space<vmem>> -> memref<32x128xf32, #tpu.memory_space<vmem>>
            tpu.wait_dma2 semaphore(%dma_wait3A_103 : memref<!tpu.dma_semaphore, #tpu.memory_space<semaphore_mem>>) src(%dma_wait3A_110 : memref<32x128xf32, #tpu.memory_space<vmem>>) dst(%dma_wait3A_106 : memref<32x128xf32, #tpu.memory_space<hbm>>)
          } else {
          }
        } else {
        }
        %parallel_loop3A = arith.constant 0 : i32
        %parallel_loop3A_69 = arith.constant 16 : i32
        %parallel_loop3A_70 = arith.constant 1 : i32
        scf.for %parallel_loop3A_81 = %parallel_loop3A to %parallel_loop3A_69 step %parallel_loop3A_70  : i32 {
          %parallel_loop3A_82 = vector.broadcast %parallel_loop3A_81 : i32 to vector<16xi32>
          %parallel_loop3A_83 = arith.addi %iota3A, %parallel_loop3A_82 : vector<16xi32>
          %parallel_loop3A_84 = arith.constant 16 : i32
          %parallel_loop3A_85 = vector.broadcast %parallel_loop3A_84 : i32 to vector<16xi32>
          %parallel_loop3A_86 = arith.remsi %parallel_loop3A_83, %parallel_loop3A_85 : vector<16xi32>
          %parallel_loop3A_87 = arith.constant 2 : i32
          %parallel_loop3A_88 = vector.broadcast %parallel_loop3A_87 : i32 to vector<16xi32>
          %parallel_loop3A_89 = arith.divsi %parallel_loop3A_86, %parallel_loop3A_88 : vector<16xi32>
          %parallel_loop3A_90 = arith.constant 0 : i32
          %parallel_loop3A_91 = vector.broadcast %parallel_loop3A_90 : i32 to vector<16xi32>
          %parallel_loop3A_92 = arith.cmpi sgt, %parallel_loop3A_86, %parallel_loop3A_91 : vector<16xi32>
          %parallel_loop3A_93 = arith.extui %parallel_loop3A_92 : vector<16xi1> to vector<16xi32>
          %parallel_loop3A_94 = arith.constant 0 : i32
          %parallel_loop3A_95 = vector.broadcast %parallel_loop3A_94 : i32 to vector<16xi32>
          %parallel_loop3A_96 = arith.cmpi slt, %parallel_loop3A_86, %parallel_loop3A_95 : vector<16xi32>
          %parallel_loop3A_97 = arith.extui %parallel_loop3A_96 : vector<16xi1> to vector<16xi32>
          %parallel_loop3A_98 = arith.subi %parallel_loop3A_93, %parallel_loop3A_97 : vector<16xi32>
          %parallel_loop3A_99 = arith.constant 0 : i32
          %parallel_loop3A_100 = arith.cmpi sgt, %parallel_loop3A_87, %parallel_loop3A_99 : i32
          %parallel_loop3A_101 = arith.extui %parallel_loop3A_100 : i1 to i32
          %parallel_loop3A_102 = arith.constant 0 : i32
          %parallel_loop3A_103 = arith.cmpi slt, %parallel_loop3A_87, %parallel_loop3A_102 : i32
          %parallel_loop3A_104 = arith.extui %parallel_loop3A_103 : i1 to i32
          %parallel_loop3A_105 = arith.subi %parallel_loop3A_101, %parallel_loop3A_104 : i32
          %parallel_loop3A_106 = vector.broadcast %parallel_loop3A_105 : i32 to vector<16xi32>
          %parallel_loop3A_107 = arith.cmpi ne, %parallel_loop3A_98, %parallel_loop3A_106 : vector<16xi32>
          %parallel_loop3A_108 = vector.broadcast %parallel_loop3A_87 : i32 to vector<16xi32>
          %parallel_loop3A_109 = arith.remsi %parallel_loop3A_86, %parallel_loop3A_108 : vector<16xi32>
          %parallel_loop3A_110 = arith.constant 0 : i32
          %parallel_loop3A_111 = vector.broadcast %parallel_loop3A_110 : i32 to vector<16xi32>
          %parallel_loop3A_112 = arith.cmpi ne, %parallel_loop3A_109, %parallel_loop3A_111 : vector<16xi32>
          %parallel_loop3A_113 = arith.andi %parallel_loop3A_107, %parallel_loop3A_112 : vector<16xi1>
          %parallel_loop3A_114 = arith.constant 1 : i32
          %parallel_loop3A_115 = vector.broadcast %parallel_loop3A_114 : i32 to vector<16xi32>
          %parallel_loop3A_116 = arith.subi %parallel_loop3A_89, %parallel_loop3A_115 : vector<16xi32>
          %parallel_loop3A_117 = arith.select %parallel_loop3A_113, %parallel_loop3A_116, %parallel_loop3A_89 : vector<16xi1>, vector<16xi32>
          %parallel_loop3A_118 = arith.constant 2 : i32
          %parallel_loop3A_119 = vector.broadcast %parallel_loop3A_118 : i32 to vector<16xi32>
          %parallel_loop3A_120 = arith.remsi %parallel_loop3A_86, %parallel_loop3A_119 : vector<16xi32>
          %parallel_loop3A_121 = arith.constant 64 : i32
          %parallel_loop3A_122 = vector.broadcast %parallel_loop3A_121 : i32 to vector<16xi32>
          %parallel_loop3A_123 = arith.muli %parallel_loop3A_120, %parallel_loop3A_122 : vector<16xi32>
          %parallel_loop3A_124 = arith.addi %parallel_loop3A_123, %add3A_3 : vector<16xi32>
          %parallel_loop3A_125 = arith.constant 2 : i32
          %parallel_loop3A_126 = vector.broadcast %parallel_loop3A_125 : i32 to vector<16xi32>
          %parallel_loop3A_127 = arith.remsi %parallel_loop3A_86, %parallel_loop3A_126 : vector<16xi32>
          %parallel_loop3A_128 = arith.constant 64 : i32
          %parallel_loop3A_129 = vector.broadcast %parallel_loop3A_128 : i32 to vector<16xi32>
          %parallel_loop3A_130 = arith.muli %parallel_loop3A_127, %parallel_loop3A_129 : vector<16xi32>
          %parallel_loop3A_131 = arith.addi %parallel_loop3A_130, %add3A_6 : vector<16xi32>
          %parallel_loop3A_132 = arith.constant 2 : i32
          %parallel_loop3A_133 = vector.broadcast %parallel_loop3A_132 : i32 to vector<16xi32>
          %parallel_loop3A_134 = arith.remsi %parallel_loop3A_86, %parallel_loop3A_133 : vector<16xi32>
          %parallel_loop3A_135 = arith.constant 64 : i32
          %parallel_loop3A_136 = vector.broadcast %parallel_loop3A_135 : i32 to vector<16xi32>
          %parallel_loop3A_137 = arith.muli %parallel_loop3A_134, %parallel_loop3A_136 : vector<16xi32>
          %parallel_loop3A_138 = arith.addi %parallel_loop3A_137, %add3A_9 : vector<16xi32>
          %parallel_loop3A_139 = arith.constant 2 : i32
          %parallel_loop3A_140 = vector.broadcast %parallel_loop3A_139 : i32 to vector<16xi32>
          %parallel_loop3A_141 = arith.remsi %parallel_loop3A_86, %parallel_loop3A_140 : vector<16xi32>
          %parallel_loop3A_142 = arith.constant 64 : i32
          %parallel_loop3A_143 = vector.broadcast %parallel_loop3A_142 : i32 to vector<16xi32>
          %parallel_loop3A_144 = arith.muli %parallel_loop3A_141, %parallel_loop3A_143 : vector<16xi32>
          %parallel_loop3A_145 = arith.addi %parallel_loop3A_144, %add3A_12 : vector<16xi32>
          %parallel_loop3A_146 = arith.constant 0 : i32
          %parallel_loop3A_147 = vector.broadcast %parallel_loop3A_146 : i32 to vector<16xi32>
          %parallel_loop3A_148 = arith.addi %parallel_loop3A_147, %parallel_loop3A_86 : vector<16xi32>
          %parallel_loop3A_149 = arith.constant 16 : i32
          %parallel_loop3A_150 = vector.broadcast %parallel_loop3A_149 : i32 to vector<16xi32>
          %parallel_loop3A_151 = arith.addi %parallel_loop3A_150, %parallel_loop3A_86 : vector<16xi32>
          %parallel_loop3A_152 = arith.constant 32 : i32
          %parallel_loop3A_153 = vector.broadcast %parallel_loop3A_152 : i32 to vector<16xi32>
          %parallel_loop3A_154 = arith.addi %parallel_loop3A_153, %parallel_loop3A_86 : vector<16xi32>
          %parallel_loop3A_155 = arith.constant 48 : i32
          %parallel_loop3A_156 = vector.broadcast %parallel_loop3A_155 : i32 to vector<16xi32>
          %parallel_loop3A_157 = arith.addi %parallel_loop3A_156, %parallel_loop3A_86 : vector<16xi32>
          %parallel_loop3A_158 = arith.constant 64 : i32
          %parallel_loop3A_159 = vector.broadcast %parallel_loop3A_158 : i32 to vector<16xi32>
          %parallel_loop3A_160 = arith.addi %parallel_loop3A_159, %parallel_loop3A_86 : vector<16xi32>
          %parallel_loop3A_161 = arith.constant 80 : i32
          %parallel_loop3A_162 = vector.broadcast %parallel_loop3A_161 : i32 to vector<16xi32>
          %parallel_loop3A_163 = arith.addi %parallel_loop3A_162, %parallel_loop3A_86 : vector<16xi32>
          %parallel_loop3A_164 = arith.constant 96 : i32
          %parallel_loop3A_165 = vector.broadcast %parallel_loop3A_164 : i32 to vector<16xi32>
          %parallel_loop3A_166 = arith.addi %parallel_loop3A_165, %parallel_loop3A_86 : vector<16xi32>
          %parallel_loop3A_167 = arith.constant 112 : i32
          %parallel_loop3A_168 = vector.broadcast %parallel_loop3A_167 : i32 to vector<16xi32>
          %parallel_loop3A_169 = arith.addi %parallel_loop3A_168, %parallel_loop3A_86 : vector<16xi32>
          %parallel_loop3A_170 = arith.constant 0 : i32
          %parallel_loop3A_171 = vector.broadcast %parallel_loop3A_170 : i32 to vector<16xi32>
          %parallel_loop3A_172 = arith.addi %parallel_loop3A_171, %parallel_loop3A_117 : vector<16xi32>
          %parallel_loop3A_173 = arith.constant 8 : i32
          %parallel_loop3A_174 = vector.broadcast %parallel_loop3A_173 : i32 to vector<16xi32>
          %parallel_loop3A_175 = arith.addi %parallel_loop3A_174, %parallel_loop3A_117 : vector<16xi32>
          %parallel_loop3A_176 = arith.constant 16 : i32
          %parallel_loop3A_177 = vector.broadcast %parallel_loop3A_176 : i32 to vector<16xi32>
          %parallel_loop3A_178 = arith.addi %parallel_loop3A_177, %parallel_loop3A_117 : vector<16xi32>
          %parallel_loop3A_179 = arith.constant 24 : i32
          %parallel_loop3A_180 = vector.broadcast %parallel_loop3A_179 : i32 to vector<16xi32>
          %parallel_loop3A_181 = arith.addi %parallel_loop3A_180, %parallel_loop3A_117 : vector<16xi32>
          %parallel_loop3A_182 = arith.constant 32 : i32
          %parallel_loop3A_183 = vector.broadcast %parallel_loop3A_182 : i32 to vector<16xi32>
          %parallel_loop3A_184 = arith.addi %parallel_loop3A_183, %parallel_loop3A_117 : vector<16xi32>
          %parallel_loop3A_185 = arith.constant 40 : i32
          %parallel_loop3A_186 = vector.broadcast %parallel_loop3A_185 : i32 to vector<16xi32>
          %parallel_loop3A_187 = arith.addi %parallel_loop3A_186, %parallel_loop3A_117 : vector<16xi32>
          %parallel_loop3A_188 = arith.constant 48 : i32
          %parallel_loop3A_189 = vector.broadcast %parallel_loop3A_188 : i32 to vector<16xi32>
          %parallel_loop3A_190 = arith.addi %parallel_loop3A_189, %parallel_loop3A_117 : vector<16xi32>
          %parallel_loop3A_191 = arith.constant 56 : i32
          %parallel_loop3A_192 = vector.broadcast %parallel_loop3A_191 : i32 to vector<16xi32>
          %parallel_loop3A_193 = arith.addi %parallel_loop3A_192, %parallel_loop3A_117 : vector<16xi32>
          %parallel_loop3A_194 = arith.constant 0 : i32
          %parallel_loop3A_195 = arith.constant 0 : i32
          %parallel_loop3A_196 = tpu.memref_slice %arg5[%rem3A_35, %parallel_loop3A_194, %parallel_loop3A_195] : memref<2x64x128xf32, #tpu.memory_space<vmem>> -> memref<1x64x128xf32, #tpu.memory_space<vmem>>
          %parallel_loop3A_197 = tpu.memref_squeeze %parallel_loop3A_196 : memref<1x64x128xf32, #tpu.memory_space<vmem>> -> memref<64x128xf32, #tpu.memory_space<vmem>>
          %parallel_loop3A_198 = tpu.vector_load_idx %parallel_loop3A_197[%add3A_3, %parallel_loop3A_148] : memref<64x128xf32, #tpu.memory_space<vmem>>[vector<16xi32>, vector<16xi32>], vector<16xf32>,
          %parallel_loop3A_199 = arith.constant 0 : i32
          %parallel_loop3A_200 = arith.constant 0 : i32
          %parallel_loop3A_201 = tpu.memref_slice %arg6[%rem3A_35, %parallel_loop3A_199, %parallel_loop3A_200] : memref<2x64x128xf32, #tpu.memory_space<vmem>> -> memref<1x64x128xf32, #tpu.memory_space<vmem>>
          %parallel_loop3A_202 = tpu.memref_squeeze %parallel_loop3A_201 : memref<1x64x128xf32, #tpu.memory_space<vmem>> -> memref<64x128xf32, #tpu.memory_space<vmem>>
          tpu.vector_store_idx %parallel_loop3A_202[%parallel_loop3A_172, %parallel_loop3A_124], %parallel_loop3A_198 : memref<64x128xf32, #tpu.memory_space<vmem>>[vector<16xi32>, vector<16xi32>], vector<16xf32>,
          %parallel_loop3A_203 = arith.constant 0 : i32
          %parallel_loop3A_204 = arith.constant 0 : i32
          %parallel_loop3A_205 = tpu.memref_slice %arg5[%rem3A_35, %parallel_loop3A_203, %parallel_loop3A_204] : memref<2x64x128xf32, #tpu.memory_space<vmem>> -> memref<1x64x128xf32, #tpu.memory_space<vmem>>
          %parallel_loop3A_206 = tpu.memref_squeeze %parallel_loop3A_205 : memref<1x64x128xf32, #tpu.memory_space<vmem>> -> memref<64x128xf32, #tpu.memory_space<vmem>>
          %parallel_loop3A_207 = tpu.vector_load_idx %parallel_loop3A_206[%add3A_3, %parallel_loop3A_151] : memref<64x128xf32, #tpu.memory_space<vmem>>[vector<16xi32>, vector<16xi32>], vector<16xf32>,
          %parallel_loop3A_208 = arith.constant 0 : i32
          %parallel_loop3A_209 = arith.constant 0 : i32
          %parallel_loop3A_210 = tpu.memref_slice %arg6[%rem3A_35, %parallel_loop3A_208, %parallel_loop3A_209] : memref<2x64x128xf32, #tpu.memory_space<vmem>> -> memref<1x64x128xf32, #tpu.memory_space<vmem>>
          %parallel_loop3A_211 = tpu.memref_squeeze %parallel_loop3A_210 : memref<1x64x128xf32, #tpu.memory_space<vmem>> -> memref<64x128xf32, #tpu.memory_space<vmem>>
          tpu.vector_store_idx %parallel_loop3A_211[%parallel_loop3A_175, %parallel_loop3A_124], %parallel_loop3A_207 : memref<64x128xf32, #tpu.memory_space<vmem>>[vector<16xi32>, vector<16xi32>], vector<16xf32>,
          %parallel_loop3A_212 = arith.constant 0 : i32
          %parallel_loop3A_213 = arith.constant 0 : i32
          %parallel_loop3A_214 = tpu.memref_slice %arg5[%rem3A_35, %parallel_loop3A_212, %parallel_loop3A_213] : memref<2x64x128xf32, #tpu.memory_space<vmem>> -> memref<1x64x128xf32, #tpu.memory_space<vmem>>
          %parallel_loop3A_215 = tpu.memref_squeeze %parallel_loop3A_214 : memref<1x64x128xf32, #tpu.memory_space<vmem>> -> memref<64x128xf32, #tpu.memory_space<vmem>>
          %parallel_loop3A_216 = tpu.vector_load_idx %parallel_loop3A_215[%add3A_3, %parallel_loop3A_154] : memref<64x128xf32, #tpu.memory_space<vmem>>[vector<16xi32>, vector<16xi32>], vector<16xf32>,
          %parallel_loop3A_217 = arith.constant 0 : i32
          %parallel_loop3A_218 = arith.constant 0 : i32
          %parallel_loop3A_219 = tpu.memref_slice %arg6[%rem3A_35, %parallel_loop3A_217, %parallel_loop3A_218] : memref<2x64x128xf32, #tpu.memory_space<vmem>> -> memref<1x64x128xf32, #tpu.memory_space<vmem>>
          %parallel_loop3A_220 = tpu.memref_squeeze %parallel_loop3A_219 : memref<1x64x128xf32, #tpu.memory_space<vmem>> -> memref<64x128xf32, #tpu.memory_space<vmem>>
          tpu.vector_store_idx %parallel_loop3A_220[%parallel_loop3A_178, %parallel_loop3A_124], %parallel_loop3A_216 : memref<64x128xf32, #tpu.memory_space<vmem>>[vector<16xi32>, vector<16xi32>], vector<16xf32>,
          %parallel_loop3A_221 = arith.constant 0 : i32
          %parallel_loop3A_222 = arith.constant 0 : i32
          %parallel_loop3A_223 = tpu.memref_slice %arg5[%rem3A_35, %parallel_loop3A_221, %parallel_loop3A_222] : memref<2x64x128xf32, #tpu.memory_space<vmem>> -> memref<1x64x128xf32, #tpu.memory_space<vmem>>
          %parallel_loop3A_224 = tpu.memref_squeeze %parallel_loop3A_223 : memref<1x64x128xf32, #tpu.memory_space<vmem>> -> memref<64x128xf32, #tpu.memory_space<vmem>>
          %parallel_loop3A_225 = tpu.vector_load_idx %parallel_loop3A_224[%add3A_3, %parallel_loop3A_157] : memref<64x128xf32, #tpu.memory_space<vmem>>[vector<16xi32>, vector<16xi32>], vector<16xf32>,
          %parallel_loop3A_226 = arith.constant 0 : i32
          %parallel_loop3A_227 = arith.constant 0 : i32
          %parallel_loop3A_228 = tpu.memref_slice %arg6[%rem3A_35, %parallel_loop3A_226, %parallel_loop3A_227] : memref<2x64x128xf32, #tpu.memory_space<vmem>> -> memref<1x64x128xf32, #tpu.memory_space<vmem>>
          %parallel_loop3A_229 = tpu.memref_squeeze %parallel_loop3A_228 : memref<1x64x128xf32, #tpu.memory_space<vmem>> -> memref<64x128xf32, #tpu.memory_space<vmem>>
          tpu.vector_store_idx %parallel_loop3A_229[%parallel_loop3A_181, %parallel_loop3A_124], %parallel_loop3A_225 : memref<64x128xf32, #tpu.memory_space<vmem>>[vector<16xi32>, vector<16xi32>], vector<16xf32>,
          %parallel_loop3A_230 = arith.constant 0 : i32
          %parallel_loop3A_231 = arith.constant 0 : i32
          %parallel_loop3A_232 = tpu.memref_slice %arg5[%rem3A_35, %parallel_loop3A_230, %parallel_loop3A_231] : memref<2x64x128xf32, #tpu.memory_space<vmem>> -> memref<1x64x128xf32, #tpu.memory_space<vmem>>
          %parallel_loop3A_233 = tpu.memref_squeeze %parallel_loop3A_232 : memref<1x64x128xf32, #tpu.memory_space<vmem>> -> memref<64x128xf32, #tpu.memory_space<vmem>>
          %parallel_loop3A_234 = tpu.vector_load_idx %parallel_loop3A_233[%add3A_3, %parallel_loop3A_160] : memref<64x128xf32, #tpu.memory_space<vmem>>[vector<16xi32>, vector<16xi32>], vector<16xf32>,
          %parallel_loop3A_235 = arith.constant 0 : i32
          %parallel_loop3A_236 = arith.constant 0 : i32
          %parallel_loop3A_237 = tpu.memref_slice %arg6[%rem3A_35, %parallel_loop3A_235, %parallel_loop3A_236] : memref<2x64x128xf32, #tpu.memory_space<vmem>> -> memref<1x64x128xf32, #tpu.memory_space<vmem>>
          %parallel_loop3A_238 = tpu.memref_squeeze %parallel_loop3A_237 : memref<1x64x128xf32, #tpu.memory_space<vmem>> -> memref<64x128xf32, #tpu.memory_space<vmem>>
          tpu.vector_store_idx %parallel_loop3A_238[%parallel_loop3A_184, %parallel_loop3A_124], %parallel_loop3A_234 : memref<64x128xf32, #tpu.memory_space<vmem>>[vector<16xi32>, vector<16xi32>], vector<16xf32>,
          %parallel_loop3A_239 = arith.constant 0 : i32
          %parallel_loop3A_240 = arith.constant 0 : i32
          %parallel_loop3A_241 = tpu.memref_slice %arg5[%rem3A_35, %parallel_loop3A_239, %parallel_loop3A_240] : memref<2x64x128xf32, #tpu.memory_space<vmem>> -> memref<1x64x128xf32, #tpu.memory_space<vmem>>
          %parallel_loop3A_242 = tpu.memref_squeeze %parallel_loop3A_241 : memref<1x64x128xf32, #tpu.memory_space<vmem>> -> memref<64x128xf32, #tpu.memory_space<vmem>>
          %parallel_loop3A_243 = tpu.vector_load_idx %parallel_loop3A_242[%add3A_3, %parallel_loop3A_163] : memref<64x128xf32, #tpu.memory_space<vmem>>[vector<16xi32>, vector<16xi32>], vector<16xf32>,
          %parallel_loop3A_244 = arith.constant 0 : i32
          %parallel_loop3A_245 = arith.constant 0 : i32
          %parallel_loop3A_246 = tpu.memref_slice %arg6[%rem3A_35, %parallel_loop3A_244, %parallel_loop3A_245] : memref<2x64x128xf32, #tpu.memory_space<vmem>> -> memref<1x64x128xf32, #tpu.memory_space<vmem>>
          %parallel_loop3A_247 = tpu.memref_squeeze %parallel_loop3A_246 : memref<1x64x128xf32, #tpu.memory_space<vmem>> -> memref<64x128xf32, #tpu.memory_space<vmem>>
          tpu.vector_store_idx %parallel_loop3A_247[%parallel_loop3A_187, %parallel_loop3A_124], %parallel_loop3A_243 : memref<64x128xf32, #tpu.memory_space<vmem>>[vector<16xi32>, vector<16xi32>], vector<16xf32>,
          %parallel_loop3A_248 = arith.constant 0 : i32
          %parallel_loop3A_249 = arith.constant 0 : i32
          %parallel_loop3A_250 = tpu.memref_slice %arg5[%rem3A_35, %parallel_loop3A_248, %parallel_loop3A_249] : memref<2x64x128xf32, #tpu.memory_space<vmem>> -> memref<1x64x128xf32, #tpu.memory_space<vmem>>
          %parallel_loop3A_251 = tpu.memref_squeeze %parallel_loop3A_250 : memref<1x64x128xf32, #tpu.memory_space<vmem>> -> memref<64x128xf32, #tpu.memory_space<vmem>>
          %parallel_loop3A_252 = tpu.vector_load_idx %parallel_loop3A_251[%add3A_3, %parallel_loop3A_166] : memref<64x128xf32, #tpu.memory_space<vmem>>[vector<16xi32>, vector<16xi32>], vector<16xf32>,
          %parallel_loop3A_253 = arith.constant 0 : i32
          %parallel_loop3A_254 = arith.constant 0 : i32
          %parallel_loop3A_255 = tpu.memref_slice %arg6[%rem3A_35, %parallel_loop3A_253, %parallel_loop3A_254] : memref<2x64x128xf32, #tpu.memory_space<vmem>> -> memref<1x64x128xf32, #tpu.memory_space<vmem>>
          %parallel_loop3A_256 = tpu.memref_squeeze %parallel_loop3A_255 : memref<1x64x128xf32, #tpu.memory_space<vmem>> -> memref<64x128xf32, #tpu.memory_space<vmem>>
          tpu.vector_store_idx %parallel_loop3A_256[%parallel_loop3A_190, %parallel_loop3A_124], %parallel_loop3A_252 : memref<64x128xf32, #tpu.memory_space<vmem>>[vector<16xi32>, vector<16xi32>], vector<16xf32>,
          %parallel_loop3A_257 = arith.constant 0 : i32
          %parallel_loop3A_258 = arith.constant 0 : i32
          %parallel_loop3A_259 = tpu.memref_slice %arg5[%rem3A_35, %parallel_loop3A_257, %parallel_loop3A_258] : memref<2x64x128xf32, #tpu.memory_space<vmem>> -> memref<1x64x128xf32, #tpu.memory_space<vmem>>
          %parallel_loop3A_260 = tpu.memref_squeeze %parallel_loop3A_259 : memref<1x64x128xf32, #tpu.memory_space<vmem>> -> memref<64x128xf32, #tpu.memory_space<vmem>>
          %parallel_loop3A_261 = tpu.vector_load_idx %parallel_loop3A_260[%add3A_3, %parallel_loop3A_169] : memref<64x128xf32, #tpu.memory_space<vmem>>[vector<16xi32>, vector<16xi32>], vector<16xf32>,
          %parallel_loop3A_262 = arith.constant 0 : i32
          %parallel_loop3A_263 = arith.constant 0 : i32
          %parallel_loop3A_264 = tpu.memref_slice %arg6[%rem3A_35, %parallel_loop3A_262, %parallel_loop3A_263] : memref<2x64x128xf32, #tpu.memory_space<vmem>> -> memref<1x64x128xf32, #tpu.memory_space<vmem>>
          %parallel_loop3A_265 = tpu.memref_squeeze %parallel_loop3A_264 : memref<1x64x128xf32, #tpu.memory_space<vmem>> -> memref<64x128xf32, #tpu.memory_space<vmem>>
          tpu.vector_store_idx %parallel_loop3A_265[%parallel_loop3A_193, %parallel_loop3A_124], %parallel_loop3A_261 : memref<64x128xf32, #tpu.memory_space<vmem>>[vector<16xi32>, vector<16xi32>], vector<16xf32>,
          %parallel_loop3A_266 = arith.constant 0 : i32
          %parallel_loop3A_267 = arith.constant 0 : i32
          %parallel_loop3A_268 = tpu.memref_slice %arg5[%rem3A_35, %parallel_loop3A_266, %parallel_loop3A_267] : memref<2x64x128xf32, #tpu.memory_space<vmem>> -> memref<1x64x128xf32, #tpu.memory_space<vmem>>
          %parallel_loop3A_269 = tpu.memref_squeeze %parallel_loop3A_268 : memref<1x64x128xf32, #tpu.memory_space<vmem>> -> memref<64x128xf32, #tpu.memory_space<vmem>>
          %parallel_loop3A_270 = tpu.vector_load_idx %parallel_loop3A_269[%add3A_6, %parallel_loop3A_148] : memref<64x128xf32, #tpu.memory_space<vmem>>[vector<16xi32>, vector<16xi32>], vector<16xf32>,
          %parallel_loop3A_271 = arith.constant 0 : i32
          %parallel_loop3A_272 = arith.constant 0 : i32
          %parallel_loop3A_273 = tpu.memref_slice %arg6[%rem3A_35, %parallel_loop3A_271, %parallel_loop3A_272] : memref<2x64x128xf32, #tpu.memory_space<vmem>> -> memref<1x64x128xf32, #tpu.memory_space<vmem>>
          %parallel_loop3A_274 = tpu.memref_squeeze %parallel_loop3A_273 : memref<1x64x128xf32, #tpu.memory_space<vmem>> -> memref<64x128xf32, #tpu.memory_space<vmem>>
          tpu.vector_store_idx %parallel_loop3A_274[%parallel_loop3A_172, %parallel_loop3A_131], %parallel_loop3A_270 : memref<64x128xf32, #tpu.memory_space<vmem>>[vector<16xi32>, vector<16xi32>], vector<16xf32>,
          %parallel_loop3A_275 = arith.constant 0 : i32
          %parallel_loop3A_276 = arith.constant 0 : i32
          %parallel_loop3A_277 = tpu.memref_slice %arg5[%rem3A_35, %parallel_loop3A_275, %parallel_loop3A_276] : memref<2x64x128xf32, #tpu.memory_space<vmem>> -> memref<1x64x128xf32, #tpu.memory_space<vmem>>
          %parallel_loop3A_278 = tpu.memref_squeeze %parallel_loop3A_277 : memref<1x64x128xf32, #tpu.memory_space<vmem>> -> memref<64x128xf32, #tpu.memory_space<vmem>>
          %parallel_loop3A_279 = tpu.vector_load_idx %parallel_loop3A_278[%add3A_6, %parallel_loop3A_151] : memref<64x128xf32, #tpu.memory_space<vmem>>[vector<16xi32>, vector<16xi32>], vector<16xf32>,
          %parallel_loop3A_280 = arith.constant 0 : i32
          %parallel_loop3A_281 = arith.constant 0 : i32
          %parallel_loop3A_282 = tpu.memref_slice %arg6[%rem3A_35, %parallel_loop3A_280, %parallel_loop3A_281] : memref<2x64x128xf32, #tpu.memory_space<vmem>> -> memref<1x64x128xf32, #tpu.memory_space<vmem>>
          %parallel_loop3A_283 = tpu.memref_squeeze %parallel_loop3A_282 : memref<1x64x128xf32, #tpu.memory_space<vmem>> -> memref<64x128xf32, #tpu.memory_space<vmem>>
          tpu.vector_store_idx %parallel_loop3A_283[%parallel_loop3A_175, %parallel_loop3A_131], %parallel_loop3A_279 : memref<64x128xf32, #tpu.memory_space<vmem>>[vector<16xi32>, vector<16xi32>], vector<16xf32>,
          %parallel_loop3A_284 = arith.constant 0 : i32
          %parallel_loop3A_285 = arith.constant 0 : i32
          %parallel_loop3A_286 = tpu.memref_slice %arg5[%rem3A_35, %parallel_loop3A_284, %parallel_loop3A_285] : memref<2x64x128xf32, #tpu.memory_space<vmem>> -> memref<1x64x128xf32, #tpu.memory_space<vmem>>
          %parallel_loop3A_287 = tpu.memref_squeeze %parallel_loop3A_286 : memref<1x64x128xf32, #tpu.memory_space<vmem>> -> memref<64x128xf32, #tpu.memory_space<vmem>>
          %parallel_loop3A_288 = tpu.vector_load_idx %parallel_loop3A_287[%add3A_6, %parallel_loop3A_154] : memref<64x128xf32, #tpu.memory_space<vmem>>[vector<16xi32>, vector<16xi32>], vector<16xf32>,
          %parallel_loop3A_289 = arith.constant 0 : i32
          %parallel_loop3A_290 = arith.constant 0 : i32
          %parallel_loop3A_291 = tpu.memref_slice %arg6[%rem3A_35, %parallel_loop3A_289, %parallel_loop3A_290] : memref<2x64x128xf32, #tpu.memory_space<vmem>> -> memref<1x64x128xf32, #tpu.memory_space<vmem>>
          %parallel_loop3A_292 = tpu.memref_squeeze %parallel_loop3A_291 : memref<1x64x128xf32, #tpu.memory_space<vmem>> -> memref<64x128xf32, #tpu.memory_space<vmem>>
          tpu.vector_store_idx %parallel_loop3A_292[%parallel_loop3A_178, %parallel_loop3A_131], %parallel_loop3A_288 : memref<64x128xf32, #tpu.memory_space<vmem>>[vector<16xi32>, vector<16xi32>], vector<16xf32>,
          %parallel_loop3A_293 = arith.constant 0 : i32
          %parallel_loop3A_294 = arith.constant 0 : i32
          %parallel_loop3A_295 = tpu.memref_slice %arg5[%rem3A_35, %parallel_loop3A_293, %parallel_loop3A_294] : memref<2x64x128xf32, #tpu.memory_space<vmem>> -> memref<1x64x128xf32, #tpu.memory_space<vmem>>
          %parallel_loop3A_296 = tpu.memref_squeeze %parallel_loop3A_295 : memref<1x64x128xf32, #tpu.memory_space<vmem>> -> memref<64x128xf32, #tpu.memory_space<vmem>>
          %parallel_loop3A_297 = tpu.vector_load_idx %parallel_loop3A_296[%add3A_6, %parallel_loop3A_157] : memref<64x128xf32, #tpu.memory_space<vmem>>[vector<16xi32>, vector<16xi32>], vector<16xf32>,
          %parallel_loop3A_298 = arith.constant 0 : i32
          %parallel_loop3A_299 = arith.constant 0 : i32
          %parallel_loop3A_300 = tpu.memref_slice %arg6[%rem3A_35, %parallel_loop3A_298, %parallel_loop3A_299] : memref<2x64x128xf32, #tpu.memory_space<vmem>> -> memref<1x64x128xf32, #tpu.memory_space<vmem>>
          %parallel_loop3A_301 = tpu.memref_squeeze %parallel_loop3A_300 : memref<1x64x128xf32, #tpu.memory_space<vmem>> -> memref<64x128xf32, #tpu.memory_space<vmem>>
          tpu.vector_store_idx %parallel_loop3A_301[%parallel_loop3A_181, %parallel_loop3A_131], %parallel_loop3A_297 : memref<64x128xf32, #tpu.memory_space<vmem>>[vector<16xi32>, vector<16xi32>], vector<16xf32>,
          %parallel_loop3A_302 = arith.constant 0 : i32
          %parallel_loop3A_303 = arith.constant 0 : i32
          %parallel_loop3A_304 = tpu.memref_slice %arg5[%rem3A_35, %parallel_loop3A_302, %parallel_loop3A_303] : memref<2x64x128xf32, #tpu.memory_space<vmem>> -> memref<1x64x128xf32, #tpu.memory_space<vmem>>
          %parallel_loop3A_305 = tpu.memref_squeeze %parallel_loop3A_304 : memref<1x64x128xf32, #tpu.memory_space<vmem>> -> memref<64x128xf32, #tpu.memory_space<vmem>>
          %parallel_loop3A_306 = tpu.vector_load_idx %parallel_loop3A_305[%add3A_6, %parallel_loop3A_160] : memref<64x128xf32, #tpu.memory_space<vmem>>[vector<16xi32>, vector<16xi32>], vector<16xf32>,
          %parallel_loop3A_307 = arith.constant 0 : i32
          %parallel_loop3A_308 = arith.constant 0 : i32
          %parallel_loop3A_309 = tpu.memref_slice %arg6[%rem3A_35, %parallel_loop3A_307, %parallel_loop3A_308] : memref<2x64x128xf32, #tpu.memory_space<vmem>> -> memref<1x64x128xf32, #tpu.memory_space<vmem>>
          %parallel_loop3A_310 = tpu.memref_squeeze %parallel_loop3A_309 : memref<1x64x128xf32, #tpu.memory_space<vmem>> -> memref<64x128xf32, #tpu.memory_space<vmem>>
          tpu.vector_store_idx %parallel_loop3A_310[%parallel_loop3A_184, %parallel_loop3A_131], %parallel_loop3A_306 : memref<64x128xf32, #tpu.memory_space<vmem>>[vector<16xi32>, vector<16xi32>], vector<16xf32>,
          %parallel_loop3A_311 = arith.constant 0 : i32
          %parallel_loop3A_312 = arith.constant 0 : i32
          %parallel_loop3A_313 = tpu.memref_slice %arg5[%rem3A_35, %parallel_loop3A_311, %parallel_loop3A_312] : memref<2x64x128xf32, #tpu.memory_space<vmem>> -> memref<1x64x128xf32, #tpu.memory_space<vmem>>
          %parallel_loop3A_314 = tpu.memref_squeeze %parallel_loop3A_313 : memref<1x64x128xf32, #tpu.memory_space<vmem>> -> memref<64x128xf32, #tpu.memory_space<vmem>>
          %parallel_loop3A_315 = tpu.vector_load_idx %parallel_loop3A_314[%add3A_6, %parallel_loop3A_163] : memref<64x128xf32, #tpu.memory_space<vmem>>[vector<16xi32>, vector<16xi32>], vector<16xf32>,
          %parallel_loop3A_316 = arith.constant 0 : i32
          %parallel_loop3A_317 = arith.constant 0 : i32
          %parallel_loop3A_318 = tpu.memref_slice %arg6[%rem3A_35, %parallel_loop3A_316, %parallel_loop3A_317] : memref<2x64x128xf32, #tpu.memory_space<vmem>> -> memref<1x64x128xf32, #tpu.memory_space<vmem>>
          %parallel_loop3A_319 = tpu.memref_squeeze %parallel_loop3A_318 : memref<1x64x128xf32, #tpu.memory_space<vmem>> -> memref<64x128xf32, #tpu.memory_space<vmem>>
          tpu.vector_store_idx %parallel_loop3A_319[%parallel_loop3A_187, %parallel_loop3A_131], %parallel_loop3A_315 : memref<64x128xf32, #tpu.memory_space<vmem>>[vector<16xi32>, vector<16xi32>], vector<16xf32>,
          %parallel_loop3A_320 = arith.constant 0 : i32
          %parallel_loop3A_321 = arith.constant 0 : i32
          %parallel_loop3A_322 = tpu.memref_slice %arg5[%rem3A_35, %parallel_loop3A_320, %parallel_loop3A_321] : memref<2x64x128xf32, #tpu.memory_space<vmem>> -> memref<1x64x128xf32, #tpu.memory_space<vmem>>
          %parallel_loop3A_323 = tpu.memref_squeeze %parallel_loop3A_322 : memref<1x64x128xf32, #tpu.memory_space<vmem>> -> memref<64x128xf32, #tpu.memory_space<vmem>>
          %parallel_loop3A_324 = tpu.vector_load_idx %parallel_loop3A_323[%add3A_6, %parallel_loop3A_166] : memref<64x128xf32, #tpu.memory_space<vmem>>[vector<16xi32>, vector<16xi32>], vector<16xf32>,
          %parallel_loop3A_325 = arith.constant 0 : i32
          %parallel_loop3A_326 = arith.constant 0 : i32
          %parallel_loop3A_327 = tpu.memref_slice %arg6[%rem3A_35, %parallel_loop3A_325, %parallel_loop3A_326] : memref<2x64x128xf32, #tpu.memory_space<vmem>> -> memref<1x64x128xf32, #tpu.memory_space<vmem>>
          %parallel_loop3A_328 = tpu.memref_squeeze %parallel_loop3A_327 : memref<1x64x128xf32, #tpu.memory_space<vmem>> -> memref<64x128xf32, #tpu.memory_space<vmem>>
          tpu.vector_store_idx %parallel_loop3A_328[%parallel_loop3A_190, %parallel_loop3A_131], %parallel_loop3A_324 : memref<64x128xf32, #tpu.memory_space<vmem>>[vector<16xi32>, vector<16xi32>], vector<16xf32>,
          %parallel_loop3A_329 = arith.constant 0 : i32
          %parallel_loop3A_330 = arith.constant 0 : i32
          %parallel_loop3A_331 = tpu.memref_slice %arg5[%rem3A_35, %parallel_loop3A_329, %parallel_loop3A_330] : memref<2x64x128xf32, #tpu.memory_space<vmem>> -> memref<1x64x128xf32, #tpu.memory_space<vmem>>
          %parallel_loop3A_332 = tpu.memref_squeeze %parallel_loop3A_331 : memref<1x64x128xf32, #tpu.memory_space<vmem>> -> memref<64x128xf32, #tpu.memory_space<vmem>>
          %parallel_loop3A_333 = tpu.vector_load_idx %parallel_loop3A_332[%add3A_6, %parallel_loop3A_169] : memref<64x128xf32, #tpu.memory_space<vmem>>[vector<16xi32>, vector<16xi32>], vector<16xf32>,
          %parallel_loop3A_334 = arith.constant 0 : i32
          %parallel_loop3A_335 = arith.constant 0 : i32
          %parallel_loop3A_336 = tpu.memref_slice %arg6[%rem3A_35, %parallel_loop3A_334, %parallel_loop3A_335] : memref<2x64x128xf32, #tpu.memory_space<vmem>> -> memref<1x64x128xf32, #tpu.memory_space<vmem>>
          %parallel_loop3A_337 = tpu.memref_squeeze %parallel_loop3A_336 : memref<1x64x128xf32, #tpu.memory_space<vmem>> -> memref<64x128xf32, #tpu.memory_space<vmem>>
          tpu.vector_store_idx %parallel_loop3A_337[%parallel_loop3A_193, %parallel_loop3A_131], %parallel_loop3A_333 : memref<64x128xf32, #tpu.memory_space<vmem>>[vector<16xi32>, vector<16xi32>], vector<16xf32>,
          %parallel_loop3A_338 = arith.constant 0 : i32
          %parallel_loop3A_339 = arith.constant 0 : i32
          %parallel_loop3A_340 = tpu.memref_slice %arg5[%rem3A_35, %parallel_loop3A_338, %parallel_loop3A_339] : memref<2x64x128xf32, #tpu.memory_space<vmem>> -> memref<1x64x128xf32, #tpu.memory_space<vmem>>
          %parallel_loop3A_341 = tpu.memref_squeeze %parallel_loop3A_340 : memref<1x64x128xf32, #tpu.memory_space<vmem>> -> memref<64x128xf32, #tpu.memory_space<vmem>>
          %parallel_loop3A_342 = tpu.vector_load_idx %parallel_loop3A_341[%add3A_9, %parallel_loop3A_148] : memref<64x128xf32, #tpu.memory_space<vmem>>[vector<16xi32>, vector<16xi32>], vector<16xf32>,
          %parallel_loop3A_343 = arith.constant 0 : i32
          %parallel_loop3A_344 = arith.constant 0 : i32
          %parallel_loop3A_345 = tpu.memref_slice %arg6[%rem3A_35, %parallel_loop3A_343, %parallel_loop3A_344] : memref<2x64x128xf32, #tpu.memory_space<vmem>> -> memref<1x64x128xf32, #tpu.memory_space<vmem>>
          %parallel_loop3A_346 = tpu.memref_squeeze %parallel_loop3A_345 : memref<1x64x128xf32, #tpu.memory_space<vmem>> -> memref<64x128xf32, #tpu.memory_space<vmem>>
          tpu.vector_store_idx %parallel_loop3A_346[%parallel_loop3A_172, %parallel_loop3A_138], %parallel_loop3A_342 : memref<64x128xf32, #tpu.memory_space<vmem>>[vector<16xi32>, vector<16xi32>], vector<16xf32>,
          %parallel_loop3A_347 = arith.constant 0 : i32
          %parallel_loop3A_348 = arith.constant 0 : i32
          %parallel_loop3A_349 = tpu.memref_slice %arg5[%rem3A_35, %parallel_loop3A_347, %parallel_loop3A_348] : memref<2x64x128xf32, #tpu.memory_space<vmem>> -> memref<1x64x128xf32, #tpu.memory_space<vmem>>
          %parallel_loop3A_350 = tpu.memref_squeeze %parallel_loop3A_349 : memref<1x64x128xf32, #tpu.memory_space<vmem>> -> memref<64x128xf32, #tpu.memory_space<vmem>>
          %parallel_loop3A_351 = tpu.vector_load_idx %parallel_loop3A_350[%add3A_9, %parallel_loop3A_151] : memref<64x128xf32, #tpu.memory_space<vmem>>[vector<16xi32>, vector<16xi32>], vector<16xf32>,
          %parallel_loop3A_352 = arith.constant 0 : i32
          %parallel_loop3A_353 = arith.constant 0 : i32
          %parallel_loop3A_354 = tpu.memref_slice %arg6[%rem3A_35, %parallel_loop3A_352, %parallel_loop3A_353] : memref<2x64x128xf32, #tpu.memory_space<vmem>> -> memref<1x64x128xf32, #tpu.memory_space<vmem>>
          %parallel_loop3A_355 = tpu.memref_squeeze %parallel_loop3A_354 : memref<1x64x128xf32, #tpu.memory_space<vmem>> -> memref<64x128xf32, #tpu.memory_space<vmem>>
          tpu.vector_store_idx %parallel_loop3A_355[%parallel_loop3A_175, %parallel_loop3A_138], %parallel_loop3A_351 : memref<64x128xf32, #tpu.memory_space<vmem>>[vector<16xi32>, vector<16xi32>], vector<16xf32>,
          %parallel_loop3A_356 = arith.constant 0 : i32
          %parallel_loop3A_357 = arith.constant 0 : i32
          %parallel_loop3A_358 = tpu.memref_slice %arg5[%rem3A_35, %parallel_loop3A_356, %parallel_loop3A_357] : memref<2x64x128xf32, #tpu.memory_space<vmem>> -> memref<1x64x128xf32, #tpu.memory_space<vmem>>
          %parallel_loop3A_359 = tpu.memref_squeeze %parallel_loop3A_358 : memref<1x64x128xf32, #tpu.memory_space<vmem>> -> memref<64x128xf32, #tpu.memory_space<vmem>>
          %parallel_loop3A_360 = tpu.vector_load_idx %parallel_loop3A_359[%add3A_9, %parallel_loop3A_154] : memref<64x128xf32, #tpu.memory_space<vmem>>[vector<16xi32>, vector<16xi32>], vector<16xf32>,
          %parallel_loop3A_361 = arith.constant 0 : i32
          %parallel_loop3A_362 = arith.constant 0 : i32
          %parallel_loop3A_363 = tpu.memref_slice %arg6[%rem3A_35, %parallel_loop3A_361, %parallel_loop3A_362] : memref<2x64x128xf32, #tpu.memory_space<vmem>> -> memref<1x64x128xf32, #tpu.memory_space<vmem>>
          %parallel_loop3A_364 = tpu.memref_squeeze %parallel_loop3A_363 : memref<1x64x128xf32, #tpu.memory_space<vmem>> -> memref<64x128xf32, #tpu.memory_space<vmem>>
          tpu.vector_store_idx %parallel_loop3A_364[%parallel_loop3A_178, %parallel_loop3A_138], %parallel_loop3A_360 : memref<64x128xf32, #tpu.memory_space<vmem>>[vector<16xi32>, vector<16xi32>], vector<16xf32>,
          %parallel_loop3A_365 = arith.constant 0 : i32
          %parallel_loop3A_366 = arith.constant 0 : i32
          %parallel_loop3A_367 = tpu.memref_slice %arg5[%rem3A_35, %parallel_loop3A_365, %parallel_loop3A_366] : memref<2x64x128xf32, #tpu.memory_space<vmem>> -> memref<1x64x128xf32, #tpu.memory_space<vmem>>
          %parallel_loop3A_368 = tpu.memref_squeeze %parallel_loop3A_367 : memref<1x64x128xf32, #tpu.memory_space<vmem>> -> memref<64x128xf32, #tpu.memory_space<vmem>>
          %parallel_loop3A_369 = tpu.vector_load_idx %parallel_loop3A_368[%add3A_9, %parallel_loop3A_157] : memref<64x128xf32, #tpu.memory_space<vmem>>[vector<16xi32>, vector<16xi32>], vector<16xf32>,
          %parallel_loop3A_370 = arith.constant 0 : i32
          %parallel_loop3A_371 = arith.constant 0 : i32
          %parallel_loop3A_372 = tpu.memref_slice %arg6[%rem3A_35, %parallel_loop3A_370, %parallel_loop3A_371] : memref<2x64x128xf32, #tpu.memory_space<vmem>> -> memref<1x64x128xf32, #tpu.memory_space<vmem>>
          %parallel_loop3A_373 = tpu.memref_squeeze %parallel_loop3A_372 : memref<1x64x128xf32, #tpu.memory_space<vmem>> -> memref<64x128xf32, #tpu.memory_space<vmem>>
          tpu.vector_store_idx %parallel_loop3A_373[%parallel_loop3A_181, %parallel_loop3A_138], %parallel_loop3A_369 : memref<64x128xf32, #tpu.memory_space<vmem>>[vector<16xi32>, vector<16xi32>], vector<16xf32>,
          %parallel_loop3A_374 = arith.constant 0 : i32
          %parallel_loop3A_375 = arith.constant 0 : i32
          %parallel_loop3A_376 = tpu.memref_slice %arg5[%rem3A_35, %parallel_loop3A_374, %parallel_loop3A_375] : memref<2x64x128xf32, #tpu.memory_space<vmem>> -> memref<1x64x128xf32, #tpu.memory_space<vmem>>
          %parallel_loop3A_377 = tpu.memref_squeeze %parallel_loop3A_376 : memref<1x64x128xf32, #tpu.memory_space<vmem>> -> memref<64x128xf32, #tpu.memory_space<vmem>>
          %parallel_loop3A_378 = tpu.vector_load_idx %parallel_loop3A_377[%add3A_9, %parallel_loop3A_160] : memref<64x128xf32, #tpu.memory_space<vmem>>[vector<16xi32>, vector<16xi32>], vector<16xf32>,
          %parallel_loop3A_379 = arith.constant 0 : i32
          %parallel_loop3A_380 = arith.constant 0 : i32
          %parallel_loop3A_381 = tpu.memref_slice %arg6[%rem3A_35, %parallel_loop3A_379, %parallel_loop3A_380] : memref<2x64x128xf32, #tpu.memory_space<vmem>> -> memref<1x64x128xf32, #tpu.memory_space<vmem>>
          %parallel_loop3A_382 = tpu.memref_squeeze %parallel_loop3A_381 : memref<1x64x128xf32, #tpu.memory_space<vmem>> -> memref<64x128xf32, #tpu.memory_space<vmem>>
          tpu.vector_store_idx %parallel_loop3A_382[%parallel_loop3A_184, %parallel_loop3A_138], %parallel_loop3A_378 : memref<64x128xf32, #tpu.memory_space<vmem>>[vector<16xi32>, vector<16xi32>], vector<16xf32>,
          %parallel_loop3A_383 = arith.constant 0 : i32
          %parallel_loop3A_384 = arith.constant 0 : i32
          %parallel_loop3A_385 = tpu.memref_slice %arg5[%rem3A_35, %parallel_loop3A_383, %parallel_loop3A_384] : memref<2x64x128xf32, #tpu.memory_space<vmem>> -> memref<1x64x128xf32, #tpu.memory_space<vmem>>
          %parallel_loop3A_386 = tpu.memref_squeeze %parallel_loop3A_385 : memref<1x64x128xf32, #tpu.memory_space<vmem>> -> memref<64x128xf32, #tpu.memory_space<vmem>>
          %parallel_loop3A_387 = tpu.vector_load_idx %parallel_loop3A_386[%add3A_9, %parallel_loop3A_163] : memref<64x128xf32, #tpu.memory_space<vmem>>[vector<16xi32>, vector<16xi32>], vector<16xf32>,
          %parallel_loop3A_388 = arith.constant 0 : i32
          %parallel_loop3A_389 = arith.constant 0 : i32
          %parallel_loop3A_390 = tpu.memref_slice %arg6[%rem3A_35, %parallel_loop3A_388, %parallel_loop3A_389] : memref<2x64x128xf32, #tpu.memory_space<vmem>> -> memref<1x64x128xf32, #tpu.memory_space<vmem>>
          %parallel_loop3A_391 = tpu.memref_squeeze %parallel_loop3A_390 : memref<1x64x128xf32, #tpu.memory_space<vmem>> -> memref<64x128xf32, #tpu.memory_space<vmem>>
          tpu.vector_store_idx %parallel_loop3A_391[%parallel_loop3A_187, %parallel_loop3A_138], %parallel_loop3A_387 : memref<64x128xf32, #tpu.memory_space<vmem>>[vector<16xi32>, vector<16xi32>], vector<16xf32>,
          %parallel_loop3A_392 = arith.constant 0 : i32
          %parallel_loop3A_393 = arith.constant 0 : i32
          %parallel_loop3A_394 = tpu.memref_slice %arg5[%rem3A_35, %parallel_loop3A_392, %parallel_loop3A_393] : memref<2x64x128xf32, #tpu.memory_space<vmem>> -> memref<1x64x128xf32, #tpu.memory_space<vmem>>
          %parallel_loop3A_395 = tpu.memref_squeeze %parallel_loop3A_394 : memref<1x64x128xf32, #tpu.memory_space<vmem>> -> memref<64x128xf32, #tpu.memory_space<vmem>>
          %parallel_loop3A_396 = tpu.vector_load_idx %parallel_loop3A_395[%add3A_9, %parallel_loop3A_166] : memref<64x128xf32, #tpu.memory_space<vmem>>[vector<16xi32>, vector<16xi32>], vector<16xf32>,
          %parallel_loop3A_397 = arith.constant 0 : i32
          %parallel_loop3A_398 = arith.constant 0 : i32
          %parallel_loop3A_399 = tpu.memref_slice %arg6[%rem3A_35, %parallel_loop3A_397, %parallel_loop3A_398] : memref<2x64x128xf32, #tpu.memory_space<vmem>> -> memref<1x64x128xf32, #tpu.memory_space<vmem>>
          %parallel_loop3A_400 = tpu.memref_squeeze %parallel_loop3A_399 : memref<1x64x128xf32, #tpu.memory_space<vmem>> -> memref<64x128xf32, #tpu.memory_space<vmem>>
          tpu.vector_store_idx %parallel_loop3A_400[%parallel_loop3A_190, %parallel_loop3A_138], %parallel_loop3A_396 : memref<64x128xf32, #tpu.memory_space<vmem>>[vector<16xi32>, vector<16xi32>], vector<16xf32>,
          %parallel_loop3A_401 = arith.constant 0 : i32
          %parallel_loop3A_402 = arith.constant 0 : i32
          %parallel_loop3A_403 = tpu.memref_slice %arg5[%rem3A_35, %parallel_loop3A_401, %parallel_loop3A_402] : memref<2x64x128xf32, #tpu.memory_space<vmem>> -> memref<1x64x128xf32, #tpu.memory_space<vmem>>
          %parallel_loop3A_404 = tpu.memref_squeeze %parallel_loop3A_403 : memref<1x64x128xf32, #tpu.memory_space<vmem>> -> memref<64x128xf32, #tpu.memory_space<vmem>>
          %parallel_loop3A_405 = tpu.vector_load_idx %parallel_loop3A_404[%add3A_9, %parallel_loop3A_169] : memref<64x128xf32, #tpu.memory_space<vmem>>[vector<16xi32>, vector<16xi32>], vector<16xf32>,
          %parallel_loop3A_406 = arith.constant 0 : i32
          %parallel_loop3A_407 = arith.constant 0 : i32
          %parallel_loop3A_408 = tpu.memref_slice %arg6[%rem3A_35, %parallel_loop3A_406, %parallel_loop3A_407] : memref<2x64x128xf32, #tpu.memory_space<vmem>> -> memref<1x64x128xf32, #tpu.memory_space<vmem>>
          %parallel_loop3A_409 = tpu.memref_squeeze %parallel_loop3A_408 : memref<1x64x128xf32, #tpu.memory_space<vmem>> -> memref<64x128xf32, #tpu.memory_space<vmem>>
          tpu.vector_store_idx %parallel_loop3A_409[%parallel_loop3A_193, %parallel_loop3A_138], %parallel_loop3A_405 : memref<64x128xf32, #tpu.memory_space<vmem>>[vector<16xi32>, vector<16xi32>], vector<16xf32>,
          %parallel_loop3A_410 = arith.constant 0 : i32
          %parallel_loop3A_411 = arith.constant 0 : i32
          %parallel_loop3A_412 = tpu.memref_slice %arg5[%rem3A_35, %parallel_loop3A_410, %parallel_loop3A_411] : memref<2x64x128xf32, #tpu.memory_space<vmem>> -> memref<1x64x128xf32, #tpu.memory_space<vmem>>
          %parallel_loop3A_413 = tpu.memref_squeeze %parallel_loop3A_412 : memref<1x64x128xf32, #tpu.memory_space<vmem>> -> memref<64x128xf32, #tpu.memory_space<vmem>>
          %parallel_loop3A_414 = tpu.vector_load_idx %parallel_loop3A_413[%add3A_12, %parallel_loop3A_148] : memref<64x128xf32, #tpu.memory_space<vmem>>[vector<16xi32>, vector<16xi32>], vector<16xf32>,
          %parallel_loop3A_415 = arith.constant 0 : i32
          %parallel_loop3A_416 = arith.constant 0 : i32
          %parallel_loop3A_417 = tpu.memref_slice %arg6[%rem3A_35, %parallel_loop3A_415, %parallel_loop3A_416] : memref<2x64x128xf32, #tpu.memory_space<vmem>> -> memref<1x64x128xf32, #tpu.memory_space<vmem>>
          %parallel_loop3A_418 = tpu.memref_squeeze %parallel_loop3A_417 : memref<1x64x128xf32, #tpu.memory_space<vmem>> -> memref<64x128xf32, #tpu.memory_space<vmem>>
          tpu.vector_store_idx %parallel_loop3A_418[%parallel_loop3A_172, %parallel_loop3A_145], %parallel_loop3A_414 : memref<64x128xf32, #tpu.memory_space<vmem>>[vector<16xi32>, vector<16xi32>], vector<16xf32>,
          %parallel_loop3A_419 = arith.constant 0 : i32
          %parallel_loop3A_420 = arith.constant 0 : i32
          %parallel_loop3A_421 = tpu.memref_slice %arg5[%rem3A_35, %parallel_loop3A_419, %parallel_loop3A_420] : memref<2x64x128xf32, #tpu.memory_space<vmem>> -> memref<1x64x128xf32, #tpu.memory_space<vmem>>
          %parallel_loop3A_422 = tpu.memref_squeeze %parallel_loop3A_421 : memref<1x64x128xf32, #tpu.memory_space<vmem>> -> memref<64x128xf32, #tpu.memory_space<vmem>>
          %parallel_loop3A_423 = tpu.vector_load_idx %parallel_loop3A_422[%add3A_12, %parallel_loop3A_151] : memref<64x128xf32, #tpu.memory_space<vmem>>[vector<16xi32>, vector<16xi32>], vector<16xf32>,
          %parallel_loop3A_424 = arith.constant 0 : i32
          %parallel_loop3A_425 = arith.constant 0 : i32
          %parallel_loop3A_426 = tpu.memref_slice %arg6[%rem3A_35, %parallel_loop3A_424, %parallel_loop3A_425] : memref<2x64x128xf32, #tpu.memory_space<vmem>> -> memref<1x64x128xf32, #tpu.memory_space<vmem>>
          %parallel_loop3A_427 = tpu.memref_squeeze %parallel_loop3A_426 : memref<1x64x128xf32, #tpu.memory_space<vmem>> -> memref<64x128xf32, #tpu.memory_space<vmem>>
          tpu.vector_store_idx %parallel_loop3A_427[%parallel_loop3A_175, %parallel_loop3A_145], %parallel_loop3A_423 : memref<64x128xf32, #tpu.memory_space<vmem>>[vector<16xi32>, vector<16xi32>], vector<16xf32>,
          %parallel_loop3A_428 = arith.constant 0 : i32
          %parallel_loop3A_429 = arith.constant 0 : i32
          %parallel_loop3A_430 = tpu.memref_slice %arg5[%rem3A_35, %parallel_loop3A_428, %parallel_loop3A_429] : memref<2x64x128xf32, #tpu.memory_space<vmem>> -> memref<1x64x128xf32, #tpu.memory_space<vmem>>
          %parallel_loop3A_431 = tpu.memref_squeeze %parallel_loop3A_430 : memref<1x64x128xf32, #tpu.memory_space<vmem>> -> memref<64x128xf32, #tpu.memory_space<vmem>>
          %parallel_loop3A_432 = tpu.vector_load_idx %parallel_loop3A_431[%add3A_12, %parallel_loop3A_154] : memref<64x128xf32, #tpu.memory_space<vmem>>[vector<16xi32>, vector<16xi32>], vector<16xf32>,
          %parallel_loop3A_433 = arith.constant 0 : i32
          %parallel_loop3A_434 = arith.constant 0 : i32
          %parallel_loop3A_435 = tpu.memref_slice %arg6[%rem3A_35, %parallel_loop3A_433, %parallel_loop3A_434] : memref<2x64x128xf32, #tpu.memory_space<vmem>> -> memref<1x64x128xf32, #tpu.memory_space<vmem>>
          %parallel_loop3A_436 = tpu.memref_squeeze %parallel_loop3A_435 : memref<1x64x128xf32, #tpu.memory_space<vmem>> -> memref<64x128xf32, #tpu.memory_space<vmem>>
          tpu.vector_store_idx %parallel_loop3A_436[%parallel_loop3A_178, %parallel_loop3A_145], %parallel_loop3A_432 : memref<64x128xf32, #tpu.memory_space<vmem>>[vector<16xi32>, vector<16xi32>], vector<16xf32>,
          %parallel_loop3A_437 = arith.constant 0 : i32
          %parallel_loop3A_438 = arith.constant 0 : i32
          %parallel_loop3A_439 = tpu.memref_slice %arg5[%rem3A_35, %parallel_loop3A_437, %parallel_loop3A_438] : memref<2x64x128xf32, #tpu.memory_space<vmem>> -> memref<1x64x128xf32, #tpu.memory_space<vmem>>
          %parallel_loop3A_440 = tpu.memref_squeeze %parallel_loop3A_439 : memref<1x64x128xf32, #tpu.memory_space<vmem>> -> memref<64x128xf32, #tpu.memory_space<vmem>>
          %parallel_loop3A_441 = tpu.vector_load_idx %parallel_loop3A_440[%add3A_12, %parallel_loop3A_157] : memref<64x128xf32, #tpu.memory_space<vmem>>[vector<16xi32>, vector<16xi32>], vector<16xf32>,
          %parallel_loop3A_442 = arith.constant 0 : i32
          %parallel_loop3A_443 = arith.constant 0 : i32
          %parallel_loop3A_444 = tpu.memref_slice %arg6[%rem3A_35, %parallel_loop3A_442, %parallel_loop3A_443] : memref<2x64x128xf32, #tpu.memory_space<vmem>> -> memref<1x64x128xf32, #tpu.memory_space<vmem>>
          %parallel_loop3A_445 = tpu.memref_squeeze %parallel_loop3A_444 : memref<1x64x128xf32, #tpu.memory_space<vmem>> -> memref<64x128xf32, #tpu.memory_space<vmem>>
          tpu.vector_store_idx %parallel_loop3A_445[%parallel_loop3A_181, %parallel_loop3A_145], %parallel_loop3A_441 : memref<64x128xf32, #tpu.memory_space<vmem>>[vector<16xi32>, vector<16xi32>], vector<16xf32>,
          %parallel_loop3A_446 = arith.constant 0 : i32
          %parallel_loop3A_447 = arith.constant 0 : i32
          %parallel_loop3A_448 = tpu.memref_slice %arg5[%rem3A_35, %parallel_loop3A_446, %parallel_loop3A_447] : memref<2x64x128xf32, #tpu.memory_space<vmem>> -> memref<1x64x128xf32, #tpu.memory_space<vmem>>
          %parallel_loop3A_449 = tpu.memref_squeeze %parallel_loop3A_448 : memref<1x64x128xf32, #tpu.memory_space<vmem>> -> memref<64x128xf32, #tpu.memory_space<vmem>>
          %parallel_loop3A_450 = tpu.vector_load_idx %parallel_loop3A_449[%add3A_12, %parallel_loop3A_160] : memref<64x128xf32, #tpu.memory_space<vmem>>[vector<16xi32>, vector<16xi32>], vector<16xf32>,
          %parallel_loop3A_451 = arith.constant 0 : i32
          %parallel_loop3A_452 = arith.constant 0 : i32
          %parallel_loop3A_453 = tpu.memref_slice %arg6[%rem3A_35, %parallel_loop3A_451, %parallel_loop3A_452] : memref<2x64x128xf32, #tpu.memory_space<vmem>> -> memref<1x64x128xf32, #tpu.memory_space<vmem>>
          %parallel_loop3A_454 = tpu.memref_squeeze %parallel_loop3A_453 : memref<1x64x128xf32, #tpu.memory_space<vmem>> -> memref<64x128xf32, #tpu.memory_space<vmem>>
          tpu.vector_store_idx %parallel_loop3A_454[%parallel_loop3A_184, %parallel_loop3A_145], %parallel_loop3A_450 : memref<64x128xf32, #tpu.memory_space<vmem>>[vector<16xi32>, vector<16xi32>], vector<16xf32>,
          %parallel_loop3A_455 = arith.constant 0 : i32
          %parallel_loop3A_456 = arith.constant 0 : i32
          %parallel_loop3A_457 = tpu.memref_slice %arg5[%rem3A_35, %parallel_loop3A_455, %parallel_loop3A_456] : memref<2x64x128xf32, #tpu.memory_space<vmem>> -> memref<1x64x128xf32, #tpu.memory_space<vmem>>
          %parallel_loop3A_458 = tpu.memref_squeeze %parallel_loop3A_457 : memref<1x64x128xf32, #tpu.memory_space<vmem>> -> memref<64x128xf32, #tpu.memory_space<vmem>>
          %parallel_loop3A_459 = tpu.vector_load_idx %parallel_loop3A_458[%add3A_12, %parallel_loop3A_163] : memref<64x128xf32, #tpu.memory_space<vmem>>[vector<16xi32>, vector<16xi32>], vector<16xf32>,
          %parallel_loop3A_460 = arith.constant 0 : i32
          %parallel_loop3A_461 = arith.constant 0 : i32
          %parallel_loop3A_462 = tpu.memref_slice %arg6[%rem3A_35, %parallel_loop3A_460, %parallel_loop3A_461] : memref<2x64x128xf32, #tpu.memory_space<vmem>> -> memref<1x64x128xf32, #tpu.memory_space<vmem>>
          %parallel_loop3A_463 = tpu.memref_squeeze %parallel_loop3A_462 : memref<1x64x128xf32, #tpu.memory_space<vmem>> -> memref<64x128xf32, #tpu.memory_space<vmem>>
          tpu.vector_store_idx %parallel_loop3A_463[%parallel_loop3A_187, %parallel_loop3A_145], %parallel_loop3A_459 : memref<64x128xf32, #tpu.memory_space<vmem>>[vector<16xi32>, vector<16xi32>], vector<16xf32>,
          %parallel_loop3A_464 = arith.constant 0 : i32
          %parallel_loop3A_465 = arith.constant 0 : i32
          %parallel_loop3A_466 = tpu.memref_slice %arg5[%rem3A_35, %parallel_loop3A_464, %parallel_loop3A_465] : memref<2x64x128xf32, #tpu.memory_space<vmem>> -> memref<1x64x128xf32, #tpu.memory_space<vmem>>
          %parallel_loop3A_467 = tpu.memref_squeeze %parallel_loop3A_466 : memref<1x64x128xf32, #tpu.memory_space<vmem>> -> memref<64x128xf32, #tpu.memory_space<vmem>>
          %parallel_loop3A_468 = tpu.vector_load_idx %parallel_loop3A_467[%add3A_12, %parallel_loop3A_166] : memref<64x128xf32, #tpu.memory_space<vmem>>[vector<16xi32>, vector<16xi32>], vector<16xf32>,
          %parallel_loop3A_469 = arith.constant 0 : i32
          %parallel_loop3A_470 = arith.constant 0 : i32
          %parallel_loop3A_471 = tpu.memref_slice %arg6[%rem3A_35, %parallel_loop3A_469, %parallel_loop3A_470] : memref<2x64x128xf32, #tpu.memory_space<vmem>> -> memref<1x64x128xf32, #tpu.memory_space<vmem>>
          %parallel_loop3A_472 = tpu.memref_squeeze %parallel_loop3A_471 : memref<1x64x128xf32, #tpu.memory_space<vmem>> -> memref<64x128xf32, #tpu.memory_space<vmem>>
          tpu.vector_store_idx %parallel_loop3A_472[%parallel_loop3A_190, %parallel_loop3A_145], %parallel_loop3A_468 : memref<64x128xf32, #tpu.memory_space<vmem>>[vector<16xi32>, vector<16xi32>], vector<16xf32>,
          %parallel_loop3A_473 = arith.constant 0 : i32
          %parallel_loop3A_474 = arith.constant 0 : i32
          %parallel_loop3A_475 = tpu.memref_slice %arg5[%rem3A_35, %parallel_loop3A_473, %parallel_loop3A_474] : memref<2x64x128xf32, #tpu.memory_space<vmem>> -> memref<1x64x128xf32, #tpu.memory_space<vmem>>
          %parallel_loop3A_476 = tpu.memref_squeeze %parallel_loop3A_475 : memref<1x64x128xf32, #tpu.memory_space<vmem>> -> memref<64x128xf32, #tpu.memory_space<vmem>>
          %parallel_loop3A_477 = tpu.vector_load_idx %parallel_loop3A_476[%add3A_12, %parallel_loop3A_169] : memref<64x128xf32, #tpu.memory_space<vmem>>[vector<16xi32>, vector<16xi32>], vector<16xf32>,
          %parallel_loop3A_478 = arith.constant 0 : i32
          %parallel_loop3A_479 = arith.constant 0 : i32
          %parallel_loop3A_480 = tpu.memref_slice %arg6[%rem3A_35, %parallel_loop3A_478, %parallel_loop3A_479] : memref<2x64x128xf32, #tpu.memory_space<vmem>> -> memref<1x64x128xf32, #tpu.memory_space<vmem>>
          %parallel_loop3A_481 = tpu.memref_squeeze %parallel_loop3A_480 : memref<1x64x128xf32, #tpu.memory_space<vmem>> -> memref<64x128xf32, #tpu.memory_space<vmem>>
          tpu.vector_store_idx %parallel_loop3A_481[%parallel_loop3A_193, %parallel_loop3A_145], %parallel_loop3A_477 : memref<64x128xf32, #tpu.memory_space<vmem>>[vector<16xi32>, vector<16xi32>], vector<16xf32>,
        } {sc.loop_unroll_factor = 2 : i64, sc.parallel_access}
        %lt3A_71 = arith.constant 7812 : i32
        %lt3A_72 = arith.cmpi slt, %add3A_31, %lt3A_71 : i32
        %convert_element_type3A_73 = arith.extui %lt3A_72 : i1 to i32
        %cond3A_74 = arith.constant 0 : i32
        %cond3A_75 = arith.cmpi ne, %convert_element_type3A_73, %cond3A_74 : i32
        scf.if %cond3A_75 {
          %mul3A_81 = arith.constant 64 : i32
          %mul3A_82 = arith.muli %add3A_31, %mul3A_81 : i32
          %dma_start3A = arith.constant 0 : i32
          %dma_start3A_83 = arith.constant 0 : i32
          %dma_start3A_84 = tpu.memref_slice %arg6[%rem3A_35, %dma_start3A, %dma_start3A_83] : memref<2x64x128xf32, #tpu.memory_space<vmem>> -> memref<1x64x128xf32, #tpu.memory_space<vmem>>
          %dma_start3A_85 = tpu.memref_squeeze %dma_start3A_84 : memref<1x64x128xf32, #tpu.memory_space<vmem>> -> memref<64x128xf32, #tpu.memory_space<vmem>>
          %dma_start3A_86 = arith.constant 0 : i32
          %dma_start3A_87 = tpu.memref_slice %arg4[%mul3A_82, %dma_start3A_86] : memref<500000x128xf32, #tpu.memory_space<hbm>> -> memref<64x128xf32, #tpu.memory_space<hbm>>
          %dma_start3A_88 = tpu.memref_slice %arg8[%rem3A_35] : memref<2x!tpu.dma_semaphore, #tpu.memory_space<semaphore_mem>> -> memref<1x!tpu.dma_semaphore, #tpu.memory_space<semaphore_mem>>
          %dma_start3A_89 = tpu.memref_squeeze %dma_start3A_88 : memref<1x!tpu.dma_semaphore, #tpu.memory_space<semaphore_mem>> -> memref<!tpu.dma_semaphore, #tpu.memory_space<semaphore_mem>>
          %dma_start3A_90 = arith.constant 0 : i32
          %dma_start3A_91 = tpu.memref_slice %arg4[%mul3A_82, %dma_start3A_90] : memref<500000x128xf32, #tpu.memory_space<hbm>> -> memref<64x128xf32, #tpu.memory_space<hbm>>
          %dma_start3A_92 = arith.constant 0 : i32
          %dma_start3A_93 = arith.constant 0 : i32
          %dma_start3A_94 = tpu.memref_slice %arg6[%rem3A_35, %dma_start3A_92, %dma_start3A_93] : memref<2x64x128xf32, #tpu.memory_space<vmem>> -> memref<1x64x128xf32, #tpu.memory_space<vmem>>
          %dma_start3A_95 = tpu.memref_squeeze %dma_start3A_94 : memref<1x64x128xf32, #tpu.memory_space<vmem>> -> memref<64x128xf32, #tpu.memory_space<vmem>>
          tpu.enqueue_dma source(%dma_start3A_95 : memref<64x128xf32, #tpu.memory_space<vmem>>) target(%dma_start3A_91 : memref<64x128xf32, #tpu.memory_space<hbm>>) target_semaphore(%dma_start3A_89 : memref<!tpu.dma_semaphore, #tpu.memory_space<semaphore_mem>>)
        } else {
        }
        %eq3A_76 = arith.constant 7812 : i32
        %eq3A_77 = arith.cmpi eq, %add3A_31, %eq3A_76 : i32
        %convert_element_type3A_78 = arith.extui %eq3A_77 : i1 to i32
        %cond3A_79 = arith.constant 0 : i32
        %cond3A_80 = arith.cmpi ne, %convert_element_type3A_78, %cond3A_79 : i32
        scf.if %cond3A_80 {
          %mul3A_81 = arith.constant 64 : i32
          %mul3A_82 = arith.muli %add3A_31, %mul3A_81 : i32
          %dma_start3A = arith.constant 0 : i32
          %dma_start3A_83 = arith.constant 0 : i32
          %dma_start3A_84 = tpu.memref_slice %arg6[%rem3A_35, %dma_start3A, %dma_start3A_83] : memref<2x64x128xf32, #tpu.memory_space<vmem>> -> memref<1x32x128xf32, #tpu.memory_space<vmem>>
          %dma_start3A_85 = tpu.memref_squeeze %dma_start3A_84 : memref<1x32x128xf32, #tpu.memory_space<vmem>> -> memref<32x128xf32, #tpu.memory_space<vmem>>
          %dma_start3A_86 = arith.constant 0 : i32
          %dma_start3A_87 = tpu.memref_slice %arg4[%mul3A_82, %dma_start3A_86] : memref<500000x128xf32, #tpu.memory_space<hbm>> -> memref<32x128xf32, #tpu.memory_space<hbm>>
          %dma_start3A_88 = tpu.memref_slice %arg8[%rem3A_35] : memref<2x!tpu.dma_semaphore, #tpu.memory_space<semaphore_mem>> -> memref<1x!tpu.dma_semaphore, #tpu.memory_space<semaphore_mem>>
          %dma_start3A_89 = tpu.memref_squeeze %dma_start3A_88 : memref<1x!tpu.dma_semaphore, #tpu.memory_space<semaphore_mem>> -> memref<!tpu.dma_semaphore, #tpu.memory_space<semaphore_mem>>
          %dma_start3A_90 = arith.constant 0 : i32
          %dma_start3A_91 = tpu.memref_slice %arg4[%mul3A_82, %dma_start3A_90] : memref<500000x128xf32, #tpu.memory_space<hbm>> -> memref<32x128xf32, #tpu.memory_space<hbm>>
          %dma_start3A_92 = arith.constant 0 : i32
          %dma_start3A_93 = arith.constant 0 : i32
          %dma_start3A_94 = tpu.memref_slice %arg6[%rem3A_35, %dma_start3A_92, %dma_start3A_93] : memref<2x64x128xf32, #tpu.memory_space<vmem>> -> memref<1x32x128xf32, #tpu.memory_space<vmem>>
          %dma_start3A_95 = tpu.memref_squeeze %dma_start3A_94 : memref<1x32x128xf32, #tpu.memory_space<vmem>> -> memref<32x128xf32, #tpu.memory_space<vmem>>
          tpu.enqueue_dma source(%dma_start3A_95 : memref<32x128xf32, #tpu.memory_space<vmem>>) target(%dma_start3A_91 : memref<32x128xf32, #tpu.memory_space<hbm>>) target_semaphore(%dma_start3A_89 : memref<!tpu.dma_semaphore, #tpu.memory_space<semaphore_mem>>)
        } else {
        }
      } else {
      }
    }
    %scan3A_16 = arith.constant 245 : i32
    %lt3A = arith.constant 5 : i32
    %lt3A_17 = arith.cmpi slt, %add3A, %lt3A : i32
    %jit3A = arith.constant 245 : i32
    %jit3A_18 = arith.constant 244 : i32
    %select_n3A = arith.select %lt3A_17, %jit3A, %jit3A_18 : i32
    %scan3A_19 = arith.constant 0 : i32
    %scan3A_20 = arith.constant 2 : i32
    %scan3A_21 = arith.addi %scan3A_19, %scan3A_20 : i32
    %scan3A_22 = arith.constant 1 : i32
    scf.for %scan3A_24 = %scan3A_19 to %scan3A_21 step %scan3A_22  : i32 {
      %mul3A_25 = arith.constant 1 : i32
      %mul3A_26 = arith.muli %scan3A_24, %mul3A_25 : i32
      %add3A_27 = arith.constant 0 : i32
      %add3A_28 = arith.addi %add3A_27, %mul3A_26 : i32
      %sub3A = arith.constant 1 : i32
      %sub3A_29 = arith.subi %select_n3A, %sub3A : i32
      %sub3A_30 = arith.subi %sub3A_29, %add3A_28 : i32
      %mul3A_31 = arith.constant 32 : i32
      %mul3A_32 = arith.muli %sub3A_30, %mul3A_31 : i32
      %add3A_33 = arith.addi %add3A, %mul3A_32 : i32
      %rem3A = arith.constant 2 : i32
      %rem3A_34 = arith.remsi %sub3A_30, %rem3A : i32
      %lt3A_35 = arith.constant 7812 : i32
      %lt3A_36 = arith.cmpi slt, %add3A_33, %lt3A_35 : i32
      %convert_element_type3A = arith.extui %lt3A_36 : i1 to i32
      %cond3A = arith.constant 0 : i32
      %cond3A_37 = arith.cmpi ne, %convert_element_type3A, %cond3A : i32
      scf.if %cond3A_37 {
        %dma_wait3A = arith.constant 0 : i32
        %dma_wait3A_42 = arith.constant 0 : i32
        %dma_wait3A_43 = tpu.memref_slice %arg6[%rem3A_34, %dma_wait3A, %dma_wait3A_42] : memref<2x64x128xf32, #tpu.memory_space<vmem>> -> memref<1x64x128xf32, #tpu.memory_space<vmem>>
        %dma_wait3A_44 = tpu.memref_squeeze %dma_wait3A_43 : memref<1x64x128xf32, #tpu.memory_space<vmem>> -> memref<64x128xf32, #tpu.memory_space<vmem>>
        %dma_wait3A_45 = arith.constant 0 : i32
        %dma_wait3A_46 = arith.constant 0 : i32
        %dma_wait3A_47 = tpu.memref_slice %arg4[%dma_wait3A_45, %dma_wait3A_46] : memref<500000x128xf32, #tpu.memory_space<hbm>> -> memref<64x128xf32, #tpu.memory_space<hbm>>
        %dma_wait3A_48 = tpu.memref_slice %arg8[%rem3A_34] : memref<2x!tpu.dma_semaphore, #tpu.memory_space<semaphore_mem>> -> memref<1x!tpu.dma_semaphore, #tpu.memory_space<semaphore_mem>>
        %dma_wait3A_49 = tpu.memref_squeeze %dma_wait3A_48 : memref<1x!tpu.dma_semaphore, #tpu.memory_space<semaphore_mem>> -> memref<!tpu.dma_semaphore, #tpu.memory_space<semaphore_mem>>
        %dma_wait3A_50 = arith.constant 0 : i32
        %dma_wait3A_51 = arith.constant 0 : i32
        %dma_wait3A_52 = tpu.memref_slice %arg4[%dma_wait3A_50, %dma_wait3A_51] : memref<500000x128xf32, #tpu.memory_space<hbm>> -> memref<64x128xf32, #tpu.memory_space<hbm>>
        %dma_wait3A_53 = arith.constant 0 : i32
        %dma_wait3A_54 = arith.constant 0 : i32
        %dma_wait3A_55 = tpu.memref_slice %arg6[%rem3A_34, %dma_wait3A_53, %dma_wait3A_54] : memref<2x64x128xf32, #tpu.memory_space<vmem>> -> memref<1x64x128xf32, #tpu.memory_space<vmem>>
        %dma_wait3A_56 = tpu.memref_squeeze %dma_wait3A_55 : memref<1x64x128xf32, #tpu.memory_space<vmem>> -> memref<64x128xf32, #tpu.memory_space<vmem>>
        tpu.wait_dma2 semaphore(%dma_wait3A_49 : memref<!tpu.dma_semaphore, #tpu.memory_space<semaphore_mem>>) src(%dma_wait3A_56 : memref<64x128xf32, #tpu.memory_space<vmem>>) dst(%dma_wait3A_52 : memref<64x128xf32, #tpu.memory_space<hbm>>)
      } else {
      }
      %eq3A = arith.constant 7812 : i32
      %eq3A_38 = arith.cmpi eq, %add3A_33, %eq3A : i32
      %convert_element_type3A_39 = arith.extui %eq3A_38 : i1 to i32
      %cond3A_40 = arith.constant 0 : i32
      %cond3A_41 = arith.cmpi ne, %convert_element_type3A_39, %cond3A_40 : i32
      scf.if %cond3A_41 {
        %dma_wait3A = arith.constant 0 : i32
        %dma_wait3A_42 = arith.constant 0 : i32
        %dma_wait3A_43 = tpu.memref_slice %arg6[%rem3A_34, %dma_wait3A, %dma_wait3A_42] : memref<2x64x128xf32, #tpu.memory_space<vmem>> -> memref<1x32x128xf32, #tpu.memory_space<vmem>>
        %dma_wait3A_44 = tpu.memref_squeeze %dma_wait3A_43 : memref<1x32x128xf32, #tpu.memory_space<vmem>> -> memref<32x128xf32, #tpu.memory_space<vmem>>
        %dma_wait3A_45 = arith.constant 0 : i32
        %dma_wait3A_46 = arith.constant 0 : i32
        %dma_wait3A_47 = tpu.memref_slice %arg4[%dma_wait3A_45, %dma_wait3A_46] : memref<500000x128xf32, #tpu.memory_space<hbm>> -> memref<32x128xf32, #tpu.memory_space<hbm>>
        %dma_wait3A_48 = tpu.memref_slice %arg8[%rem3A_34] : memref<2x!tpu.dma_semaphore, #tpu.memory_space<semaphore_mem>> -> memref<1x!tpu.dma_semaphore, #tpu.memory_space<semaphore_mem>>
        %dma_wait3A_49 = tpu.memref_squeeze %dma_wait3A_48 : memref<1x!tpu.dma_semaphore, #tpu.memory_space<semaphore_mem>> -> memref<!tpu.dma_semaphore, #tpu.memory_space<semaphore_mem>>
        %dma_wait3A_50 = arith.constant 0 : i32
        %dma_wait3A_51 = arith.constant 0 : i32
        %dma_wait3A_52 = tpu.memref_slice %arg4[%dma_wait3A_50, %dma_wait3A_51] : memref<500000x128xf32, #tpu.memory_space<hbm>> -> memref<32x128xf32, #tpu.memory_space<hbm>>
        %dma_wait3A_53 = arith.constant 0 : i32
        %dma_wait3A_54 = arith.constant 0 : i32
        %dma_wait3A_55 = tpu.memref_slice %arg6[%rem3A_34, %dma_wait3A_53, %dma_wait3A_54] : memref<2x64x128xf32, #tpu.memory_space<vmem>> -> memref<1x32x128xf32, #tpu.memory_space<vmem>>
        %dma_wait3A_56 = tpu.memref_squeeze %dma_wait3A_55 : memref<1x32x128xf32, #tpu.memory_space<vmem>> -> memref<32x128xf32, #tpu.memory_space<vmem>>
        tpu.wait_dma2 semaphore(%dma_wait3A_49 : memref<!tpu.dma_semaphore, #tpu.memory_space<semaphore_mem>>) src(%dma_wait3A_56 : memref<32x128xf32, #tpu.memory_space<vmem>>) dst(%dma_wait3A_52 : memref<32x128xf32, #tpu.memory_space<hbm>>)
      } else {
      }
    }
    %scan3A_23 = arith.constant 2 : i32
    return
  }
}

#map = affine_map<(d0, d1) -> (0, 0, 0)>
#map1 = affine_map<(d0, d1) -> (0, 0)>
#map2 = affine_map<(d0, d1) -> (0, 0, 0, 0, 0, 0)>
module attributes {stable_mosaic.version = 14 : i64} {
  func.func @_emb_lookup(%arg0: i32, %arg1: i32, %arg2: memref<50x128x128xi32, #tpu.memory_space<hbm>>, %arg3: memref<1000000x64xf32, #tpu.memory_space<hbm>>, %arg4: memref<50x4x2x128x8x128xf32, #tpu.memory_space<hbm>>, %arg5: memref<50x4x128xi32, #tpu.memory_space<vmem>>, %arg6: memref<2x128x64xf32, #tpu.memory_space<vmem>>, %arg7: memref<2x4x2x8x131xf32, #tpu.memory_space<vmem>>, %arg8: memref<2x!tpu.dma_semaphore, #tpu.memory_space<semaphore_mem>>, %arg9: memref<2x!tpu.dma_semaphore, #tpu.memory_space<semaphore_mem>>) attributes {dimension_semantics = [#tpu.dimension_semantics<core_parallel>, #tpu.dimension_semantics<subcore_parallel>], iteration_bounds = array<i64: 2, 16>, scalar_prefetch = 0 : i64, scratch_operands = 5 : i64, tpu.core_type = #tpu.core_type<sc_vector_subcore>, window_params = [{transform_indices = #map}, {transform_indices = #map1}, {transform_indices = #map2}]} {
    %mul3A = arith.constant 2 : i32
    %mul3A_0 = arith.muli %arg1, %mul3A : i32
    %add3A = arith.addi %mul3A_0, %arg0 : i32
    %mul3A_1 = arith.constant 4 : i32
    %mul3A_2 = arith.muli %add3A, %mul3A_1 : i32
    "tpu.region"() ({
      %run_scoped3A = tpu.sem_alloc : memref<!tpu.dma_semaphore, #tpu.memory_space<semaphore_mem>>
      %dma_start3A = arith.constant 0 : i32
      %dma_start3A_92 = arith.constant 0 : i32
      %dma_start3A_93 = tpu.memref_slice %arg2[%dma_start3A, %mul3A_2, %dma_start3A_92] : memref<50x128x128xi32, #tpu.memory_space<hbm>> -> memref<50x4x128xi32, #tpu.memory_space<hbm>>
      %dma_start3A_94 = arith.constant 0 : i32
      %dma_start3A_95 = arith.constant 0 : i32
      %dma_start3A_96 = tpu.memref_slice %arg2[%dma_start3A_94, %mul3A_2, %dma_start3A_95] : memref<50x128x128xi32, #tpu.memory_space<hbm>> -> memref<50x4x128xi32, #tpu.memory_space<hbm>>
      tpu.enqueue_dma source(%dma_start3A_96 : memref<50x4x128xi32, #tpu.memory_space<hbm>>) target(%arg5 : memref<50x4x128xi32, #tpu.memory_space<vmem>>) target_semaphore(%run_scoped3A : memref<!tpu.dma_semaphore, #tpu.memory_space<semaphore_mem>>)
      %dma_wait3A_97 = arith.constant 0 : i32
      %dma_wait3A_98 = arith.constant 0 : i32
      %dma_wait3A_99 = tpu.memref_slice %arg2[%dma_wait3A_97, %mul3A_2, %dma_wait3A_98] : memref<50x128x128xi32, #tpu.memory_space<hbm>> -> memref<50x4x128xi32, #tpu.memory_space<hbm>>
      %dma_wait3A_100 = arith.constant 0 : i32
      %dma_wait3A_101 = arith.constant 0 : i32
      %dma_wait3A_102 = tpu.memref_slice %arg2[%dma_wait3A_100, %mul3A_2, %dma_wait3A_101] : memref<50x128x128xi32, #tpu.memory_space<hbm>> -> memref<50x4x128xi32, #tpu.memory_space<hbm>>
      tpu.wait_dma2 semaphore(%run_scoped3A : memref<!tpu.dma_semaphore, #tpu.memory_space<semaphore_mem>>) src(%dma_wait3A_102 : memref<50x4x128xi32, #tpu.memory_space<hbm>>) dst(%arg5 : memref<50x4x128xi32, #tpu.memory_space<vmem>>)
      tpu.yield
    }) : () -> ()
    %iota3A = tpu.iota {dimensions = array<i32: 0>} : vector<16xi32>
    %jit3A = arith.constant 8 : i32
    %div3A = vector.broadcast %jit3A : i32 to vector<16xi32>
    %div3A_3 = arith.divsi %iota3A, %div3A : vector<16xi32>
    %sign3A = arith.constant 0 : i32
    %sign3A_4 = vector.broadcast %sign3A : i32 to vector<16xi32>
    %sign3A_5 = arith.cmpi sgt, %iota3A, %sign3A_4 : vector<16xi32>
    %sign3A_6 = arith.extui %sign3A_5 : vector<16xi1> to vector<16xi32>
    %sign3A_7 = arith.constant 0 : i32
    %sign3A_8 = vector.broadcast %sign3A_7 : i32 to vector<16xi32>
    %sign3A_9 = arith.cmpi slt, %iota3A, %sign3A_8 : vector<16xi32>
    %sign3A_10 = arith.extui %sign3A_9 : vector<16xi1> to vector<16xi32>
    %sign3A_11 = arith.subi %sign3A_6, %sign3A_10 : vector<16xi32>
    %sign3A_12 = arith.constant 0 : i32
    %sign3A_13 = arith.cmpi sgt, %jit3A, %sign3A_12 : i32
    %sign3A_14 = arith.extui %sign3A_13 : i1 to i32
    %sign3A_15 = arith.constant 0 : i32
    %sign3A_16 = arith.cmpi slt, %jit3A, %sign3A_15 : i32
    %sign3A_17 = arith.extui %sign3A_16 : i1 to i32
    %sign3A_18 = arith.subi %sign3A_14, %sign3A_17 : i32
    %ne3A = vector.broadcast %sign3A_18 : i32 to vector<16xi32>
    %ne3A_19 = arith.cmpi ne, %sign3A_11, %ne3A : vector<16xi32>
    %rem3A = vector.broadcast %jit3A : i32 to vector<16xi32>
    %rem3A_20 = arith.remsi %iota3A, %rem3A : vector<16xi32>
    %ne3A_21 = arith.constant 0 : i32
    %ne3A_22 = vector.broadcast %ne3A_21 : i32 to vector<16xi32>
    %ne3A_23 = arith.cmpi ne, %rem3A_20, %ne3A_22 : vector<16xi32>
    %and3A = arith.andi %ne3A_19, %ne3A_23 : vector<16xi1>
    %sub3A = arith.constant 1 : i32
    %sub3A_24 = vector.broadcast %sub3A : i32 to vector<16xi32>
    %sub3A_25 = arith.subi %div3A_3, %sub3A_24 : vector<16xi32>
    %select_n3A = arith.select %and3A, %sub3A_25, %div3A_3 : vector<16xi1>, vector<16xi32>
    %rem3A_26 = arith.constant 8 : i32
    %rem3A_27 = vector.broadcast %rem3A_26 : i32 to vector<16xi32>
    %rem3A_28 = arith.remsi %iota3A, %rem3A_27 : vector<16xi32>
    %scan3A = arith.constant 0 : i32
    %scan3A_29 = arith.constant 200 : i32
    %scan3A_30 = arith.addi %scan3A, %scan3A_29 : i32
    %scan3A_31 = arith.constant 1 : i32
    scf.for %scan3A_92 = %scan3A to %scan3A_30 step %scan3A_31  : i32 {
      %mul3A_93 = arith.constant 1 : i32
      %mul3A_94 = arith.muli %scan3A_92, %mul3A_93 : i32
      %add3A_95 = arith.constant 0 : i32
      %add3A_96 = arith.addi %add3A_95, %mul3A_94 : i32
      %rem3A_97 = arith.constant 2 : i32
      %rem3A_98 = arith.remsi %add3A_96, %rem3A_97 : i32
      %jit3A_99 = arith.constant 4 : i32
      %div3A_100 = arith.divsi %add3A_96, %jit3A_99 : i32
      %sign3A_101 = arith.constant 0 : i32
      %sign3A_102 = arith.cmpi sgt, %add3A_96, %sign3A_101 : i32
      %sign3A_103 = arith.extui %sign3A_102 : i1 to i32
      %sign3A_104 = arith.constant 0 : i32
      %sign3A_105 = arith.cmpi slt, %add3A_96, %sign3A_104 : i32
      %sign3A_106 = arith.extui %sign3A_105 : i1 to i32
      %sign3A_107 = arith.subi %sign3A_103, %sign3A_106 : i32
      %sign3A_108 = arith.constant 0 : i32
      %sign3A_109 = arith.cmpi sgt, %jit3A_99, %sign3A_108 : i32
      %sign3A_110 = arith.extui %sign3A_109 : i1 to i32
      %sign3A_111 = arith.constant 0 : i32
      %sign3A_112 = arith.cmpi slt, %jit3A_99, %sign3A_111 : i32
      %sign3A_113 = arith.extui %sign3A_112 : i1 to i32
      %sign3A_114 = arith.subi %sign3A_110, %sign3A_113 : i32
      %ne3A_115 = arith.cmpi ne, %sign3A_107, %sign3A_114 : i32
      %rem3A_116 = arith.remsi %add3A_96, %jit3A_99 : i32
      %ne3A_117 = arith.constant 0 : i32
      %ne3A_118 = arith.cmpi ne, %rem3A_116, %ne3A_117 : i32
      %and3A_119 = arith.andi %ne3A_115, %ne3A_118 : i1
      %sub3A_120 = arith.constant 1 : i32
      %sub3A_121 = arith.subi %div3A_100, %sub3A_120 : i32
      %select_n3A_122 = arith.select %and3A_119, %sub3A_121, %div3A_100 : i32
      %rem3A_123 = arith.constant 4 : i32
      %rem3A_124 = arith.remsi %add3A_96, %rem3A_123 : i32
      %eq3A = arith.constant 0 : i32
      %eq3A_125 = arith.cmpi eq, %add3A_96, %eq3A : i32
      %convert_element_type3A = arith.extui %eq3A_125 : i1 to i32
      %cond3A = arith.constant 0 : i32
      %cond3A_126 = arith.cmpi ne, %convert_element_type3A, %cond3A : i32
      scf.if %cond3A_126 {
        %jit3A_177 = arith.constant 4 : i32
        %div3A_178 = arith.divsi %add3A_96, %jit3A_177 : i32
        %sign3A_179 = arith.constant 0 : i32
        %sign3A_180 = arith.cmpi sgt, %add3A_96, %sign3A_179 : i32
        %sign3A_181 = arith.extui %sign3A_180 : i1 to i32
        %sign3A_182 = arith.constant 0 : i32
        %sign3A_183 = arith.cmpi slt, %add3A_96, %sign3A_182 : i32
        %sign3A_184 = arith.extui %sign3A_183 : i1 to i32
        %sign3A_185 = arith.subi %sign3A_181, %sign3A_184 : i32
        %sign3A_186 = arith.constant 0 : i32
        %sign3A_187 = arith.cmpi sgt, %jit3A_177, %sign3A_186 : i32
        %sign3A_188 = arith.extui %sign3A_187 : i1 to i32
        %sign3A_189 = arith.constant 0 : i32
        %sign3A_190 = arith.cmpi slt, %jit3A_177, %sign3A_189 : i32
        %sign3A_191 = arith.extui %sign3A_190 : i1 to i32
        %sign3A_192 = arith.subi %sign3A_188, %sign3A_191 : i32
        %ne3A_193 = arith.cmpi ne, %sign3A_185, %sign3A_192 : i32
        %rem3A_194 = arith.remsi %add3A_96, %jit3A_177 : i32
        %ne3A_195 = arith.constant 0 : i32
        %ne3A_196 = arith.cmpi ne, %rem3A_194, %ne3A_195 : i32
        %and3A_197 = arith.andi %ne3A_193, %ne3A_196 : i1
        %sub3A_198 = arith.constant 1 : i32
        %sub3A_199 = arith.subi %div3A_178, %sub3A_198 : i32
        %select_n3A_200 = arith.select %and3A_197, %sub3A_199, %div3A_178 : i32
        %rem3A_201 = arith.constant 4 : i32
        %rem3A_202 = arith.remsi %add3A_96, %rem3A_201 : i32
        %dma_start3A_203 = arith.constant 0 : i32
        %dma_start3A_204 = arith.constant 0 : i32
        %dma_start3A_205 = tpu.memref_slice %arg6[%rem3A_98, %dma_start3A_203, %dma_start3A_204] : memref<2x128x64xf32, #tpu.memory_space<vmem>> -> memref<1x128x64xf32, #tpu.memory_space<vmem>>
        %dma_start3A_206 = tpu.memref_squeeze %dma_start3A_205 : memref<1x128x64xf32, #tpu.memory_space<vmem>> -> memref<128x64xf32, #tpu.memory_space<vmem>>
        %dma_start3A_207 = arith.constant 0 : i32
        %dma_start3A_208 = tpu.memref_slice %arg5[%select_n3A_200, %rem3A_202, %dma_start3A_207] : memref<50x4x128xi32, #tpu.memory_space<vmem>> -> memref<1x1x128xi32, #tpu.memory_space<vmem>>
        %dma_start3A_209 = tpu.memref_squeeze %dma_start3A_208 : memref<1x1x128xi32, #tpu.memory_space<vmem>> -> memref<128xi32, #tpu.memory_space<vmem>>
        %dma_start3A_210 = arith.constant 0 : i32
        %dma_start3A_211 = arith.constant 0 : i32
        %dma_start3A_212 = tpu.memref_slice %arg3[%dma_start3A_210, %dma_start3A_211] : memref<1000000x64xf32, #tpu.memory_space<hbm>> -> memref<1000000x64xf32, #tpu.memory_space<hbm>>
        %dma_start3A_213 = tpu.memref_slice %arg8[%rem3A_98] : memref<2x!tpu.dma_semaphore, #tpu.memory_space<semaphore_mem>> -> memref<1x!tpu.dma_semaphore, #tpu.memory_space<semaphore_mem>>
        %dma_start3A_214 = tpu.memref_squeeze %dma_start3A_213 : memref<1x!tpu.dma_semaphore, #tpu.memory_space<semaphore_mem>> -> memref<!tpu.dma_semaphore, #tpu.memory_space<semaphore_mem>>
        tpu.enqueue_indirect_dma source(%dma_start3A_212 : memref<1000000x64xf32, #tpu.memory_space<hbm>>) target(%dma_start3A_206 : memref<128x64xf32, #tpu.memory_space<vmem>>) offsets(%dma_start3A_209 : memref<128xi32, #tpu.memory_space<vmem>>) semaphore(%dma_start3A_214 : memref<!tpu.dma_semaphore, #tpu.memory_space<semaphore_mem>>)
      } else {
      }
      %dma_wait3A_127 = arith.constant 0 : i32
      %dma_wait3A_128 = arith.constant 0 : i32
      %dma_wait3A_129 = arith.constant 0 : i32
      %dma_wait3A_130 = arith.constant 0 : i32
      %dma_wait3A_131 = tpu.memref_slice %arg6[%rem3A_98, %dma_wait3A_129, %dma_wait3A_130] : memref<2x128x64xf32, #tpu.memory_space<vmem>> -> memref<1x128x64xf32, #tpu.memory_space<vmem>>
      %dma_wait3A_132 = tpu.memref_squeeze %dma_wait3A_131 : memref<1x128x64xf32, #tpu.memory_space<vmem>> -> memref<128x64xf32, #tpu.memory_space<vmem>>
      %dma_wait3A_133 = arith.constant 0 : i32
      %dma_wait3A_134 = tpu.memref_slice %arg5[%dma_wait3A_127, %dma_wait3A_128, %dma_wait3A_133] : memref<50x4x128xi32, #tpu.memory_space<vmem>> -> memref<1x1x128xi32, #tpu.memory_space<vmem>>
      %dma_wait3A_135 = tpu.memref_squeeze %dma_wait3A_134 : memref<1x1x128xi32, #tpu.memory_space<vmem>> -> memref<128xi32, #tpu.memory_space<vmem>>
      %dma_wait3A_136 = arith.constant 0 : i32
      %dma_wait3A_137 = arith.constant 0 : i32
      %dma_wait3A_138 = tpu.memref_slice %arg3[%dma_wait3A_136, %dma_wait3A_137] : memref<1000000x64xf32, #tpu.memory_space<hbm>> -> memref<1000000x64xf32, #tpu.memory_space<hbm>>
      %dma_wait3A_139 = tpu.memref_slice %arg8[%rem3A_98] : memref<2x!tpu.dma_semaphore, #tpu.memory_space<semaphore_mem>> -> memref<1x!tpu.dma_semaphore, #tpu.memory_space<semaphore_mem>>
      %dma_wait3A_140 = tpu.memref_squeeze %dma_wait3A_139 : memref<1x!tpu.dma_semaphore, #tpu.memory_space<semaphore_mem>> -> memref<!tpu.dma_semaphore, #tpu.memory_space<semaphore_mem>>
      tpu.wait_indirect_dma semaphore(%dma_wait3A_140 : memref<!tpu.dma_semaphore, #tpu.memory_space<semaphore_mem>>) src(%dma_wait3A_138 : memref<1000000x64xf32, #tpu.memory_space<hbm>>) dst(%dma_wait3A_132 : memref<128x64xf32, #tpu.memory_space<vmem>>)
      %lt3A = arith.constant 199 : i32
      %lt3A_141 = arith.cmpi slt, %add3A_96, %lt3A : i32
      %convert_element_type3A_142 = arith.extui %lt3A_141 : i1 to i32
      %cond3A_143 = arith.constant 0 : i32
      %cond3A_144 = arith.cmpi ne, %convert_element_type3A_142, %cond3A_143 : i32
      scf.if %cond3A_144 {
        %add3A_177 = arith.constant 1 : i32
        %add3A_178 = arith.addi %add3A_96, %add3A_177 : i32
        %sub3A_179 = arith.constant 1 : i32
        %sub3A_180 = arith.subi %sub3A_179, %rem3A_98 : i32
        %jit3A_181 = arith.constant 4 : i32
        %div3A_182 = arith.divsi %add3A_178, %jit3A_181 : i32
        %sign3A_183 = arith.constant 0 : i32
        %sign3A_184 = arith.cmpi sgt, %add3A_178, %sign3A_183 : i32
        %sign3A_185 = arith.extui %sign3A_184 : i1 to i32
        %sign3A_186 = arith.constant 0 : i32
        %sign3A_187 = arith.cmpi slt, %add3A_178, %sign3A_186 : i32
        %sign3A_188 = arith.extui %sign3A_187 : i1 to i32
        %sign3A_189 = arith.subi %sign3A_185, %sign3A_188 : i32
        %sign3A_190 = arith.constant 0 : i32
        %sign3A_191 = arith.cmpi sgt, %jit3A_181, %sign3A_190 : i32
        %sign3A_192 = arith.extui %sign3A_191 : i1 to i32
        %sign3A_193 = arith.constant 0 : i32
        %sign3A_194 = arith.cmpi slt, %jit3A_181, %sign3A_193 : i32
        %sign3A_195 = arith.extui %sign3A_194 : i1 to i32
        %sign3A_196 = arith.subi %sign3A_192, %sign3A_195 : i32
        %ne3A_197 = arith.cmpi ne, %sign3A_189, %sign3A_196 : i32
        %rem3A_198 = arith.remsi %add3A_178, %jit3A_181 : i32
        %ne3A_199 = arith.constant 0 : i32
        %ne3A_200 = arith.cmpi ne, %rem3A_198, %ne3A_199 : i32
        %and3A_201 = arith.andi %ne3A_197, %ne3A_200 : i1
        %sub3A_202 = arith.constant 1 : i32
        %sub3A_203 = arith.subi %div3A_182, %sub3A_202 : i32
        %select_n3A_204 = arith.select %and3A_201, %sub3A_203, %div3A_182 : i32
        %rem3A_205 = arith.constant 4 : i32
        %rem3A_206 = arith.remsi %add3A_178, %rem3A_205 : i32
        %dma_start3A_207 = arith.constant 0 : i32
        %dma_start3A_208 = arith.constant 0 : i32
        %dma_start3A_209 = tpu.memref_slice %arg6[%sub3A_180, %dma_start3A_207, %dma_start3A_208] : memref<2x128x64xf32, #tpu.memory_space<vmem>> -> memref<1x128x64xf32, #tpu.memory_space<vmem>>
        %dma_start3A_210 = tpu.memref_squeeze %dma_start3A_209 : memref<1x128x64xf32, #tpu.memory_space<vmem>> -> memref<128x64xf32, #tpu.memory_space<vmem>>
        %dma_start3A_211 = arith.constant 0 : i32
        %dma_start3A_212 = tpu.memref_slice %arg5[%select_n3A_204, %rem3A_206, %dma_start3A_211] : memref<50x4x128xi32, #tpu.memory_space<vmem>> -> memref<1x1x128xi32, #tpu.memory_space<vmem>>
        %dma_start3A_213 = tpu.memref_squeeze %dma_start3A_212 : memref<1x1x128xi32, #tpu.memory_space<vmem>> -> memref<128xi32, #tpu.memory_space<vmem>>
        %dma_start3A_214 = arith.constant 0 : i32
        %dma_start3A_215 = arith.constant 0 : i32
        %dma_start3A_216 = tpu.memref_slice %arg3[%dma_start3A_214, %dma_start3A_215] : memref<1000000x64xf32, #tpu.memory_space<hbm>> -> memref<1000000x64xf32, #tpu.memory_space<hbm>>
        %dma_start3A_217 = tpu.memref_slice %arg8[%sub3A_180] : memref<2x!tpu.dma_semaphore, #tpu.memory_space<semaphore_mem>> -> memref<1x!tpu.dma_semaphore, #tpu.memory_space<semaphore_mem>>
        %dma_start3A_218 = tpu.memref_squeeze %dma_start3A_217 : memref<1x!tpu.dma_semaphore, #tpu.memory_space<semaphore_mem>> -> memref<!tpu.dma_semaphore, #tpu.memory_space<semaphore_mem>>
        tpu.enqueue_indirect_dma source(%dma_start3A_216 : memref<1000000x64xf32, #tpu.memory_space<hbm>>) target(%dma_start3A_210 : memref<128x64xf32, #tpu.memory_space<vmem>>) offsets(%dma_start3A_213 : memref<128xi32, #tpu.memory_space<vmem>>) semaphore(%dma_start3A_218 : memref<!tpu.dma_semaphore, #tpu.memory_space<semaphore_mem>>)
      } else {
      }
      %ge3A = arith.constant 2 : i32
      %ge3A_145 = arith.cmpi sge, %add3A_96, %ge3A : i32
      %convert_element_type3A_146 = arith.extui %ge3A_145 : i1 to i32
      %cond3A_147 = arith.constant 0 : i32
      %cond3A_148 = arith.cmpi ne, %convert_element_type3A_146, %cond3A_147 : i32
      scf.if %cond3A_148 {
        %dma_wait3A_177 = arith.constant 0 : i32
        %dma_wait3A_178 = arith.constant 0 : i32
        %dma_wait3A_179 = arith.constant 0 : i32
        %dma_wait3A_180 = arith.constant 0 : i32
        %dma_wait3A_181 = arith.constant 0 : i32
        %dma_wait3A_182 = arith.constant 0 : i32
        %dma_wait3A_183 = tpu.memref_slice %arg7[%rem3A_98, %dma_wait3A_179, %dma_wait3A_180, %dma_wait3A_181, %dma_wait3A_182] : memref<2x4x2x8x131xf32, #tpu.memory_space<vmem>> -> memref<1x4x2x8x128xf32, #tpu.memory_space<vmem>>
        %dma_wait3A_184 = tpu.memref_squeeze %dma_wait3A_183 : memref<1x4x2x8x128xf32, #tpu.memory_space<vmem>> -> memref<4x2x8x128xf32, #tpu.memory_space<vmem>>
        %dma_wait3A_185 = arith.constant 0 : i32
        %dma_wait3A_186 = arith.constant 0 : i32
        %dma_wait3A_187 = arith.constant 0 : i32
        %dma_wait3A_188 = arith.constant 0 : i32
        %dma_wait3A_189 = tpu.memref_slice %arg4[%dma_wait3A_177, %dma_wait3A_185, %dma_wait3A_186, %dma_wait3A_178, %dma_wait3A_187, %dma_wait3A_188] : memref<50x4x2x128x8x128xf32, #tpu.memory_space<hbm>> -> memref<1x4x2x1x8x128xf32, #tpu.memory_space<hbm>>
        %dma_wait3A_190 = tpu.memref_squeeze %dma_wait3A_189 : memref<1x4x2x1x8x128xf32, #tpu.memory_space<hbm>> -> memref<4x2x8x128xf32, #tpu.memory_space<hbm>>
        %dma_wait3A_191 = tpu.memref_slice %arg9[%rem3A_98] : memref<2x!tpu.dma_semaphore, #tpu.memory_space<semaphore_mem>> -> memref<1x!tpu.dma_semaphore, #tpu.memory_space<semaphore_mem>>
        %dma_wait3A_192 = tpu.memref_squeeze %dma_wait3A_191 : memref<1x!tpu.dma_semaphore, #tpu.memory_space<semaphore_mem>> -> memref<!tpu.dma_semaphore, #tpu.memory_space<semaphore_mem>>
        %dma_wait3A_193 = arith.constant 0 : i32
        %dma_wait3A_194 = arith.constant 0 : i32
        %dma_wait3A_195 = arith.constant 0 : i32
        %dma_wait3A_196 = arith.constant 0 : i32
        %dma_wait3A_197 = tpu.memref_slice %arg4[%dma_wait3A_177, %dma_wait3A_193, %dma_wait3A_194, %dma_wait3A_178, %dma_wait3A_195, %dma_wait3A_196] : memref<50x4x2x128x8x128xf32, #tpu.memory_space<hbm>> -> memref<1x4x2x1x8x128xf32, #tpu.memory_space<hbm>>
        %dma_wait3A_198 = tpu.memref_squeeze %dma_wait3A_197 : memref<1x4x2x1x8x128xf32, #tpu.memory_space<hbm>> -> memref<4x2x8x128xf32, #tpu.memory_space<hbm>>
        %dma_wait3A_199 = arith.constant 0 : i32
        %dma_wait3A_200 = arith.constant 0 : i32
        %dma_wait3A_201 = arith.constant 0 : i32
        %dma_wait3A_202 = arith.constant 0 : i32
        %dma_wait3A_203 = tpu.memref_slice %arg7[%rem3A_98, %dma_wait3A_199, %dma_wait3A_200, %dma_wait3A_201, %dma_wait3A_202] : memref<2x4x2x8x131xf32, #tpu.memory_space<vmem>> -> memref<1x4x2x8x128xf32, #tpu.memory_space<vmem>>
        %dma_wait3A_204 = tpu.memref_squeeze %dma_wait3A_203 : memref<1x4x2x8x128xf32, #tpu.memory_space<vmem>> -> memref<4x2x8x128xf32, #tpu.memory_space<vmem>>
        tpu.wait_dma2 semaphore(%dma_wait3A_192 : memref<!tpu.dma_semaphore, #tpu.memory_space<semaphore_mem>>) src(%dma_wait3A_204 : memref<4x2x8x128xf32, #tpu.memory_space<vmem>>) dst(%dma_wait3A_198 : memref<4x2x8x128xf32, #tpu.memory_space<hbm>>)
      } else {
      }
      %parallel_loop3A = arith.constant 0 : i32
      %parallel_loop3A_149 = arith.constant 128 : i32
      %parallel_loop3A_150 = arith.constant 1 : i32
      scf.for %parallel_loop3A_177 = %parallel_loop3A to %parallel_loop3A_149 step %parallel_loop3A_150  : i32 {
        %parallel_loop3A_178 = arith.constant 0 : i32
        %parallel_loop3A_179 = vector.broadcast %parallel_loop3A_178 : i32 to vector<16xi32>
        %parallel_loop3A_180 = vector.broadcast %parallel_loop3A_177 : i32 to vector<16xi32>
        %parallel_loop3A_181 = arith.addi %parallel_loop3A_179, %parallel_loop3A_180 : vector<16xi32>
        %parallel_loop3A_182 = arith.index_cast %rem3A_98 : i32 to index
        %parallel_loop3A_183 = arith.index_cast %parallel_loop3A_177 : i32 to index
        %parallel_loop3A_184 = arith.constant 0 : index
        %parallel_loop3A_185 = tpu.vector_load %arg6[%parallel_loop3A_182, %parallel_loop3A_183, %parallel_loop3A_184] {strides = array<i32>} : memref<2x128x64xf32, #tpu.memory_space<vmem>>, vector<16xf32>,
        %parallel_loop3A_186 = arith.constant 0 : i32
        %parallel_loop3A_187 = arith.constant 0 : i32
        %parallel_loop3A_188 = arith.constant 0 : i32
        %parallel_loop3A_189 = arith.constant 0 : i32
        %parallel_loop3A_190 = tpu.memref_slice %arg7[%rem3A_98, %parallel_loop3A_186, %parallel_loop3A_187, %parallel_loop3A_188, %parallel_loop3A_189] : memref<2x4x2x8x131xf32, #tpu.memory_space<vmem>> -> memref<1x1x2x8x131xf32, #tpu.memory_space<vmem>>
        %parallel_loop3A_191 = tpu.memref_squeeze %parallel_loop3A_190 : memref<1x1x2x8x131xf32, #tpu.memory_space<vmem>> -> memref<2x8x131xf32, #tpu.memory_space<vmem>>
        tpu.vector_store_idx %parallel_loop3A_191[%select_n3A, %rem3A_28, %parallel_loop3A_181], %parallel_loop3A_185 : memref<2x8x131xf32, #tpu.memory_space<vmem>>[vector<16xi32>, vector<16xi32>, vector<16xi32>], vector<16xf32>,
        %parallel_loop3A_192 = arith.index_cast %rem3A_98 : i32 to index
        %parallel_loop3A_193 = arith.index_cast %parallel_loop3A_177 : i32 to index
        %parallel_loop3A_194 = arith.constant 16 : index
        %parallel_loop3A_195 = tpu.vector_load %arg6[%parallel_loop3A_192, %parallel_loop3A_193, %parallel_loop3A_194] {strides = array<i32>} : memref<2x128x64xf32, #tpu.memory_space<vmem>>, vector<16xf32>,
        %parallel_loop3A_196 = arith.constant 1 : i32
        %parallel_loop3A_197 = arith.constant 0 : i32
        %parallel_loop3A_198 = arith.constant 0 : i32
        %parallel_loop3A_199 = arith.constant 0 : i32
        %parallel_loop3A_200 = tpu.memref_slice %arg7[%rem3A_98, %parallel_loop3A_196, %parallel_loop3A_197, %parallel_loop3A_198, %parallel_loop3A_199] : memref<2x4x2x8x131xf32, #tpu.memory_space<vmem>> -> memref<1x1x2x8x131xf32, #tpu.memory_space<vmem>>
        %parallel_loop3A_201 = tpu.memref_squeeze %parallel_loop3A_200 : memref<1x1x2x8x131xf32, #tpu.memory_space<vmem>> -> memref<2x8x131xf32, #tpu.memory_space<vmem>>
        tpu.vector_store_idx %parallel_loop3A_201[%select_n3A, %rem3A_28, %parallel_loop3A_181], %parallel_loop3A_195 : memref<2x8x131xf32, #tpu.memory_space<vmem>>[vector<16xi32>, vector<16xi32>, vector<16xi32>], vector<16xf32>,
        %parallel_loop3A_202 = arith.index_cast %rem3A_98 : i32 to index
        %parallel_loop3A_203 = arith.index_cast %parallel_loop3A_177 : i32 to index
        %parallel_loop3A_204 = arith.constant 32 : index
        %parallel_loop3A_205 = tpu.vector_load %arg6[%parallel_loop3A_202, %parallel_loop3A_203, %parallel_loop3A_204] {strides = array<i32>} : memref<2x128x64xf32, #tpu.memory_space<vmem>>, vector<16xf32>,
        %parallel_loop3A_206 = arith.constant 2 : i32
        %parallel_loop3A_207 = arith.constant 0 : i32
        %parallel_loop3A_208 = arith.constant 0 : i32
        %parallel_loop3A_209 = arith.constant 0 : i32
        %parallel_loop3A_210 = tpu.memref_slice %arg7[%rem3A_98, %parallel_loop3A_206, %parallel_loop3A_207, %parallel_loop3A_208, %parallel_loop3A_209] : memref<2x4x2x8x131xf32, #tpu.memory_space<vmem>> -> memref<1x1x2x8x131xf32, #tpu.memory_space<vmem>>
        %parallel_loop3A_211 = tpu.memref_squeeze %parallel_loop3A_210 : memref<1x1x2x8x131xf32, #tpu.memory_space<vmem>> -> memref<2x8x131xf32, #tpu.memory_space<vmem>>
        tpu.vector_store_idx %parallel_loop3A_211[%select_n3A, %rem3A_28, %parallel_loop3A_181], %parallel_loop3A_205 : memref<2x8x131xf32, #tpu.memory_space<vmem>>[vector<16xi32>, vector<16xi32>, vector<16xi32>], vector<16xf32>,
        %parallel_loop3A_212 = arith.index_cast %rem3A_98 : i32 to index
        %parallel_loop3A_213 = arith.index_cast %parallel_loop3A_177 : i32 to index
        %parallel_loop3A_214 = arith.constant 48 : index
        %parallel_loop3A_215 = tpu.vector_load %arg6[%parallel_loop3A_212, %parallel_loop3A_213, %parallel_loop3A_214] {strides = array<i32>} : memref<2x128x64xf32, #tpu.memory_space<vmem>>, vector<16xf32>,
        %parallel_loop3A_216 = arith.constant 3 : i32
        %parallel_loop3A_217 = arith.constant 0 : i32
        %parallel_loop3A_218 = arith.constant 0 : i32
        %parallel_loop3A_219 = arith.constant 0 : i32
        %parallel_loop3A_220 = tpu.memref_slice %arg7[%rem3A_98, %parallel_loop3A_216, %parallel_loop3A_217, %parallel_loop3A_218, %parallel_loop3A_219] : memref<2x4x2x8x131xf32, #tpu.memory_space<vmem>> -> memref<1x1x2x8x131xf32, #tpu.memory_space<vmem>>
        %parallel_loop3A_221 = tpu.memref_squeeze %parallel_loop3A_220 : memref<1x1x2x8x131xf32, #tpu.memory_space<vmem>> -> memref<2x8x131xf32, #tpu.memory_space<vmem>>
        tpu.vector_store_idx %parallel_loop3A_221[%select_n3A, %rem3A_28, %parallel_loop3A_181], %parallel_loop3A_215 : memref<2x8x131xf32, #tpu.memory_space<vmem>>[vector<16xi32>, vector<16xi32>, vector<16xi32>], vector<16xf32>,
      } {sc.loop_unroll_factor = 8 : i64, sc.parallel_access}
      %add3A_151 = arith.addi %mul3A_2, %rem3A_124 : i32
      %dma_start3A = arith.constant 0 : i32
      %dma_start3A_152 = arith.constant 0 : i32
      %dma_start3A_153 = arith.constant 0 : i32
      %dma_start3A_154 = arith.constant 0 : i32
      %dma_start3A_155 = tpu.memref_slice %arg7[%rem3A_98, %dma_start3A, %dma_start3A_152, %dma_start3A_153, %dma_start3A_154] : memref<2x4x2x8x131xf32, #tpu.memory_space<vmem>> -> memref<1x4x2x8x128xf32, #tpu.memory_space<vmem>>
      %dma_start3A_156 = tpu.memref_squeeze %dma_start3A_155 : memref<1x4x2x8x128xf32, #tpu.memory_space<vmem>> -> memref<4x2x8x128xf32, #tpu.memory_space<vmem>>
      %dma_start3A_157 = arith.constant 0 : i32
      %dma_start3A_158 = arith.constant 0 : i32
      %dma_start3A_159 = arith.constant 0 : i32
      %dma_start3A_160 = arith.constant 0 : i32
      %dma_start3A_161 = tpu.memref_slice %arg4[%select_n3A_122, %dma_start3A_157, %dma_start3A_158, %add3A_151, %dma_start3A_159, %dma_start3A_160] : memref<50x4x2x128x8x128xf32, #tpu.memory_space<hbm>> -> memref<1x4x2x1x8x128xf32, #tpu.memory_space<hbm>>
      %dma_start3A_162 = tpu.memref_squeeze %dma_start3A_161 : memref<1x4x2x1x8x128xf32, #tpu.memory_space<hbm>> -> memref<4x2x8x128xf32, #tpu.memory_space<hbm>>
      %dma_start3A_163 = tpu.memref_slice %arg9[%rem3A_98] : memref<2x!tpu.dma_semaphore, #tpu.memory_space<semaphore_mem>> -> memref<1x!tpu.dma_semaphore, #tpu.memory_space<semaphore_mem>>
      %dma_start3A_164 = tpu.memref_squeeze %dma_start3A_163 : memref<1x!tpu.dma_semaphore, #tpu.memory_space<semaphore_mem>> -> memref<!tpu.dma_semaphore, #tpu.memory_space<semaphore_mem>>
      %dma_start3A_165 = arith.constant 0 : i32
      %dma_start3A_166 = arith.constant 0 : i32
      %dma_start3A_167 = arith.constant 0 : i32
      %dma_start3A_168 = arith.constant 0 : i32
      %dma_start3A_169 = tpu.memref_slice %arg4[%select_n3A_122, %dma_start3A_165, %dma_start3A_166, %add3A_151, %dma_start3A_167, %dma_start3A_168] : memref<50x4x2x128x8x128xf32, #tpu.memory_space<hbm>> -> memref<1x4x2x1x8x128xf32, #tpu.memory_space<hbm>>
      %dma_start3A_170 = tpu.memref_squeeze %dma_start3A_169 : memref<1x4x2x1x8x128xf32, #tpu.memory_space<hbm>> -> memref<4x2x8x128xf32, #tpu.memory_space<hbm>>
      %dma_start3A_171 = arith.constant 0 : i32
      %dma_start3A_172 = arith.constant 0 : i32
      %dma_start3A_173 = arith.constant 0 : i32
      %dma_start3A_174 = arith.constant 0 : i32
      %dma_start3A_175 = tpu.memref_slice %arg7[%rem3A_98, %dma_start3A_171, %dma_start3A_172, %dma_start3A_173, %dma_start3A_174] : memref<2x4x2x8x131xf32, #tpu.memory_space<vmem>> -> memref<1x4x2x8x128xf32, #tpu.memory_space<vmem>>
      %dma_start3A_176 = tpu.memref_squeeze %dma_start3A_175 : memref<1x4x2x8x128xf32, #tpu.memory_space<vmem>> -> memref<4x2x8x128xf32, #tpu.memory_space<vmem>>
      tpu.enqueue_dma source(%dma_start3A_176 : memref<4x2x8x128xf32, #tpu.memory_space<vmem>>) target(%dma_start3A_170 : memref<4x2x8x128xf32, #tpu.memory_space<hbm>>) target_semaphore(%dma_start3A_164 : memref<!tpu.dma_semaphore, #tpu.memory_space<semaphore_mem>>)
    }
    %scan3A_32 = arith.constant 200 : i32
    %dma_wait3A = arith.constant 0 : i32
    %dma_wait3A_33 = arith.constant 0 : i32
    %dma_wait3A_34 = arith.constant 0 : i32
    %dma_wait3A_35 = arith.constant 0 : i32
    %dma_wait3A_36 = arith.constant 0 : i32
    %dma_wait3A_37 = arith.constant 0 : i32
    %dma_wait3A_38 = arith.constant 0 : i32
    %dma_wait3A_39 = arith.constant 0 : i32
    %dma_wait3A_40 = tpu.memref_slice %arg7[%dma_wait3A, %dma_wait3A_36, %dma_wait3A_37, %dma_wait3A_38, %dma_wait3A_39] : memref<2x4x2x8x131xf32, #tpu.memory_space<vmem>> -> memref<1x4x2x8x128xf32, #tpu.memory_space<vmem>>
    %dma_wait3A_41 = tpu.memref_squeeze %dma_wait3A_40 : memref<1x4x2x8x128xf32, #tpu.memory_space<vmem>> -> memref<4x2x8x128xf32, #tpu.memory_space<vmem>>
    %dma_wait3A_42 = arith.constant 0 : i32
    %dma_wait3A_43 = arith.constant 0 : i32
    %dma_wait3A_44 = arith.constant 0 : i32
    %dma_wait3A_45 = arith.constant 0 : i32
    %dma_wait3A_46 = tpu.memref_slice %arg4[%dma_wait3A_33, %dma_wait3A_42, %dma_wait3A_43, %dma_wait3A_34, %dma_wait3A_44, %dma_wait3A_45] : memref<50x4x2x128x8x128xf32, #tpu.memory_space<hbm>> -> memref<1x4x2x1x8x128xf32, #tpu.memory_space<hbm>>
    %dma_wait3A_47 = tpu.memref_squeeze %dma_wait3A_46 : memref<1x4x2x1x8x128xf32, #tpu.memory_space<hbm>> -> memref<4x2x8x128xf32, #tpu.memory_space<hbm>>
    %dma_wait3A_48 = tpu.memref_slice %arg9[%dma_wait3A_35] : memref<2x!tpu.dma_semaphore, #tpu.memory_space<semaphore_mem>> -> memref<1x!tpu.dma_semaphore, #tpu.memory_space<semaphore_mem>>
    %dma_wait3A_49 = tpu.memref_squeeze %dma_wait3A_48 : memref<1x!tpu.dma_semaphore, #tpu.memory_space<semaphore_mem>> -> memref<!tpu.dma_semaphore, #tpu.memory_space<semaphore_mem>>
    %dma_wait3A_50 = arith.constant 0 : i32
    %dma_wait3A_51 = arith.constant 0 : i32
    %dma_wait3A_52 = arith.constant 0 : i32
    %dma_wait3A_53 = arith.constant 0 : i32
    %dma_wait3A_54 = tpu.memref_slice %arg4[%dma_wait3A_33, %dma_wait3A_50, %dma_wait3A_51, %dma_wait3A_34, %dma_wait3A_52, %dma_wait3A_53] : memref<50x4x2x128x8x128xf32, #tpu.memory_space<hbm>> -> memref<1x4x2x1x8x128xf32, #tpu.memory_space<hbm>>
    %dma_wait3A_55 = tpu.memref_squeeze %dma_wait3A_54 : memref<1x4x2x1x8x128xf32, #tpu.memory_space<hbm>> -> memref<4x2x8x128xf32, #tpu.memory_space<hbm>>
    %dma_wait3A_56 = arith.constant 0 : i32
    %dma_wait3A_57 = arith.constant 0 : i32
    %dma_wait3A_58 = arith.constant 0 : i32
    %dma_wait3A_59 = arith.constant 0 : i32
    %dma_wait3A_60 = tpu.memref_slice %arg7[%dma_wait3A, %dma_wait3A_56, %dma_wait3A_57, %dma_wait3A_58, %dma_wait3A_59] : memref<2x4x2x8x131xf32, #tpu.memory_space<vmem>> -> memref<1x4x2x8x128xf32, #tpu.memory_space<vmem>>
    %dma_wait3A_61 = tpu.memref_squeeze %dma_wait3A_60 : memref<1x4x2x8x128xf32, #tpu.memory_space<vmem>> -> memref<4x2x8x128xf32, #tpu.memory_space<vmem>>
    tpu.wait_dma2 semaphore(%dma_wait3A_49 : memref<!tpu.dma_semaphore, #tpu.memory_space<semaphore_mem>>) src(%dma_wait3A_61 : memref<4x2x8x128xf32, #tpu.memory_space<vmem>>) dst(%dma_wait3A_55 : memref<4x2x8x128xf32, #tpu.memory_space<hbm>>)
    %dma_wait3A_62 = arith.constant 1 : i32
    %dma_wait3A_63 = arith.constant 0 : i32
    %dma_wait3A_64 = arith.constant 0 : i32
    %dma_wait3A_65 = arith.constant 1 : i32
    %dma_wait3A_66 = arith.constant 0 : i32
    %dma_wait3A_67 = arith.constant 0 : i32
    %dma_wait3A_68 = arith.constant 0 : i32
    %dma_wait3A_69 = arith.constant 0 : i32
    %dma_wait3A_70 = tpu.memref_slice %arg7[%dma_wait3A_62, %dma_wait3A_66, %dma_wait3A_67, %dma_wait3A_68, %dma_wait3A_69] : memref<2x4x2x8x131xf32, #tpu.memory_space<vmem>> -> memref<1x4x2x8x128xf32, #tpu.memory_space<vmem>>
    %dma_wait3A_71 = tpu.memref_squeeze %dma_wait3A_70 : memref<1x4x2x8x128xf32, #tpu.memory_space<vmem>> -> memref<4x2x8x128xf32, #tpu.memory_space<vmem>>
    %dma_wait3A_72 = arith.constant 0 : i32
    %dma_wait3A_73 = arith.constant 0 : i32
    %dma_wait3A_74 = arith.constant 0 : i32
    %dma_wait3A_75 = arith.constant 0 : i32
    %dma_wait3A_76 = tpu.memref_slice %arg4[%dma_wait3A_63, %dma_wait3A_72, %dma_wait3A_73, %dma_wait3A_64, %dma_wait3A_74, %dma_wait3A_75] : memref<50x4x2x128x8x128xf32, #tpu.memory_space<hbm>> -> memref<1x4x2x1x8x128xf32, #tpu.memory_space<hbm>>
    %dma_wait3A_77 = tpu.memref_squeeze %dma_wait3A_76 : memref<1x4x2x1x8x128xf32, #tpu.memory_space<hbm>> -> memref<4x2x8x128xf32, #tpu.memory_space<hbm>>
    %dma_wait3A_78 = tpu.memref_slice %arg9[%dma_wait3A_65] : memref<2x!tpu.dma_semaphore, #tpu.memory_space<semaphore_mem>> -> memref<1x!tpu.dma_semaphore, #tpu.memory_space<semaphore_mem>>
    %dma_wait3A_79 = tpu.memref_squeeze %dma_wait3A_78 : memref<1x!tpu.dma_semaphore, #tpu.memory_space<semaphore_mem>> -> memref<!tpu.dma_semaphore, #tpu.memory_space<semaphore_mem>>
    %dma_wait3A_80 = arith.constant 0 : i32
    %dma_wait3A_81 = arith.constant 0 : i32
    %dma_wait3A_82 = arith.constant 0 : i32
    %dma_wait3A_83 = arith.constant 0 : i32
    %dma_wait3A_84 = tpu.memref_slice %arg4[%dma_wait3A_63, %dma_wait3A_80, %dma_wait3A_81, %dma_wait3A_64, %dma_wait3A_82, %dma_wait3A_83] : memref<50x4x2x128x8x128xf32, #tpu.memory_space<hbm>> -> memref<1x4x2x1x8x128xf32, #tpu.memory_space<hbm>>
    %dma_wait3A_85 = tpu.memref_squeeze %dma_wait3A_84 : memref<1x4x2x1x8x128xf32, #tpu.memory_space<hbm>> -> memref<4x2x8x128xf32, #tpu.memory_space<hbm>>
    %dma_wait3A_86 = arith.constant 0 : i32
    %dma_wait3A_87 = arith.constant 0 : i32
    %dma_wait3A_88 = arith.constant 0 : i32
    %dma_wait3A_89 = arith.constant 0 : i32
    %dma_wait3A_90 = tpu.memref_slice %arg7[%dma_wait3A_62, %dma_wait3A_86, %dma_wait3A_87, %dma_wait3A_88, %dma_wait3A_89] : memref<2x4x2x8x131xf32, #tpu.memory_space<vmem>> -> memref<1x4x2x8x128xf32, #tpu.memory_space<vmem>>
    %dma_wait3A_91 = tpu.memref_squeeze %dma_wait3A_90 : memref<1x4x2x8x128xf32, #tpu.memory_space<vmem>> -> memref<4x2x8x128xf32, #tpu.memory_space<vmem>>
    tpu.wait_dma2 semaphore(%dma_wait3A_79 : memref<!tpu.dma_semaphore, #tpu.memory_space<semaphore_mem>>) src(%dma_wait3A_91 : memref<4x2x8x128xf32, #tpu.memory_space<vmem>>) dst(%dma_wait3A_85 : memref<4x2x8x128xf32, #tpu.memory_space<hbm>>)
    return
  }
}

</mosaic_0001>

<sc_bundles>
// kernel: kernel.4.cloned.1.call-start
scs
__scs_entry_jumppad:
0x0: {  	(pc) =	sbr.rel $0x88, $3  }
0x1: {  	(tag) =	ssettag $0x0;
	lr =	simm.s32 $0x1  }
0x2: {  	[smem:$0x3F9F] =	sst lr;
	_ =	strace $0xD0000000  }
0x3: {  	_ = 	snop  }
0x4: {  	_ = 	snop  }
0x5: {  	_ = 	snop  }
0x6: {  	_ = 	snop  }
0x7: {  	_ = 	snop  }
__scs_overlays_trampoline_lowered:
0x8: {  	[smem:$0x3FAE] =	sst s0  }
0x9: {  	[smem:$0x3FAF] =	sst s1  }
0xa: {  	[smem:$0x3FB0] =	sst s2  }
0xb: {  	[smem:$0x3FB1] =	sst s3  }
0xc: {  	[smem:$0x3FB2] =	sst s4  }
0xd: {  	[smem:$0x3FB3] =	sst s5  }
0xe: {  	[smem:$0x3FB4] =	sst s6  }
0xf: {  	[smem:$0x3FB5] =	sst s7  }
0x10: {  	[smem:$0x3FB6] =	sst s8  }
0x11: {  	[smem:$0x3FB7] =	sst s9;
	s0 =	simm.s32 @!p0 $0x0  }
0x12: {  	s1 =	sld [smem:$0x3F9D];
	s0 =	simm.s32 @p0 $0x1  }
0x13: {  	[smem:$0x3FB8] =	sst s0;
	s0 =	simm.s32 @!p1 $0x0  }
0x14: {  	s2 =	sld [smem:$0x3F9C];
	s0 =	simm.s32 @p1 $0x1  }
0x15: {  	[smem:$0x3FB9] =	sst s0;
	s0 =	simm.s32 @!p2 $0x0  }
0x16: {  	s3 =	sld [smem:$0x3FDB];
	s0 =	simm.s32 @p2 $0x1  }
0x17: {  	s4 =	simm.s32 $0x1BF5;
	[smem:$0x3FBB] =	sst s0  }
0x18: {  	s0 =	sld [smem:$0x3F9E];
	_ =	swait.ge [sflag:s4], $0x0  }
0x19: {  	s7 =	sld [smem:$0x3F9F]  }
0x1a: {  	s8 =	sadd.s32 $0xFFFFE003, lr  }
0x1b: {  	s9 =	sadd.s32 $0xFFFFFEF7, lr;
	s5 =	simm.s32 $0xFFFFFFFF;
	p2 =	slt.u32 s8, $0xFFFFF086  }
0x1c: {  	p1 =	slt.u32 s9, $0xF7A;
	s5 =	simm.s32 @!p2 $0x0  }
0x1d: {  	s5 =	simm.s32 @p1 $0x1;
	p0 =	seq.s32 s7, s2  }
0x1e: {  	s7 =	smul.u32 @!p0 $0xF7A, s2;
	p2 =	seq.s32 @!p0 s5, $0x0  }
0x1f: {  	s9 =	smul.u32 $0xF7A, s1;
	s8 =	simm.s32 @!p0 $0x1BF5;
	p2 =	por !p2, p0  }
0x20: {  	[sflag:s8] =	ssyncset.s32 @!p0 $0xFFFFF086;
	s6 =	sadd.s32 @!p0 s3, s7;
	s7 =	simm.s32 @!p0 $0x108  }
0x21: {  	s3 =	sadd.s32 s3, s9;
	s6 =	sadd.s32 @!p0 $0x88, s6;
	s7 =	simm.s32 @p2 $0x1082  }
0x22: {  	[simem:s7], [sflag:s8] =	dma.local @!p0 [hbm:s6], $0xF7A  }
0x23: {  	s9 =	sor.u32 $0xD0000000, s2;
	s6 =	simm.s32 $0x108;
	_ =	swait.ge @!p0 [sflag:s8], $0x0  }
0x24: {  	s3 =	sadd.s32 $0x88, s3;
	s6 =	simm.s32 @!p1 $0x1082;
	[sflag:s4] =	ssyncset.s32 $0xFFFFF086  }
0x25: {  	[simem:s6], [sflag:s4] =	dma.local [hbm:s3], $0xF7A  }
0x26: {  	[smem:$0x3F9F] =	sst s1;
	(tag) =	ssettag s2;
	_ =	strace s9  }
0x27: {  	s1 =	sld [smem:$0x3FAF]  }
0x28: {  	s2 =	sld [smem:$0x3FB0]  }
0x29: {  	s4 =	sld [smem:$0x3FB2]  }
0x2a: {  	p0 =	seq.s32 s5, $0x0;
	s5 =	sld [smem:$0x3FB3]  }
0x2b: {  	s6 =	sld [smem:$0x3FB4]  }
0x2c: {  	s7 =	sld [smem:$0x3FB5]  }
0x2d: {  	s3 =	simm.s32 $0x108;
	s8 =	sld [smem:$0x3FB6]  }
0x2e: {  	s3 =	simm.s32 @!p0 $0x1082;
	s9 =	sld [smem:$0x3FB7]  }
0x2f: {  	lr =	sadd.s32 s0, s3;
	s0 =	sld [smem:$0x3FAE]  }
0x30: {  	s3 =	sld [smem:$0x3FB1]  }
0x31: {  	[smem:$0x3FBA] =	sst s10  }
0x32: {  	s10 =	sld [smem:$0x3FB8];
	_ =	sdelay $0x3  }
0x33: {  	p0 =	seq.s32 s10, $0x1;
	s10 =	sld [smem:$0x3FBA];
	_ =	sdelay $0x3  }
0x34: {  	[smem:$0x3FBA] =	sst s10  }
0x35: {  	s10 =	sld [smem:$0x3FB9];
	_ =	sdelay $0x3  }
0x36: {  	p1 =	seq.s32 s10, $0x1;
	s10 =	sld [smem:$0x3FBA];
	_ =	sdelay $0x3  }
0x37: {  	[smem:$0x3FBA] =	sst s10  }
0x38: {  	s10 =	sld [smem:$0x3FBB]  }
0x39: {  	_ = 	snop;
	(pc) =	sbr.ind lr, $3  }
0x3a: {  	_ = 	snop  }
0x3b: {  	_ = 	snop  }
0x3c: {  	p2 =	seq.s32 s10, $0x1;
	s10 =	sld [smem:$0x3FBA]  }
0x3d: {  	_ =	shalt  }
0x3e: {  	_ =	shalt  }
0x3f: {  	_ =	shalt  }
0x40: {  	_ =	shalt  }
0x41: {  	_ =	shalt  }
0x42: {  	_ =	shalt  }
0x43: {  	_ =	shalt  }
0x44: {  	_ =	shalt  }
0x45: {  	_ =	shalt  }
0x46: {  	_ =	shalt  }
0x47: {  	_ =	shalt  }
0x48: {  	_ =	shalt  }
0x49: {  	_ =	shalt  }
0x4a: {  	_ =	shalt  }
0x4b: {  	_ =	shalt  }
0x4c: {  	_ =	shalt  }
0x4d: {  	_ =	shalt  }
0x4e: {  	_ =	shalt  }
0x4f: {  	_ =	shalt  }
0x50: {  	_ =	shalt  }
0x51: {  	_ =	shalt  }
0x52: {  	_ =	shalt  }
0x53: {  	_ =	shalt  }
0x54: {  	_ =	shalt  }
0x55: {  	_ =	shalt  }
0x56: {  	_ =	shalt  }
0x57: {  	_ =	shalt  }
0x58: {  	_ =	shalt  }
0x59: {  	_ =	shalt  }
0x5a: {  	_ =	shalt  }
0x5b: {  	_ =	shalt  }
0x5c: {  	_ =	shalt  }
0x5d: {  	_ =	shalt  }
0x5e: {  	_ =	shalt  }
0x5f: {  	_ =	shalt  }
0x60: {  	_ =	shalt  }
0x61: {  	_ =	shalt  }
0x62: {  	_ =	shalt  }
0x63: {  	_ =	shalt  }
0x64: {  	_ =	shalt  }
0x65: {  	_ =	shalt  }
0x66: {  	_ =	shalt  }
0x67: {  	_ =	shalt  }
0x68: {  	_ =	shalt  }
0x69: {  	_ =	shalt  }
0x6a: {  	_ =	shalt  }
0x6b: {  	_ =	shalt  }
0x6c: {  	_ =	shalt  }
0x6d: {  	_ =	shalt  }
0x6e: {  	_ =	shalt  }
0x6f: {  	_ =	shalt  }
0x70: {  	_ =	shalt  }
0x71: {  	_ =	shalt  }
0x72: {  	_ =	shalt  }
0x73: {  	_ =	shalt  }
0x74: {  	_ =	shalt  }
0x75: {  	_ =	shalt  }
0x76: {  	_ =	shalt  }
0x77: {  	_ =	shalt  }
0x78: {  	_ =	shalt  }
0x79: {  	_ =	shalt  }
0x7a: {  	_ =	shalt  }
0x7b: {  	_ =	shalt  }
0x7c: {  	_ =	shalt  }
0x7d: {  	_ =	shalt  }
0x7e: {  	_ =	shalt  }
0x7f: {  	_ =	shalt  }
0x80: {  	_ =	shalt  }
0x81: {  	_ =	shalt  }
0x82: {  	_ =	shalt  }
0x83: {  	_ =	shalt  }
0x84: {  	_ =	shalt  }
0x85: {  	_ =	shalt  }
0x86: {  	_ =	shalt  }
0x87: {  	_ =	shalt  }
.Lfunc_end0:
.L_simem_size_0:
called_computation_lowered:
.L_overlay_start_0:
0x88: {  	s2 =	sld [smem:$0x3FD9]  }
0x89: {  	s3 =	sld [smem:$0x3FFE];
	_ =	sdelay $0x1  }
0x8a: {  	s1 =	srdreg.scid  }
0x8b: {  	s0 =	sand.u32 $0x1, s1  }
0x8c: {  	s17 =	sshll.u32 s0, $0xA;
	s2 =	sadd.s32 s3, s2  }
0x8d: {  	s2 =	sadd.s32 s2, s17  }
0x8e: {  	[smem:$0x3FC6] =	sst s2  }
0x8f: {  	_ = 	snop  }
0x90: {  	s2 =	sld [smem:$0x3FC8]  }
0x91: {  	s18 =	sld [smem:$0x3FD0];
	(tm) =	ssettm $0x1  }
0x92: {  	s4 =	sld [smem:$0x3FFB];
	_ =	sdelay $0x3  }
0x93: {  	_ =	strace s4  }
0x94: {  	s4 =	sld [smem:$0x3FFC];
	_ =	sdelay $0x3  }
0x95: {  	_ =	strace s4  }
0x96: {  	s4 =	sld [smem:$0x3FFD];
	_ =	sdelay $0x3  }
0x97: {  	_ =	strace s4  }
0x98: {  	_ =	strace $0x8FFFFFFF  }
0x99: {  	s19 =	sld [smem:$0x3FDB];
	_ =	sdelay $0x1  }
0x9a: {  	s5 =	simm.s32 $_scs_section_size  }
0x9b: {  	s6 =	simm.s32 $_size__tile_overlayer_lowered;
	s7 =	simm.s32 $_tile_overlayer_lowered  }
0x9c: {  	s22 =	simm.s32 $0x1BFF;
	s21 =	sshll.u32 s7, $0x1;
	s4 =	sadd.s32 s5, s19  }
0x9d: {  	s8 =	simm.s32 $0x0;
	s20 =	sshll.u32 s6, $0x1;
	s6 =	sadd.s32 s21, s4  }
0x9e: {  	[timem:s8], [sflag:s22] =	dma.local [hbm:s6], s20  }
0x9f: {  	_ =	swait.ge [sflag:s22], s20  }
0xa0: {  	s5 =	ssub.s32 $0x0, s20;
	[sflag:s22] =	ssyncset.done $0x0  }
0xa1: {  	[sflag:s22] =	ssyncadd.s32 s5;
	_ =	sdelay $0x1  }
0xa2: {  	s23 =	simm.s32 $0x1B8B  }
0xa3: {  	_ =	swait.ge [sflag:s23], $0x1  }
0xa4: {  	[sflag:s23] =	ssyncset.done $0x0  }
0xa5: {  	s25 =	simm.s32 $0x1B8E;
	s24 =	sld [smem:$0x3FFE];
	[sflag:s23] =	ssyncadd.s32 $0xFFFFFFFF  }
0xa6: {  	s26 =	simm.s32 $execute0_lowered;
	[smem:$0x3FD2] =	sst s25  }
0xa7: {  	s6 =	sshll.u32 s26, $0x1;
	_ =	strace $0x80000046;
	[dreg:$0x1] =	wrdreg $0xFFFFFFFF  }
0xa8: {  	s28 =	simm.s32 $_size_execute0_lowered;
	s4 =	sadd.s32 s4, s6;
	[dreg:$0x0] =	wrdreg $0x0  }
0xa9: {  	s6 =	sshll.u32 s28, $0x1;
	[dreg:$0x2] =	wrdreg s4  }
0xaa: {  	[dreg:$0x3] =	wrdreg s6  }
0xab: {  	[dreg:$0x4] =	wrdreg $0xC0  }
0xac: {  	_ =	task [dreg:s8], $0x5FFFF  }
0xad: {  	[dreg:$0x1] =	wrdreg $0xFFFFFFFF  }
0xae: {  	[dreg:$0x0] =	wrdreg $0x60  }
0xaf: {  	[dreg:$0x2] =	wrdreg s2  }
0xb0: {  	[dreg:$0x3] =	wrdreg s18  }
0xb1: {  	[dreg:$0x4] =	wrdreg s24  }
0xb2: {  	[dreg:$0x5] =	wrdreg $0x9  }
0xb3: {  	_ =	task.clear_ibuf [dreg:s8], $0x6FFFF;
	_ =	strace $0x90000046  }
0xb4: {  	s29 =	simm.s32 $0x9;
	_ =	strace $0x80000048  }
0xb5: {  	_ =	swait.ge [sflag:s29], $0x1  }
0xb6: {  	[sflag:s29] =	ssyncadd.s32 $0xFFFFFFFF  }
0xb7: {  	_ =	strace $0x90000048  }
0xb8: {  	_ =	sfence  }
0xb9: {  	s30 =	sld [smem:$0x0];
	_ =	sdelay $0x2  }
0xba: {  	s31 =	sshll.u32 s1, $0xD;
	s1 =	sshrl.u32 s1, $0x2  }
0xbb: {  	s3 =	sand.u32 $0x4000, s31;
	s1 =	sadd.s32 s1, s30  }
0xbc: {  	s0 =	sor.u32 s3, s0;
	s1 =	sshll.u32 s1, $0x11  }
0xbd: {  	s0 =	sor.u32 s1, s0  }
0xbe: {  	s0 =	sadd.s32 $0x8F2B, s0  }
0xbf: {  	[sflag:s0] =	ssyncadd.remote.s32 $0x1  }
0xc0: {  	_ =	sfence.sel $0xFFFF  }
0xc1: {  	[dreg:$0x0] =	wrdreg $0xFFFFFFFF;
	(pc) =	sbr.abs _section_cstart, $3  }
0xc2: {  	[dreg:$0x1] =	wrdreg $0xFFFFFFFF  }
0xc3: {  	_ =	task.clear_ibuf [dreg:s8], $0x2FFFF;
	_ =	strace $0x9FFFFFFF  }
0xc4: {  	(tm) =	ssettm $0x7FFFFFFF  }
0xc5: {  	_ =	shalt  }
tec
execute0_lowered:
.L_overlay_start_1:
0x0: {  	(tag) =	ssettag $0x1  }
0x1: {  	vm6 =	vcmask $0xF0C;
	vm8 =	vcmask $0x704;
	vm5 =	vcmask $0x1714  }
0x2: {  	vm4 =	vcmask $0x1F1C;
	vm3 =	vcmask $0x2724;
	vm2 =	vcmask $0x2F2C  }
0x3: {  	vm1 =	vcmask $0x3734;
	v0 =	vimm.s32 $0x4B0A4908;
	v1 =	vimm.s32 $0x4F0E4D0C  }
0x4: {  	v2 =	vimm.s32 $0x43024100;
	v3 =	vimm.s32 $0x47064504;
	v62 =	vimm.s32 $0x44F  }
0x5: {  	vm10 =	vcmask $0x300;
	vm11 =	vcmask $0x1F10;
	vm9 =	vcmask $0xB08  }
0x6: {  	v44 =	vimm.s32 $0x5B1A5918;
	v45 =	vimm.s32 $0x5F1E5D1C;
	vm12 =	vcmask $0x1310  }
0x7: {  	v46 =	vimm.s32 $0x53125110;
	v47 =	vimm.s32 $0x57165514;
	v7 =	vimm.s32 $0x63226120  }
0x8: {  	v50 =	vimm.s32 $0x67266524;
	v10 =	vimm.s32 $0x7B3A7938;
	v51 =	vimm.s32 $0x7F3E7D3C  }
0x9: {  	v13 =	vimm.s32 $0x73327130;
	v14 =	vimm.s32 $0x77367534;
	v15 =	vimm.s32 $0x45F  }
0xa: {  	v16 =	vimm.s32 $0x85F;
	v17 =	vimm.s32 $0xC5F;
	v18 =	vimm.s32 $0x105F  }
0xb: {  	v19 =	vimm.s32 $0x145F;
	v20 =	vimm.s32 $0x185F;
	v21 =	vimm.s32 $0x1C5F  }
0xc: {  	v22 =	vimm.s32 $0x46F;
	v23 =	vimm.s32 $0x86F;
	v24 =	vimm.s32 $0xC6F  }
0xd: {  	v25 =	vimm.s32 $0x106F;
	v26 =	vimm.s32 $0x146F;
	v27 =	vimm.s32 $0x186F  }
0xe: {  	v28 =	vimm.s32 $0x1C6F;
	v29 =	vimm.s32 $0x47F;
	v30 =	vimm.s32 $0x87F  }
0xf: {  	v31 =	vimm.s32 $0xC7F;
	v32 =	vimm.s32 $0x107F;
	v33 =	vimm.s32 $0x147F  }
0x10: {  	v34 =	vimm.s32 $0x187F;
	v35 =	vimm.s32 $0x1C7F;
	vm13 =	vcmask $0x1B18  }
0x11: {  	vm14 =	vcmask $0x2320;
	vm15 =	vcmask $0x2B28;
	vm0 =	vmor vm8, vm6  }
0x12: {  	v0 =	vunpack.c.0.s8.s32 v0;
	v1 =	vunpack.c.0.s8.s32 v1;
	v2 =	vunpack.c.0.s8.s32 v2  }
0x13: {  	v4 =	vunpack.c.0.s8.s32 v3;
	v6 =	vsel vm10, $0x400, v62;
	v9 =	vunpack.c.0.s8.s32 v7  }
0x14: {  	v11 =	vunpack.c.0.s8.s32 v50;
	v10 =	vunpack.c.0.s8.s32 v10;
	v12 =	vunpack.c.0.s8.s32 v51  }
0x15: {  	v52 =	vunpack.c.0.s8.s32 v13;
	v13 =	vunpack.c.0.s8.s32 v14;
	v14 =	vimm.s32 $0x1C4F  }
0x16: {  	v15 =	vsel vm10, $0x410, v15;
	v16 =	vsel vm10, $0x810, v16;
	v17 =	vsel vm10, $0xC10, v17  }
0x17: {  	v18 =	vsel vm10, $0x1010, v18;
	v19 =	vsel vm10, $0x1410, v19;
	v20 =	vsel vm10, $0x1810, v20  }
0x18: {  	v21 =	vsel vm10, $0x1C10, v21;
	v22 =	vsel vm10, $0x420, v22;
	v23 =	vsel vm10, $0x820, v23  }
0x19: {  	v24 =	vsel vm10, $0xC20, v24;
	v25 =	vsel vm10, $0x1020, v25;
	v26 =	vsel vm10, $0x1420, v26  }
0x1a: {  	v27 =	vsel vm10, $0x1820, v27;
	v28 =	vsel vm10, $0x1C20, v28;
	v29 =	vsel vm10, $0x430, v29  }
0x1b: {  	v30 =	vsel vm10, $0x830, v30;
	v31 =	vsel vm10, $0xC30, v31;
	v32 =	vsel vm10, $0x1030, v32  }
0x1c: {  	v33 =	vsel vm10, $0x1430, v33;
	v34 =	vsel vm10, $0x1830, v34;
	v35 =	vsel vm10, $0x1C30, v35  }
0x1d: {  	vm0 =	vmor vm0, vm5;
	v43 =	vsel vm8, $0x441, v6;
	v14 =	vsel vm10, $0x1C00, v14  }
0x1e: {  	v15 =	vsel vm8, $0x451, v15;
	v16 =	vsel vm8, $0x851, v16;
	v17 =	vsel vm8, $0xC51, v17  }
0x1f: {  	v18 =	vsel vm8, $0x1051, v18;
	v19 =	vsel vm8, $0x1451, v19;
	v20 =	vsel vm8, $0x1851, v20  }
0x20: {  	v21 =	vsel vm8, $0x1C51, v21;
	v22 =	vsel vm8, $0x461, v22;
	v23 =	vsel vm8, $0x861, v23  }
0x21: {  	v24 =	vsel vm8, $0xC61, v24;
	v25 =	vsel vm8, $0x1061, v25;
	v26 =	vsel vm8, $0x1461, v26  }
0x22: {  	v27 =	vsel vm8, $0x1861, v27;
	v28 =	vsel vm8, $0x1C61, v28;
	v29 =	vsel vm8, $0x471, v29  }
0x23: {  	v30 =	vsel vm8, $0x871, v30;
	v31 =	vsel vm8, $0xC71, v31;
	v32 =	vsel vm8, $0x1071, v32  }
0x24: {  	v33 =	vsel vm8, $0x1471, v33;
	v34 =	vsel vm8, $0x1871, v34;
	v35 =	vsel vm8, $0x1C71, v35  }
0x25: {  	vm0 =	vmor vm0, vm4;
	v63 =	vsel vm11, v1, v0;
	v5 =	vsel vm11, v4, v2  }
0x26: {  	v0 =	vsel vm9, $0x402, v43;
	v1 =	vunpack.c.0.s8.s32 v44;
	v2 =	vunpack.c.0.s8.s32 v45  }
0x27: {  	v53 =	vsel vm11, v11, v9;
	v9 =	vimm.s32 $0x84F;
	v11 =	vimm.s32 $0x104F  }
0x28: {  	v14 =	vsel vm8, $0x1C41, v14;
	v15 =	vsel vm9, $0x412, v15;
	v16 =	vsel vm9, $0x812, v16  }
0x29: {  	v17 =	vsel vm9, $0xC12, v17;
	v18 =	vsel vm9, $0x1012, v18;
	v19 =	vsel vm9, $0x1412, v19  }
0x2a: {  	v20 =	vsel vm9, $0x1812, v20;
	v21 =	vsel vm9, $0x1C12, v21;
	v22 =	vsel vm9, $0x422, v22  }
0x2b: {  	v23 =	vsel vm9, $0x822, v23;
	v24 =	vsel vm9, $0xC22, v24;
	v25 =	vsel vm9, $0x1022, v25  }
0x2c: {  	v26 =	vsel vm9, $0x1422, v26;
	v27 =	vsel vm9, $0x1822, v27;
	v28 =	vsel vm9, $0x1C22, v28  }
0x2d: {  	v29 =	vsel vm9, $0x432, v29;
	v30 =	vsel vm9, $0x832, v30;
	v31 =	vsel vm9, $0xC32, v31  }
0x2e: {  	v32 =	vsel vm9, $0x1032, v32;
	v33 =	vsel vm9, $0x1432, v33;
	v34 =	vsel vm9, $0x1832, v34  }
0x2f: {  	v35 =	vsel vm9, $0x1C32, v35;
	vm0 =	vmor vm0, vm3;
	v8 =	vsel vm6, $0x443, v0  }
0x30: {  	v0 =	vunpack.c.0.s8.s32 v46;
	v9 =	vsel vm10, $0x800, v9;
	v11 =	vsel vm10, $0x1000, v11  }
0x31: {  	v14 =	vsel vm9, $0x1C02, v14;
	v15 =	vsel vm6, $0x453, v15;
	v16 =	vsel vm6, $0x853, v16  }
0x32: {  	v17 =	vsel vm6, $0xC53, v17;
	v18 =	vsel vm6, $0x1053, v18;
	v19 =	vsel vm6, $0x1453, v19  }
0x33: {  	v20 =	vsel vm6, $0x1853, v20;
	v21 =	vsel vm6, $0x1C53, v21;
	v22 =	vsel vm6, $0x463, v22  }
0x34: {  	v23 =	vsel vm6, $0x863, v23;
	v24 =	vsel vm6, $0xC63, v24;
	v25 =	vsel vm6, $0x1063, v25  }
0x35: {  	v26 =	vsel vm6, $0x1463, v26;
	v27 =	vsel vm6, $0x1863, v27;
	v28 =	vsel vm6, $0x1C63, v28  }
0x36: {  	v29 =	vsel vm6, $0x473, v29;
	v30 =	vsel vm6, $0x873, v30;
	v31 =	vsel vm6, $0xC73, v31  }
0x37: {  	v32 =	vsel vm6, $0x1073, v32;
	v33 =	vsel vm6, $0x1473, v33;
	v34 =	vsel vm6, $0x1873, v34  }
0x38: {  	v35 =	vsel vm6, $0x1C73, v35;
	vm0 =	vmor vm0, vm2;
	v2 =	vsel vm11, v2, v1  }
0x39: {  	v1 =	vunpack.c.0.s8.s32 v47;
	v8 =	vsel vm12, $0x404, v8;
	v9 =	vsel vm8, $0x841, v9  }
0x3a: {  	v11 =	vsel vm8, $0x1041, v11;
	v14 =	vsel vm6, $0x1C43, v14;
	v15 =	vsel vm12, $0x414, v15  }
0x3b: {  	v16 =	vsel vm12, $0x814, v16;
	v17 =	vsel vm12, $0xC14, v17;
	v18 =	vsel vm12, $0x1014, v18  }
0x3c: {  	v19 =	vsel vm12, $0x1414, v19;
	v20 =	vsel vm12, $0x1814, v20;
	v21 =	vsel vm12, $0x1C14, v21  }
0x3d: {  	v22 =	vsel vm12, $0x424, v22;
	v23 =	vsel vm12, $0x824, v23;
	v24 =	vsel vm12, $0xC24, v24  }
0x3e: {  	v25 =	vsel vm12, $0x1024, v25;
	v26 =	vsel vm12, $0x1424, v26;
	v27 =	vsel vm12, $0x1824, v27  }
0x3f: {  	v28 =	vsel vm12, $0x1C24, v28;
	v29 =	vsel vm12, $0x434, v29;
	v30 =	vsel vm12, $0x834, v30  }
0x40: {  	v31 =	vsel vm12, $0xC34, v31;
	v32 =	vsel vm12, $0x1034, v32;
	v33 =	vsel vm12, $0x1434, v33  }
0x41: {  	v34 =	vsel vm12, $0x1834, v34;
	v35 =	vsel vm12, $0x1C34, v35;
	vm0 =	vmor vm0, vm1  }
0x42: {  	v8 =	vsel vm5, $0x445, v8;
	v9 =	vsel vm9, $0x802, v9;
	v11 =	vsel vm9, $0x1002, v11  }
0x43: {  	v14 =	vsel vm12, $0x1C04, v14;
	v15 =	vsel vm5, $0x455, v15;
	v16 =	vsel vm5, $0x855, v16  }
0x44: {  	v17 =	vsel vm5, $0xC55, v17;
	v18 =	vsel vm5, $0x1055, v18;
	v19 =	vsel vm5, $0x1455, v19  }
0x45: {  	v20 =	vsel vm5, $0x1855, v20;
	v21 =	vsel vm5, $0x1C55, v21;
	v22 =	vsel vm5, $0x465, v22  }
0x46: {  	v23 =	vsel vm5, $0x865, v23;
	v24 =	vsel vm5, $0xC65, v24;
	v25 =	vsel vm5, $0x1065, v25  }
0x47: {  	v26 =	vsel vm5, $0x1465, v26;
	v27 =	vsel vm5, $0x1865, v27;
	v28 =	vsel vm5, $0x1C65, v28  }
0x48: {  	v29 =	vsel vm5, $0x475, v29;
	v30 =	vsel vm5, $0x875, v30;
	v31 =	vsel vm5, $0xC75, v31  }
0x49: {  	v32 =	vsel vm5, $0x1075, v32;
	v33 =	vsel vm5, $0x1475, v33;
	v34 =	vsel vm5, $0x1875, v34  }
0x4a: {  	v35 =	vsel vm5, $0x1C75, v35;
	v7 =	vsel vm11, v1, v0;
	v0 =	vsel vm11, v12, v10  }
0x4b: {  	v1 =	vsel vm11, v13, v52;
	v10 =	vimm.s32 $0xC4F;
	v12 =	vimm.s32 $0x144F  }
0x4c: {  	v13 =	vimm.s32 $0x184F;
	v8 =	vsel vm13, $0x406, v8;
	v9 =	vsel vm6, $0x843, v9  }
0x4d: {  	v11 =	vsel vm6, $0x1043, v11;
	v14 =	vsel vm5, $0x1C45, v14;
	v15 =	vsel vm13, $0x416, v15  }
0x4e: {  	v16 =	vsel vm13, $0x816, v16;
	v17 =	vsel vm13, $0xC16, v17;
	v18 =	vsel vm13, $0x1016, v18  }
0x4f: {  	v19 =	vsel vm13, $0x1416, v19;
	v20 =	vsel vm13, $0x1816, v20;
	v21 =	vsel vm13, $0x1C16, v21  }
0x50: {  	v22 =	vsel vm13, $0x426, v22;
	v23 =	vsel vm13, $0x826, v23;
	v24 =	vsel vm13, $0xC26, v24  }
0x51: {  	v25 =	vsel vm13, $0x1026, v25;
	v26 =	vsel vm13, $0x1426, v26;
	v27 =	vsel vm13, $0x1826, v27  }
0x52: {  	v28 =	vsel vm13, $0x1C26, v28;
	v29 =	vsel vm13, $0x436, v29;
	v30 =	vsel vm13, $0x836, v30  }
0x53: {  	v31 =	vsel vm13, $0xC36, v31;
	v32 =	vsel vm13, $0x1036, v32;
	v33 =	vsel vm13, $0x1436, v33  }
0x54: {  	v34 =	vsel vm13, $0x1836, v34;
	v35 =	vsel vm13, $0x1C36, v35;
	v10 =	vsel vm10, $0xC00, v10  }
0x55: {  	v12 =	vsel vm10, $0x1400, v12;
	v13 =	vsel vm10, $0x1800, v13;
	v8 =	vsel vm4, $0x447, v8  }
0x56: {  	v9 =	vsel vm12, $0x804, v9;
	v11 =	vsel vm12, $0x1004, v11;
	v14 =	vsel vm13, $0x1C06, v14  }
0x57: {  	v15 =	vsel vm4, $0x457, v15;
	v16 =	vsel vm4, $0x857, v16;
	v17 =	vsel vm4, $0xC57, v17  }
0x58: {  	v18 =	vsel vm4, $0x1057, v18;
	v19 =	vsel vm4, $0x1457, v19;
	v20 =	vsel vm4, $0x1857, v20  }
0x59: {  	v21 =	vsel vm4, $0x1C57, v21;
	v22 =	vsel vm4, $0x467, v22;
	v23 =	vsel vm4, $0x867, v23  }
0x5a: {  	v24 =	vsel vm4, $0xC67, v24;
	v25 =	vsel vm4, $0x1067, v25;
	v26 =	vsel vm4, $0x1467, v26  }
0x5b: {  	v27 =	vsel vm4, $0x1867, v27;
	v28 =	vsel vm4, $0x1C67, v28;
	v29 =	vsel vm4, $0x477, v29  }
0x5c: {  	v30 =	vsel vm4, $0x877, v30;
	v31 =	vsel vm4, $0xC77, v31;
	v32 =	vsel vm4, $0x1077, v32  }
0x5d: {  	v33 =	vsel vm4, $0x1477, v33;
	v34 =	vsel vm4, $0x1877, v34;
	v35 =	vsel vm4, $0x1C77, v35  }
0x5e: {  	v10 =	vsel vm8, $0xC41, v10;
	v12 =	vsel vm8, $0x1441, v12;
	v13 =	vsel vm8, $0x1841, v13  }
0x5f: {  	v9 =	vsel vm5, $0x845, v9;
	v11 =	vsel vm5, $0x1045, v11;
	v8 =	vsel vm14, $0x408, v8  }
0x60: {  	v14 =	vsel vm4, $0x1C47, v14;
	v15 =	vsel vm14, $0x418, v15;
	v16 =	vsel vm14, $0x818, v16  }
0x61: {  	v17 =	vsel vm14, $0xC18, v17;
	v18 =	vsel vm14, $0x1018, v18;
	v19 =	vsel vm14, $0x1418, v19  }
0x62: {  	v20 =	vsel vm14, $0x1818, v20;
	v21 =	vsel vm14, $0x1C18, v21;
	v22 =	vsel vm14, $0x428, v22  }
0x63: {  	v23 =	vsel vm14, $0x828, v23;
	v24 =	vsel vm14, $0xC28, v24;
	v25 =	vsel vm14, $0x1028, v25  }
0x64: {  	v26 =	vsel vm14, $0x1428, v26;
	v27 =	vsel vm14, $0x1828, v27;
	v28 =	vsel vm14, $0x1C28, v28  }
0x65: {  	v29 =	vsel vm14, $0x438, v29;
	v30 =	vsel vm14, $0x838, v30;
	v31 =	vsel vm14, $0xC38, v31  }
0x66: {  	v32 =	vsel vm14, $0x1038, v32;
	v33 =	vsel vm14, $0x1438, v33;
	v34 =	vsel vm14, $0x1838, v34  }
0x67: {  	v35 =	vsel vm14, $0x1C38, v35;
	v10 =	vsel vm9, $0xC02, v10;
	v12 =	vsel vm9, $0x1402, v12  }
0x68: {  	v13 =	vsel vm9, $0x1802, v13;
	v9 =	vsel vm13, $0x806, v9;
	v11 =	vsel vm13, $0x1006, v11  }
0x69: {  	v8 =	vsel vm3, $0x449, v8;
	v14 =	vsel vm14, $0x1C08, v14;
	v15 =	vsel vm3, $0x459, v15  }
0x6a: {  	v16 =	vsel vm3, $0x859, v16;
	v17 =	vsel vm3, $0xC59, v17;
	v18 =	vsel vm3, $0x1059, v18  }
0x6b: {  	v19 =	vsel vm3, $0x1459, v19;
	v20 =	vsel vm3, $0x1859, v20;
	v21 =	vsel vm3, $0x1C59, v21  }
0x6c: {  	v22 =	vsel vm3, $0x469, v22;
	v23 =	vsel vm3, $0x869, v23;
	v24 =	vsel vm3, $0xC69, v24  }
0x6d: {  	v25 =	vsel vm3, $0x1069, v25;
	v26 =	vsel vm3, $0x1469, v26;
	v27 =	vsel vm3, $0x1869, v27  }
0x6e: {  	v28 =	vsel vm3, $0x1C69, v28;
	v29 =	vsel vm3, $0x479, v29;
	v30 =	vsel vm3, $0x879, v30  }
0x6f: {  	v31 =	vsel vm3, $0xC79, v31;
	v32 =	vsel vm3, $0x1079, v32;
	v33 =	vsel vm3, $0x1479, v33  }
0x70: {  	v34 =	vsel vm3, $0x1879, v34;
	v35 =	vsel vm3, $0x1C79, v35;
	v10 =	vsel vm6, $0xC43, v10  }
0x71: {  	v12 =	vsel vm6, $0x1443, v12;
	v13 =	vsel vm6, $0x1843, v13;
	v9 =	vsel vm4, $0x847, v9  }
0x72: {  	v11 =	vsel vm4, $0x1047, v11;
	v8 =	vsel vm15, $0x40A, v8;
	v14 =	vsel vm3, $0x1C49, v14  }
0x73: {  	v15 =	vsel vm15, $0x41A, v15;
	v16 =	vsel vm15, $0x81A, v16;
	v17 =	vsel vm15, $0xC1A, v17  }
0x74: {  	v18 =	vsel vm15, $0x101A, v18;
	v19 =	vsel vm15, $0x141A, v19;
	v20 =	vsel vm15, $0x181A, v20  }
0x75: {  	v21 =	vsel vm15, $0x1C1A, v21;
	v22 =	vsel vm15, $0x42A, v22;
	v23 =	vsel vm15, $0x82A, v23  }
0x76: {  	v24 =	vsel vm15, $0xC2A, v24;
	v25 =	vsel vm15, $0x102A, v25;
	v26 =	vsel vm15, $0x142A, v26  }
0x77: {  	v27 =	vsel vm15, $0x182A, v27;
	v28 =	vsel vm15, $0x1C2A, v28;
	v29 =	vsel vm15, $0x43A, v29  }
0x78: {  	v30 =	vsel vm15, $0x83A, v30;
	v31 =	vsel vm15, $0xC3A, v31;
	v32 =	vsel vm15, $0x103A, v32  }
0x79: {  	v33 =	vsel vm15, $0x143A, v33;
	v34 =	vsel vm15, $0x183A, v34;
	v35 =	vsel vm15, $0x1C3A, v35  }
0x7a: {  	v10 =	vsel vm12, $0xC04, v10;
	v12 =	vsel vm12, $0x1404, v12;
	v13 =	vsel vm12, $0x1804, v13  }
0x7b: {  	v9 =	vsel vm14, $0x808, v9;
	v11 =	vsel vm14, $0x1008, v11;
	v8 =	vsel vm2, $0x44B, v8  }
0x7c: {  	v14 =	vsel vm15, $0x1C0A, v14;
	v15 =	vsel vm2, $0x45B, v15;
	v16 =	vsel vm2, $0x85B, v16  }
0x7d: {  	v17 =	vsel vm2, $0xC5B, v17;
	v18 =	vsel vm2, $0x105B, v18;
	v19 =	vsel vm2, $0x145B, v19  }
0x7e: {  	v20 =	vsel vm2, $0x185B, v20;
	v21 =	vsel vm2, $0x1C5B, v21;
	v22 =	vsel vm2, $0x46B, v22  }
0x7f: {  	v23 =	vsel vm2, $0x86B, v23;
	v24 =	vsel vm2, $0xC6B, v24;
	v25 =	vsel vm2, $0x106B, v25  }
0x80: {  	v26 =	vsel vm2, $0x146B, v26;
	v27 =	vsel vm2, $0x186B, v27;
	v28 =	vsel vm2, $0x1C6B, v28  }
0x81: {  	v29 =	vsel vm2, $0x47B, v29;
	v30 =	vsel vm2, $0x87B, v30;
	v31 =	vsel vm2, $0xC7B, v31  }
0x82: {  	v32 =	vsel vm2, $0x107B, v32;
	v33 =	vsel vm2, $0x147B, v33;
	v34 =	vsel vm2, $0x187B, v34  }
0x83: {  	v35 =	vsel vm2, $0x1C7B, v35;
	v10 =	vsel vm5, $0xC45, v10;
	v12 =	vsel vm5, $0x1445, v12  }
0x84: {  	v13 =	vsel vm5, $0x1845, v13;
	v9 =	vsel vm3, $0x849, v9;
	v11 =	vsel vm3, $0x1049, v11  }
0x85: {  	v14 =	vsel vm2, $0x1C4B, v14;
	v10 =	vsel vm13, $0xC06, v10;
	v12 =	vsel vm13, $0x1406, v12  }
0x86: {  	v13 =	vsel vm13, $0x1806, v13;
	v9 =	vsel vm15, $0x80A, v9;
	v11 =	vsel vm15, $0x100A, v11  }
0x87: {  	v10 =	vsel vm4, $0xC47, v10;
	v12 =	vsel vm4, $0x1447, v12;
	v13 =	vsel vm4, $0x1847, v13  }
0x88: {  	v9 =	vsel vm2, $0x84B, v9;
	v11 =	vsel vm2, $0x104B, v11;
	v10 =	vsel vm14, $0xC08, v10  }
0x89: {  	v12 =	vsel vm14, $0x1408, v12;
	v13 =	vsel vm14, $0x1808, v13;
	v10 =	vsel vm3, $0xC49, v10  }
0x8a: {  	v12 =	vsel vm3, $0x1449, v12;
	v13 =	vsel vm3, $0x1849, v13;
	vm3 =	vcmask $0x3330  }
0x8b: {  	v10 =	vsel vm15, $0xC0A, v10;
	v12 =	vsel vm15, $0x140A, v12;
	v13 =	vsel vm15, $0x180A, v13  }
0x8c: {  	v8 =	vsel vm3, $0x40C, v8;
	v9 =	vsel vm3, $0x80C, v9;
	v11 =	vsel vm3, $0x100C, v11  }
0x8d: {  	v14 =	vsel vm3, $0x1C0C, v14;
	v15 =	vsel vm3, $0x41C, v15;
	v16 =	vsel vm3, $0x81C, v16  }
0x8e: {  	v17 =	vsel vm3, $0xC1C, v17;
	v18 =	vsel vm3, $0x101C, v18;
	v19 =	vsel vm3, $0x141C, v19  }
0x8f: {  	v20 =	vsel vm3, $0x181C, v20;
	v21 =	vsel vm3, $0x1C1C, v21;
	v22 =	vsel vm3, $0x42C, v22  }
0x90: {  	v23 =	vsel vm3, $0x82C, v23;
	v24 =	vsel vm3, $0xC2C, v24;
	v25 =	vsel vm3, $0x102C, v25  }
0x91: {  	v26 =	vsel vm3, $0x142C, v26;
	v27 =	vsel vm3, $0x182C, v27;
	v28 =	vsel vm3, $0x1C2C, v28  }
0x92: {  	v29 =	vsel vm3, $0x43C, v29;
	v30 =	vsel vm3, $0x83C, v30;
	v31 =	vsel vm3, $0xC3C, v31  }
0x93: {  	v32 =	vsel vm3, $0x103C, v32;
	v33 =	vsel vm3, $0x143C, v33;
	v34 =	vsel vm3, $0x183C, v34  }
0x94: {  	v35 =	vsel vm3, $0x1C3C, v35;
	v10 =	vsel vm2, $0xC4B, v10;
	v12 =	vsel vm2, $0x144B, v12  }
0x95: {  	v13 =	vsel vm2, $0x184B, v13;
	v8 =	vsel vm1, $0x44D, v8;
	v9 =	vsel vm1, $0x84D, v9  }
0x96: {  	v11 =	vsel vm1, $0x104D, v11;
	v14 =	vsel vm1, $0x1C4D, v14;
	v15 =	vsel vm1, $0x45D, v15  }
0x97: {  	v16 =	vsel vm1, $0x85D, v16;
	v17 =	vsel vm1, $0xC5D, v17;
	v18 =	vsel vm1, $0x105D, v18  }
0x98: {  	v19 =	vsel vm1, $0x145D, v19;
	v20 =	vsel vm1, $0x185D, v20;
	v21 =	vsel vm1, $0x1C5D, v21  }
0x99: {  	v22 =	vsel vm1, $0x46D, v22;
	v23 =	vsel vm1, $0x86D, v23;
	v24 =	vsel vm1, $0xC6D, v24  }
0x9a: {  	v25 =	vsel vm1, $0x106D, v25;
	v26 =	vsel vm1, $0x146D, v26;
	v27 =	vsel vm1, $0x186D, v27  }
0x9b: {  	v28 =	vsel vm1, $0x1C6D, v28;
	v29 =	vsel vm1, $0x47D, v29;
	v30 =	vsel vm1, $0x87D, v30  }
0x9c: {  	v31 =	vsel vm1, $0xC7D, v31;
	v32 =	vsel vm1, $0x107D, v32;
	v33 =	vsel vm1, $0x147D, v33  }
0x9d: {  	v34 =	vsel vm1, $0x187D, v34;
	v35 =	vsel vm1, $0x1C7D, v35;
	v10 =	vsel vm3, $0xC0C, v10  }
0x9e: {  	v12 =	vsel vm3, $0x140C, v12;
	v13 =	vsel vm3, $0x180C, v13;
	v10 =	vsel vm1, $0xC4D, v10  }
0x9f: {  	v12 =	vsel vm1, $0x144D, v12;
	v13 =	vsel vm1, $0x184D, v13;
	vm1 =	vcmask $0x3B38  }
0xa0: {  	v8 =	vsel vm1, $0x40E, v8  }
0xa1: {  	[tilespmem:$0x1FC10] =	vst v8;
	v8 =	vsel vm1, $0x80E, v9  }
0xa2: {  	[tilespmem:$0x1FC20] =	vst v8;
	v8 =	vsel vm1, $0x180E, v13  }
0xa3: {  	[tilespmem:$0x1FC30] =	vst v8;
	v8 =	vsel vm1, $0x1C0E, v14  }
0xa4: {  	[tilespmem:$0x1FC40] =	vst v8;
	v8 =	vsel vm1, $0x81E, v16  }
0xa5: {  	[tilespmem:$0x1FC50] =	vst v8;
	v8 =	vsel vm1, $0xC1E, v17  }
0xa6: {  	[tilespmem:$0x1FC60] =	vst v8;
	v8 =	vsel vm1, $0x101E, v18  }
0xa7: {  	[tilespmem:$0x1FC70] =	vst v8;
	v8 =	vsel vm1, $0x141E, v19  }
0xa8: {  	[tilespmem:$0x1FC80] =	vst v8;
	v8 =	vsel vm1, $0x181E, v20  }
0xa9: {  	[tilespmem:$0x1FC90] =	vst v8;
	v8 =	vsel vm1, $0x1C1E, v21  }
0xaa: {  	[tilespmem:$0x1FCA0] =	vst v8;
	v8 =	vsel vm1, $0x82E, v23  }
0xab: {  	[tilespmem:$0x1FCB0] =	vst v8;
	v8 =	vsel vm1, $0xC2E, v24  }
0xac: {  	[tilespmem:$0x1FCC0] =	vst v8;
	v8 =	vsel vm1, $0x102E, v25  }
0xad: {  	v36 =	vlaneseq.u32;
	s0 =	rddreg [dreg:$0x0];
	[tilespmem:$0x1FCD0] =	vst v8;
	v8 =	vsel vm1, $0x142E, v26  }
0xae: {  	v49 =	vimm.s32 $0x6F2E6D2C;
	s1 =	rddreg [dreg:$0x1];
	v45 =	vmul.u32 $0x80, v36;
	[tilespmem:$0x1FCE0] =	vst v8;
	v8 =	vsel vm1, $0x182E, v27  }
0xaf: {  	v48 =	vimm.s32 $0x6B2A6928;
	s9 =	rddreg [dreg:$0x2];
	s4 =	simm.s32 $0x0;
	v6 =	vunpack.c.0.s8.s32 v49;
	[tilespmem:$0x1FCF0] =	vst v8;
	v8 =	vsel vm1, $0x1C2E, v28  }
0xb0: {  	[smem:$0x7FF] =	sst s4;
	v4 =	vunpack.c.0.s8.s32 v48;
	v39 =	vsel vm1, $0x140E, v12;
	v12 =	vor.u32 $0x1050, v45;
	[tilespmem:$0x1FD00] =	vst v8  }
0xb1: {  	s2 =	rddreg [dreg:$0x3];
	v0 =	vcombine.low v1, v0;
	v14 =	vor.u32 $0x1060, v45;
	_ =	strace $0x80000047;
	[tilespmem:$0x1FD10] =	vst v12  }
0xb2: {  	v4 =	vsel vm11, v6, v4;
	[tilespmem:$0x1FD20] =	vst v14  }
0xb3: {  	v53 =	vcombine.low v53, v4;
	v52 =	vor.u32 $0x1000, v45;
	[tilespmem:$0x1FD30] =	vst v0  }
0xb4: {  	[tilespmem:$0x1FD40] =	vst v52  }
0xb5: {  	v58 =	vor.u32 $0x1810, v45;
	[tilespmem:$0x1FD50] =	vst v53  }
0xb6: {  	v54 =	vor.u32 $0x1010, v45;
	[tilespmem:$0x1FD60] =	vst v58  }
0xb7: {  	v55 =	vor.u32 $0x1020, v45;
	[tilespmem:$0x1FD70] =	vst v54  }
0xb8: {  	v41 =	vsel vm1, $0xC3E, v31;
	v31 =	vor.u32 $0x1840, v45;
	[tilespmem:$0x1FD80] =	vst v55  }
0xb9: {  	v38 =	vsel vm1, $0x42E, v22;
	v22 =	vor.u32 $0x1070, v45;
	[tilespmem:$0x1FD90] =	vst v31  }
0xba: {  	v60 =	vor.u32 $0x1030, v45;
	[tilespmem:$0x1FDA0] =	vst v22  }
0xbb: {  	v57 =	vor.u32 $0x1040, v45;
	[tilespmem:$0x1FDB0] =	vst v60  }
0xbc: {  	v47 =	vsel vm1, $0x43E, v29;
	v29 =	vor.u32 $0x1820, v45;
	[tilespmem:$0x1FDC0] =	vst v57  }
0xbd: {  	v17 =	vor.u32 $0x1830, v45;
	[tilespmem:$0x1FDD0] =	vst v29  }
0xbe: {  	v61 =	vor.u32 $0x1860, v45;
	[tilespmem:$0x1FDE0] =	vst v17  }
0xbf: {  	v59 =	vor.u32 $0x1850, v45;
	[tilespmem:$0x1FDF0] =	vst v61  }
0xc0: {  	v50 =	vsel vm1, $0x1C3E, v35;
	[tilespmem:$0x1FE00] =	vst v59  }
0xc1: {  	v48 =	vor.u32 $0x1800, v45;
	[tilespmem:$0x1FE10] =	vst v50  }
0xc2: {  	v37 =	vsel vm1, $0x100E, v11;
	v11 =	vcombine.low v5, v63;
	v9 =	vsel vm1, $0x183E, v34;
	[tilespmem:$0x1FE20] =	vst v48  }
0xc3: {  	[tilespmem:$0x1FE30] =	vst v9  }
0xc4: {  	v13 =	vor.u32 $0x10, v45;
	[tilespmem:$0x1FE40] =	vst v11  }
0xc5: {  	v36 =	vsel vm1, $0x41E, v15;
	v15 =	vor.u32 $0x20, v45;
	[tilespmem:$0x1FE50] =	vst v13  }
0xc6: {  	v16 =	vor.u32 $0x30, v45;
	[tilespmem:$0x1FE60] =	vst v15  }
0xc7: {  	v18 =	vor.u32 $0x50, v45;
	[tilespmem:$0x1FE70] =	vst v16  }
0xc8: {  	v19 =	vor.u32 $0x60, v45;
	[tilespmem:$0x1FE80] =	vst v18  }
0xc9: {  	v62 =	vor.u32 $0x40, v45;
	[tilespmem:$0x1FE90] =	vst v19  }
0xca: {  	v20 =	vor.u32 $0x70, v45;
	v23 =	vcombine.low v7, v2;
	[tilespmem:$0x1FEA0] =	vst v62  }
0xcb: {  	[tilespmem:$0x1FEB0] =	vst v20  }
0xcc: {  	v21 =	vor.u32 $0x800, v45;
	[tilespmem:$0x1FEC0] =	vst v23  }
0xcd: {  	v25 =	vor.u32 $0x810, v45;
	[tilespmem:$0x1FED0] =	vst v21  }
0xce: {  	v26 =	vor.u32 $0x820, v45;
	[tilespmem:$0x1FEE0] =	vst v25  }
0xcf: {  	v27 =	vor.u32 $0x830, v45;
	[tilespmem:$0x1FEF0] =	vst v26  }
0xd0: {  	v28 =	vor.u32 $0x840, v45;
	[tilespmem:$0x1FF00] =	vst v27  }
0xd1: {  	v34 =	vor.u32 $0x850, v45;
	[tilespmem:$0x1FF10] =	vst v28  }
0xd2: {  	v35 =	vor.u32 $0x860, v45;
	[tilespmem:$0x1FF20] =	vst v34  }
0xd3: {  	[tilespmem:$0x1FF30] =	vst v35  }
0xd4: {  	[tilespmem:$0x1FF40] =	vst v38  }
0xd5: {  	v56 =	vsel vm1, $0x83E, v30;
	[tilespmem:$0x1FF50] =	vst v41  }
0xd6: {  	s5 =	srdreg.scid;
	s3 =	stileid.u32;
	[tilespmem:$0x1FF60] =	vst v56  }
0xd7: {  	s6 =	sand.u32 $0x1, s5;
	s30 =	sshll.u32 s3, $0x1;
	v24 =	vor.u32 $0x870, v45;
	[tilespmem:$0x1FF70] =	vst v47  }
0xd8: {  	s10 =	simm.s32 $0xF4;
	s5 =	sor.u32 s6, s30;
	v44 =	vsel vm1, $0x103E, v32;
	[tilespmem:$0x1FF80] =	vst v24  }
0xd9: {  	s7 =	ssub.s32 $0x2, s6;
	s6 =	sadd.s32 $0xA00, s9;
	p0 =	slt.u32 s5, $0x5;
	v30 =	vsel vm1, $0x143E, v33;
	[tilespmem:$0x1FF90] =	vst v44  }
0xda: {  	s9 =	sadd.s32 $0x7A1A00, s9;
	s8 =	sshrl.u32 s7, $0x1;
	s10 =	simm.s32 @!p0 $0xF3;
	[tilespmem:$0x1FFA0] =	vst v30  }
.Ltmp0:
0xdb: {  	s31 =	sshll.u32 s5, $0x7;
	s12 =	sshll.u32 s10, $0x5;
	[tilespmem:$0x1FFB0] =	vst v37;
	(pc) =	sbr.rel .LBB2_1-.Ltmp0, $4  }
0xdc: {  	s11 =	ssub.s32 s7, s8;
	s7 =	sor.u32 $0x20, s5;
	s12 =	sor.u32 s5, s12;
	v40 =	vsel vm1, $0xC0E, v10;
	[tilespmem:$0x1FFC0] =	vst v39  }
0xdd: {  	s8 =	sadd.s32 s0, s31;
	s13 =	sand.u32 $0x1, s10;
	p0 =	sgt.u32 s12, $0x1E83;
	[tilespmem:$0x1FFD0] =	vst v40  }
0xde: {  	vm7 =	vcmask $0x3F3C;
	s10 =	smax.u32 s11, $0x1;
	s14 =	sxor.u32 $0x1, s13;
	p1 =	sne.s32 @p0 s12, $0x1E84;
	[tilespmem:$0x1FFE0] =	vst v36  }
0xdf: {  	s11 =	sadd.s32 $0x3, s13;
	vm0 =	vmor vm0, vm7;
	s12 =	sadd.s32 $0x3, s14;
	p1 =	por p1, !p0;
	v10 =	vimm.s32 $0x0;
	v63 =	vmov v45;
	[tilespmem:$0x1FFF0] =	vst v45  }
.LBB2_7:
0xe0: {  	_ =	swait.ge @!p1 [sflag:s11], $0x1000  }
0xe1: {  	[sflag:s11] =	ssyncset.done @!p1 $0x0  }
0xe2: {  	s4 =	sadd.s32 $0x1, s4;
	[sflag:s11] =	ssyncadd.s32 @!p1 $0xFFFFF000  }
0xe3: {  	p2 =	sne.s32 s4, s10;
	_ =	swait.ge @!p0 [sflag:s11], $0x2000  }
.Ltmp1:
0xe4: {  	[sflag:s11] =	ssyncset.done @!p0 $0x0;
	(pc) =	sbr.rel @!p2 .LBB2_8-.Ltmp1, $4  }
0xe5: {  	[sflag:s11] =	ssyncadd.s32 @!p0 $0xFFFFE000  }
0xe6: {  	_ =	swait.ge [sflag:s12], $0x2000  }
0xe7: {  	[sflag:s12] =	ssyncset.done $0x0  }
0xe8: {  	[sflag:s12] =	ssyncadd.s32 $0xFFFFE000  }
.LBB2_1:
.Ltmp2:
0xe9: {  	(pc) =	sbr.rel .LBB2_2-.Ltmp2, $2  }
0xea: {  	_ =	sdelay $0x2  }
0xeb: {  	s13 =	simm.s32 $0x0  }
.LBB2_6:
0xec: {  	s13 =	sadd.s32 $0x1, s13  }
0xed: {  	p2 =	sne.s32 s13, $0xF5  }
.Ltmp3:
0xee: {  	_ = 	snop;
	(pc) =	sbr.rel @!p2 .LBB2_7-.Ltmp3, $1  }
0xef: {  	_ =	sdelay $0x3  }
.LBB2_2:
0xf0: {  	s16 =	sshll.u32 s13, $0x5  }
0xf1: {  	s14 =	sor.u32 s5, s16  }
0xf2: {  	p2 =	sgt.u32 s14, $0x1E84  }
.Ltmp4:
0xf3: {  	_ = 	snop;
	(pc) =	sbr.rel @p2 .LBB2_6-.Ltmp4, $1  }
0xf4: {  	_ =	sdelay $0x3  }
0xf5: {  	s15 =	sand.u32 $0x1, s13;
	p2 =	sne.s32 s13, $0x0;
	s16 =	sadd.s32 s7, s16  }
0xf6: {  	s24 =	simm.s32 $0x1;
	s17 =	sadd.s32 @!p2 $0x1, s15;
	s18 =	simm.s32 @!p2 $0x400  }
0xf7: {  	s19 =	simm.s32 @!p2 $0x7A1400;
	s20 =	simm.s32 @!p2 $0x0;
	s23 =	sadd.s32 $0x1, s15  }
0xf8: {  	[tilespmem:s20], [sflag:s17] =	stream.strided.gather @!p2 [hbm4b:s8+s18], $0x2000, s19, s18, $0x38;
	[tilespmem:$0x8000] =	vst v63  }
0xf9: {  	s25 =	simm.s32 $0x0;
	p2 =	sgt.u32 s16, $0x1E84;
	_ =	swait.ge [sflag:s23], $0x2000  }
0xfa: {  	p3 =	seq.s32 @!p2 s16, $0x1E84;
	s17 =	sxor.u32 @!p2 $0x1, s15;
	[sflag:s23] =	ssyncset.done $0x0  }
0xfb: {  	p4 =	por !p3, p2;
	p2 =	por p3, p2;
	[sflag:s23] =	ssyncadd.s32 $0xFFFFE000  }
0xfc: {  	s18 =	sadd.s32 @!p4 $0x1, s17;
	s19 =	sshll.u32 @!p4 s17, $0xD;
	s20 =	simm.s32 @!p4 $0x0  }
0xfd: {  	[tilespmem:s19], [sflag:s18] =	stream.linear.gather @!p4 [hbm4b:s1+s20], $0x2000, $0x38;
	[tilespmem:$0x8000] =	vst v63  }
0xfe: {  	v55 =	vmov v24;
	v24 =	vlaneseq.u32;
	s16 =	sshll.u32 @!p2 s16, $0x7;
	s21 =	simm.s32 @!p2 $0x7A1400;
	s18 =	sshll.u32 @!p2 s17, $0xD  }
0xff: {  	v12 =	vadd.s32 s24, v24;
	s17 =	sadd.s32 @!p2 $0x1, s17;
	s16 =	sadd.s32 @!p2 s0, s16;
	s20 =	simm.s32 @!p2 $0x400  }
0x100: {  	v14 =	vadd.s32 s25, v24;
	v30 =	vand.u32 $0xF, v12;
	[tilespmem:s18], [sflag:s17] =	stream.strided.gather @!p2 [hbm4b:s16+s20], $0x2000, s21, s20, $0x38;
	[tilespmem:$0x8000] =	vst v63  }
0x101: {  	v24 =	vand.u32 $0xF, v14;
	v0 =	vor.u32 v63, v30;
	p2 =	slt.u32 s13, $0x2  }
0x102: {  	v2 =	vor.u32 v63, v24;
	vm1 =	veq.s32 v24, $0x0;
	s16 =	sadd.s32 @!p2 $0x3, s15  }
0x103: {  	v45 =	vlaneseq.u32;
	v3 =	vshll.u32 v12, $0x6;
	vm1 =	vmand vm1, vm0;
	_ =	swait.ge @!p2 [sflag:s16], $0x2000  }
0x104: {  	v4 =	vshrl.u32 v24, $0x1;
	v5 =	vsel vm1, $0xFFFFFFFF, v10;
	v10 =	vand.u32 $0x40, v3;
	[sflag:s16] =	ssyncset.done @!p2 $0x0  }
0x105: {  	v31 =	vand.u32 $0x380, v3;
	v4 =	vadd.s32 v5, v4;
	v5 =	vor.u32 v45, v10;
	s17 =	sshll.u32 s15, $0xD;
	[sflag:s16] =	ssyncadd.s32 @!p2 $0xFFFFE000  }
0x106: {  	v22 =	vshll.u32 v4, $0x7;
	v3 =	vor.u32 v5, v31;
	v0 =	vld.idx.msk [tilespmem:v0+s17+$0x0], $0xffff  }
0x107: {  	v4 =	vor.u32 v11, v22;
	v2 =	vld.idx.msk [tilespmem:v2+s17+$0x0], $0xffff;
	_ =	sdelay $0x2  }
0x108: {  	s16 =	sor.u32 $0x4000, s17  }
0x109: {  	[tilespmem:v3+s16+$0x0] =	vst.idx.msk $0xffff, v0  }
0x10a: {  	v6 =	vor.u32 v13, v12;
	[tilespmem:v4+s16+$0x0] =	vst.idx.msk $0xffff, v2  }
0x10b: {  	v7 =	vor.u32 v13, v14;
	v52 =	vld [tilespmem:$0x1FC10];
	_ =	sdelay $0x2  }
0x10c: {  	v44 =	vor.u32 $0x400, v31  }
0x10d: {  	v2 =	vor.u32 v5, v44;
	v0 =	vld.idx.msk [tilespmem:v6+s17+$0x0], $0xffff  }
0x10e: {  	v3 =	vld.idx.msk [tilespmem:v7+s17+$0x0], $0xffff;
	v4 =	vadd.s32 v52, v22;
	_ =	sdelay $0x3  }
0x10f: {  	[tilespmem:v2+s16+$0x0] =	vst.idx.msk $0xffff, v0  }
0x110: {  	v6 =	vor.u32 v15, v30;
	[tilespmem:v4+s16+$0x0] =	vst.idx.msk $0xffff, v3  }
0x111: {  	v7 =	vor.u32 v15, v24;
	v45 =	vld [tilespmem:$0x1FC20];
	_ =	sdelay $0x2  }
0x112: {  	v46 =	vor.u32 $0x800, v31  }
0x113: {  	v2 =	vld.idx.msk [tilespmem:v6+s17+$0x0], $0xffff;
	v3 =	vor.u32 v5, v46  }
0x114: {  	v4 =	vld.idx.msk [tilespmem:v7+s17+$0x0], $0xffff;
	v7 =	vor.u32 v16, v12;
	v6 =	vadd.s32 v45, v22  }
0x115: {  	v8 =	vor.u32 v16, v14;
	_ =	sdelay $0x2  }
0x116: {  	v51 =	vor.u32 $0xC00, v31;
	[tilespmem:v3+s16+$0x0] =	vst.idx.msk $0xffff, v2  }
0x117: {  	v3 =	vor.u32 v5, v51;
	v2 =	vld.idx.msk [tilespmem:v7+s17+$0x0], $0xffff;
	[tilespmem:v6+s16+$0x0] =	vst.idx.msk $0xffff, v4  }
0x118: {  	v7 =	vor.u32 v62, v30;
	v6 =	vadd.s32 v40, v22;
	v4 =	vld.idx.msk [tilespmem:v8+s17+$0x0], $0xffff  }
0x119: {  	v8 =	vor.u32 v62, v24;
	_ =	sdelay $0x2  }
0x11a: {  	v49 =	vor.u32 $0x1000, v31;
	[tilespmem:v3+s16+$0x0] =	vst.idx.msk $0xffff, v2  }
0x11b: {  	v3 =	vor.u32 v5, v49;
	v2 =	vld.idx.msk [tilespmem:v7+s17+$0x0], $0xffff;
	[tilespmem:v6+s16+$0x0] =	vst.idx.msk $0xffff, v4  }
0x11c: {  	v7 =	vor.u32 v18, v12;
	v6 =	vadd.s32 v37, v22;
	v4 =	vld.idx.msk [tilespmem:v8+s17+$0x0], $0xffff  }
0x11d: {  	v8 =	vor.u32 v18, v14;
	_ =	sdelay $0x2  }
0x11e: {  	v60 =	vor.u32 $0x1400, v31;
	[tilespmem:v3+s16+$0x0] =	vst.idx.msk $0xffff, v2  }
0x11f: {  	v3 =	vor.u32 v5, v60;
	v2 =	vld.idx.msk [tilespmem:v7+s17+$0x0], $0xffff;
	[tilespmem:v6+s16+$0x0] =	vst.idx.msk $0xffff, v4  }
0x120: {  	v6 =	vadd.s32 v39, v22;
	v4 =	vld.idx.msk [tilespmem:v8+s17+$0x0], $0xffff;
	_ =	sdelay $0x3  }
0x121: {  	[tilespmem:v3+s16+$0x0] =	vst.idx.msk $0xffff, v2  }
0x122: {  	v7 =	vor.u32 v19, v30;
	[tilespmem:v6+s16+$0x0] =	vst.idx.msk $0xffff, v4  }
0x123: {  	v8 =	vor.u32 v19, v24;
	v54 =	vld [tilespmem:$0x1FC30];
	_ =	sdelay $0x2  }
0x124: {  	v33 =	vor.u32 $0x1800, v31  }
0x125: {  	v3 =	vor.u32 v5, v33;
	v2 =	vld.idx.msk [tilespmem:v7+s17+$0x0], $0xffff;
	[tilespmem:$0x1FC00] =	vst v33  }
0x126: {  	v4 =	vld.idx.msk [tilespmem:v8+s17+$0x0], $0xffff;
	v6 =	vadd.s32 v54, v22;
	_ =	sdelay $0x3  }
0x127: {  	v7 =	vor.u32 v20, v12;
	[tilespmem:v3+s16+$0x0] =	vst.idx.msk $0xffff, v2  }
0x128: {  	[tilespmem:v6+s16+$0x0] =	vst.idx.msk $0xffff, v4  }
0x129: {  	v8 =	vor.u32 v20, v14;
	v57 =	vld [tilespmem:$0x1FC40];
	_ =	sdelay $0x1  }
0x12a: {  	v38 =	vor.u32 $0x1C00, v31  }
0x12b: {  	v3 =	vor.u32 v5, v38;
	v2 =	vld.idx.msk [tilespmem:v7+s17+$0x0], $0xffff  }
0x12c: {  	[tilespmem:$0x1FAD0] =	vst v38  }
0x12d: {  	v0 =	vlaneseq.u32;
	v6 =	vor.u32 v21, v30;
	v4 =	vld.idx.msk [tilespmem:v8+s17+$0x0], $0xffff;
	v5 =	vadd.s32 v57, v22  }
0x12e: {  	v7 =	vor.u32 v21, v24;
	v8 =	vor.u32 $0x10, v0  }
0x12f: {  	[tilespmem:$0x1FBC0] =	vst v8  }
0x130: {  	[tilespmem:v3+s16+$0x0] =	vst.idx.msk $0xffff, v2  }
0x131: {  	v8 =	vor.u32 v8, v10;
	[tilespmem:$0x1FB00] =	vst v10  }
0x132: {  	v3 =	vor.u32 v8, v31;
	v2 =	vld.idx.msk [tilespmem:v6+s17+$0x0], $0xffff;
	[tilespmem:v5+s16+$0x0] =	vst.idx.msk $0xffff, v4  }
0x133: {  	v5 =	vor.u32 v23, v22;
	v4 =	vld.idx.msk [tilespmem:v7+s17+$0x0], $0xffff  }
0x134: {  	v6 =	vor.u32 v25, v12  }
0x135: {  	v7 =	vor.u32 v25, v14;
	_ =	sdelay $0x1  }
0x136: {  	[tilespmem:v3+s16+$0x0] =	vst.idx.msk $0xffff, v2  }
0x137: {  	[tilespmem:v5+s16+$0x0] =	vst.idx.msk $0xffff, v4  }
0x138: {  	v9 =	vor.u32 v8, v44;
	v4 =	vld.idx.msk [tilespmem:v6+s17+$0x0], $0xffff;
	[tilespmem:$0x1FB20] =	vst v44  }
0x139: {  	v43 =	vmov v39;
	v39 =	vmov v10;
	v10 =	vadd.s32 v36, v22;
	v7 =	vld.idx.msk [tilespmem:v7+s17+$0x0], $0xffff  }
0x13a: {  	s26 =	simm.s32 $0x2  }
0x13b: {  	v17 =	vadd.s32 s26, v0  }
0x13c: {  	v5 =	vand.u32 $0xF, v17  }
0x13d: {  	vm1 =	veq.s32 v5, $0x0;
	[tilespmem:v9+s16+$0x0] =	vst.idx.msk $0xffff, v4  }
0x13e: {  	v42 =	vmovc v11;
	v11 =	vor.u32 v26, v30;
	v0 =	vimm.s32 $0x0;
	vm1 =	vmand vm1, vm0;
	[tilespmem:v10+s16+$0x0] =	vst.idx.msk $0xffff, v7  }
0x13f: {  	v50 =	vmovc v13;
	v32 =	vmov v16;
	v13 =	vor.u32 v26, v24;
	v16 =	vsel vm1, $0xFFFFFFFF, v0;
	v0 =	vld [tilespmem:$0x1FC50];
	_ =	sdelay $0x3  }
0x140: {  	s28 =	simm.s32 $0x3;
	v2 =	vlaneseq.u32;
	v9 =	vor.u32 v8, v46;
	v7 =	vld.idx.msk [tilespmem:v11+s17+$0x0], $0xffff;
	[tilespmem:$0x1FB40] =	vst v46  }
0x141: {  	v2 =	vadd.s32 s28, v2;
	v10 =	vld.idx.msk [tilespmem:v13+s17+$0x0], $0xffff;
	v11 =	vadd.s32 v0, v22  }
0x142: {  	v6 =	vand.u32 $0xF, v2;
	v4 =	vshll.u32 v2, $0x6  }
0x143: {  	v56 =	vmov v18;
	v18 =	vor.u32 v63, v6;
	v1 =	vand.u32 $0x40, v4  }
0x144: {  	v59 =	vmov v19;
	v19 =	vor.u32 v63, v5;
	[tilespmem:$0x1FB50] =	vst v1  }
0x145: {  	v20 =	vor.u32 v27, v14;
	v47 =	vld [tilespmem:$0x1FCB0];
	[tilespmem:v9+s16+$0x0] =	vst.idx.msk $0xffff, v7  }
0x146: {  	v29 =	vmovc v15;
	v3 =	vlaneseq.u32;
	v15 =	vshrl.u32 v5, $0x1;
	v13 =	vor.u32 v27, v12;
	[tilespmem:v11+s16+$0x0] =	vst.idx.msk $0xffff, v10  }
0x147: {  	v53 =	vmovc v46;
	v15 =	vadd.s32 v16, v15;
	v46 =	vmovc v23;
	v23 =	vor.u32 v3, v1;
	v3 =	vand.u32 $0x380, v4;
	v0 =	vld [tilespmem:$0x1FC60]  }
0x148: {  	v4 =	vshll.u32 v15, $0x7;
	v15 =	vld.idx.msk [tilespmem:v18+s17+$0x0], $0xffff;
	v18 =	vor.u32 v23, v3  }
0x149: {  	v21 =	vor.u32 v42, v4;
	v19 =	vld.idx.msk [tilespmem:v19+s17+$0x0], $0xffff  }
0x14a: {  	v25 =	vor.u32 v50, v2  }
0x14b: {  	v9 =	vor.u32 v8, v51;
	v7 =	vld.idx.msk [tilespmem:v13+s17+$0x0], $0xffff;
	[tilespmem:$0x1FB80] =	vst v51  }
0x14c: {  	v10 =	vld.idx.msk [tilespmem:v20+s17+$0x0], $0xffff;
	v11 =	vadd.s32 v0, v22  }
0x14d: {  	[tilespmem:v18+s16+$0x0] =	vst.idx.msk $0xffff, v15  }
0x14e: {  	v16 =	vor.u32 $0x400, v3;
	[tilespmem:v21+s16+$0x0] =	vst.idx.msk $0xffff, v19  }
0x14f: {  	v26 =	vor.u32 v50, v17;
	v15 =	vld.idx.msk [tilespmem:v25+s17+$0x0], $0xffff;
	[tilespmem:$0x1FB90] =	vst v16  }
0x150: {  	[tilespmem:v9+s16+$0x0] =	vst.idx.msk $0xffff, v7  }
0x151: {  	v20 =	vor.u32 v28, v30;
	[tilespmem:v11+s16+$0x0] =	vst.idx.msk $0xffff, v10  }
0x152: {  	v42 =	vmov v51;
	v51 =	vmov v27;
	v27 =	vor.u32 v28, v24;
	v0 =	vld [tilespmem:$0x1FC70]  }
0x153: {  	v18 =	vor.u32 v23, v16  }
0x154: {  	v21 =	vadd.s32 v52, v4;
	v19 =	vld.idx.msk [tilespmem:v26+s17+$0x0], $0xffff  }
0x155: {  	v25 =	vor.u32 v29, v6  }
0x156: {  	v9 =	vor.u32 v8, v49;
	v7 =	vld.idx.msk [tilespmem:v20+s17+$0x0], $0xffff;
	[tilespmem:$0x1FBA0] =	vst v49  }
0x157: {  	v10 =	vld.idx.msk [tilespmem:v27+s17+$0x0], $0xffff;
	v11 =	vadd.s32 v0, v22  }
0x158: {  	[tilespmem:v18+s16+$0x0] =	vst.idx.msk $0xffff, v15  }
0x159: {  	v48 =	vor.u32 $0x800, v3;
	[tilespmem:v21+s16+$0x0] =	vst.idx.msk $0xffff, v19  }
0x15a: {  	v26 =	vor.u32 v29, v5;
	v15 =	vld.idx.msk [tilespmem:v25+s17+$0x0], $0xffff;
	[tilespmem:$0x1FBB0] =	vst v48  }
0x15b: {  	[tilespmem:v9+s16+$0x0] =	vst.idx.msk $0xffff, v7  }
0x15c: {  	v20 =	vor.u32 v34, v12;
	[tilespmem:v11+s16+$0x0] =	vst.idx.msk $0xffff, v10  }
0x15d: {  	v27 =	vor.u32 v34, v14;
	v0 =	vld [tilespmem:$0x1FC80]  }
0x15e: {  	v19 =	vor.u32 v23, v48  }
0x15f: {  	v25 =	vld.idx.msk [tilespmem:v26+s17+$0x0], $0xffff;
	v26 =	vadd.s32 v45, v4  }
0x160: {  	v13 =	vmov v28;
	v28 =	vor.u32 v32, v2  }
0x161: {  	v9 =	vor.u32 v8, v60;
	v7 =	vld.idx.msk [tilespmem:v20+s17+$0x0], $0xffff;
	[tilespmem:$0x1FBD0] =	vst v60  }
0x162: {  	v10 =	vld.idx.msk [tilespmem:v27+s17+$0x0], $0xffff;
	v11 =	vadd.s32 v0, v22  }
0x163: {  	[tilespmem:v19+s16+$0x0] =	vst.idx.msk $0xffff, v15  }
0x164: {  	v58 =	vor.u32 $0xC00, v3;
	[tilespmem:v26+s16+$0x0] =	vst.idx.msk $0xffff, v25  }
0x165: {  	v15 =	vld.idx.msk [tilespmem:v28+s17+$0x0], $0xffff;
	[tilespmem:$0x1FBE0] =	vst v58  }
0x166: {  	v52 =	vmov v49;
	v49 =	vor.u32 v32, v17;
	[tilespmem:v9+s16+$0x0] =	vst.idx.msk $0xffff, v7  }
0x167: {  	v20 =	vor.u32 v35, v30;
	[tilespmem:v11+s16+$0x0] =	vst.idx.msk $0xffff, v10  }
0x168: {  	v27 =	vor.u32 v35, v24;
	v0 =	vld [tilespmem:$0x1FC90];
	_ =	sdelay $0x1  }
0x169: {  	v19 =	vor.u32 v23, v58  }
0x16a: {  	v26 =	vadd.s32 v40, v4;
	v25 =	vld.idx.msk [tilespmem:v49+s17+$0x0], $0xffff  }
0x16b: {  	v7 =	vld.idx.msk [tilespmem:v20+s17+$0x0], $0xffff;
	v10 =	vor.u32 v8, v33  }
0x16c: {  	v28 =	vor.u32 v62, v6;
	v11 =	vld.idx.msk [tilespmem:v27+s17+$0x0], $0xffff;
	v20 =	vadd.s32 v0, v22;
	_ =	sdelay $0x1  }
0x16d: {  	v61 =	vmov v36;
	v36 =	vor.u32 v62, v5;
	[tilespmem:v19+s16+$0x0] =	vst.idx.msk $0xffff, v15  }
0x16e: {  	[tilespmem:v26+s16+$0x0] =	vst.idx.msk $0xffff, v25  }
0x16f: {  	[tilespmem:v10+s16+$0x0] =	vst.idx.msk $0xffff, v7  }
0x170: {  	v9 =	vor.u32 $0x1000, v3;
	v27 =	vor.u32 v55, v12;
	v15 =	vld.idx.msk [tilespmem:v28+s17+$0x0], $0xffff;
	v0 =	vmov v55;
	[tilespmem:v20+s16+$0x0] =	vst.idx.msk $0xffff, v11  }
0x171: {  	v19 =	vor.u32 v23, v9;
	v40 =	vor.u32 v0, v14;
	v0 =	vld [tilespmem:$0x1FCA0]  }
0x172: {  	v26 =	vadd.s32 v37, v4;
	v25 =	vld.idx.msk [tilespmem:v36+s17+$0x0], $0xffff  }
0x173: {  	v28 =	vor.u32 v56, v2;
	v11 =	vld [tilespmem:$0x1FD40]  }
0x174: {  	v41 =	vor.u32 v56, v17  }
0x175: {  	v8 =	vor.u32 v8, v38;
	v7 =	vld.idx.msk [tilespmem:v27+s17+$0x0], $0xffff  }
0x176: {  	v10 =	vld.idx.msk [tilespmem:v40+s17+$0x0], $0xffff;
	[tilespmem:v19+s16+$0x0] =	vst.idx.msk $0xffff, v15;
	v20 =	vadd.s32 v0, v22  }
0x177: {  	v21 =	vlaneseq.u32;
	[tilespmem:v26+s16+$0x0] =	vst.idx.msk $0xffff, v25  }
0x178: {  	v15 =	vld.idx.msk [tilespmem:v28+s17+$0x0], $0xffff;
	v27 =	vor.u32 v11, v30;
	v40 =	vor.u32 v11, v24;
	v11 =	vor.u32 $0x20, v21  }
0x179: {  	v25 =	vld.idx.msk [tilespmem:v41+s17+$0x0], $0xffff;
	[tilespmem:$0x1FB60] =	vst v11  }
0x17a: {  	[tilespmem:v8+s16+$0x0] =	vst.idx.msk $0xffff, v7  }
0x17b: {  	[tilespmem:v20+s16+$0x0] =	vst.idx.msk $0xffff, v10  }
0x17c: {  	v8 =	vld [tilespmem:$0x1FD50];
	_ =	sdelay $0x1  }
0x17d: {  	v49 =	vor.u32 $0x1400, v3  }
0x17e: {  	v19 =	vor.u32 v23, v49  }
0x17f: {  	v26 =	vadd.s32 v43, v4;
	v28 =	vor.u32 v59, v6;
	v7 =	vld.idx.msk [tilespmem:v27+s17+$0x0], $0xffff  }
0x180: {  	v27 =	vor.u32 v8, v22;
	v8 =	vld [tilespmem:$0x1FD70]  }
0x181: {  	v55 =	vmov v35;
	v35 =	vor.u32 v11, v39  }
0x182: {  	v10 =	vor.u32 v35, v31  }
0x183: {  	v33 =	vor.u32 $0x1800, v3;
	v20 =	vld.idx.msk [tilespmem:v40+s17+$0x0], $0xffff;
	[tilespmem:v19+s16+$0x0] =	vst.idx.msk $0xffff, v15  }
0x184: {  	v41 =	vor.u32 v59, v5;
	[tilespmem:v26+s16+$0x0] =	vst.idx.msk $0xffff, v25;
	v19 =	vor.u32 v23, v33;
	v15 =	vld.idx.msk [tilespmem:v28+s17+$0x0], $0xffff  }
0x185: {  	v43 =	vor.u32 v8, v12;
	v40 =	vor.u32 v8, v14;
	v8 =	vld [tilespmem:$0x1FEB0];
	_ =	sdelay $0x1  }
0x186: {  	[tilespmem:v10+s16+$0x0] =	vst.idx.msk $0xffff, v7  }
0x187: {  	[tilespmem:v27+s16+$0x0] =	vst.idx.msk $0xffff, v20  }
0x188: {  	v25 =	vld.idx.msk [tilespmem:v41+s17+$0x0], $0xffff;
	[tilespmem:v19+s16+$0x0] =	vst.idx.msk $0xffff, v15  }
0x189: {  	v28 =	vor.u32 v8, v2;
	v41 =	vor.u32 v8, v17;
	v8 =	vld [tilespmem:$0x1FF40]  }
0x18a: {  	v26 =	vadd.s32 v54, v4;
	_ =	sdelay $0x1  }
0x18b: {  	v20 =	vld.idx.msk [tilespmem:v43+s17+$0x0], $0xffff  }
0x18c: {  	v36 =	vor.u32 v35, v44;
	v27 =	vld.idx.msk [tilespmem:v40+s17+$0x0], $0xffff  }
0x18d: {  	v54 =	vor.u32 $0x1C00, v3;
	v15 =	vadd.s32 v8, v22;
	v8 =	vld [tilespmem:$0x1FD80]  }
0x18e: {  	v23 =	vor.u32 v23, v54;
	[tilespmem:v26+s16+$0x0] =	vst.idx.msk $0xffff, v25;
	v25 =	vld.idx.msk [tilespmem:v28+s17+$0x0], $0xffff;
	_ =	sdelay $0x1  }
0x18f: {  	v0 =	vld [tilespmem:$0x1FED0]  }
0x190: {  	[tilespmem:v36+s16+$0x0] =	vst.idx.msk $0xffff, v20  }
0x191: {  	[tilespmem:v15+s16+$0x0] =	vst.idx.msk $0xffff, v27  }
0x192: {  	v26 =	vld.idx.msk [tilespmem:v41+s17+$0x0], $0xffff;
	v19 =	vor.u32 v8, v30;
	[tilespmem:v23+s16+$0x0] =	vst.idx.msk $0xffff, v25  }
0x193: {  	v28 =	vadd.s32 v57, v4;
	v43 =	vor.u32 v8, v24;
	v8 =	vld [tilespmem:$0x1FDB0]  }
0x194: {  	v7 =	vmov v45;
	v44 =	vor.u32 v0, v6;
	v45 =	vor.u32 v0, v5;
	v0 =	vld [tilespmem:$0x1FBC0];
	_ =	sdelay $0x2  }
0x195: {  	v15 =	vld.idx.msk [tilespmem:v19+s17+$0x0], $0xffff  }
0x196: {  	v18 =	vmov v34;
	v27 =	vor.u32 v35, v53;
	[tilespmem:v28+s16+$0x0] =	vst.idx.msk $0xffff, v26;
	v57 =	vld.idx.msk [tilespmem:v43+s17+$0x0], $0xffff  }
0x197: {  	v19 =	vadd.s32 v47, v22;
	v23 =	vor.u32 v8, v12;
	v34 =	vor.u32 v0, v1;
	v26 =	vld.idx.msk [tilespmem:v44+s17+$0x0], $0xffff  }
0x198: {  	s29 =	simm.s32 $0x4;
	v25 =	vor.u32 v8, v14;
	v0 =	vld [tilespmem:$0x1FEE0];
	v28 =	vor.u32 v34, v3  }
0x199: {  	v10 =	vadd.s32 s29, v21  }
0x19a: {  	v20 =	vand.u32 $0xF, v10;
	v44 =	vld.idx.msk [tilespmem:v45+s17+$0x0], $0xffff;
	v45 =	vor.u32 v46, v4  }
0x19b: {  	vm1 =	veq.s32 v20, $0x0;
	v8 =	vld [tilespmem:$0x1FFF0];
	[tilespmem:v27+s16+$0x0] =	vst.idx.msk $0xffff, v15  }
0x19c: {  	vm1 =	vmand vm1, vm0;
	[tilespmem:v19+s16+$0x0] =	vst.idx.msk $0xffff, v57;
	v23 =	vld.idx.msk [tilespmem:v23+s17+$0x0], $0xffff  }
0x19d: {  	v46 =	vor.u32 v0, v2;
	v47 =	vor.u32 v0, v17;
	v0 =	vimm.s32 $0x0;
	v25 =	vld.idx.msk [tilespmem:v25+s17+$0x0], $0xffff;
	[tilespmem:v28+s16+$0x0] =	vst.idx.msk $0xffff, v26  }
0x19e: {  	v27 =	vsel vm1, $0xFFFFFFFF, v0;
	v0 =	vld [tilespmem:$0x1FCC0]  }
0x19f: {  	v1 =	vld [tilespmem:$0x1FDC0];
	[tilespmem:v45+s16+$0x0] =	vst.idx.msk $0xffff, v44  }
0x1a0: {  	v57 =	vld [tilespmem:$0x1FF60]  }
0x1a1: {  	v40 =	vadd.s32 v61, v4;
	v61 =	vld [tilespmem:$0x1FEF0]  }
0x1a2: {  	v36 =	vor.u32 v35, v42;
	v11 =	vld [tilespmem:$0x1FE40]  }
0x1a3: {  	v15 =	vshrl.u32 v20, $0x1;
	v53 =	vld [tilespmem:$0x1FF70];
	v26 =	vadd.s32 v0, v22  }
0x1a4: {  	v39 =	vor.u32 v34, v16;
	v15 =	vadd.s32 v27, v15;
	v38 =	vld.idx.msk [tilespmem:v46+s17+$0x0], $0xffff  }
0x1a5: {  	v41 =	vor.u32 v8, v20;
	v15 =	vshll.u32 v15, $0x7;
	v21 =	vld [tilespmem:$0x1FD10]  }
0x1a6: {  	s30 =	simm.s32 $0x5;
	v27 =	vld.idx.msk [tilespmem:v47+s17+$0x0], $0xffff;
	v28 =	vor.u32 v1, v30;
	v37 =	vor.u32 v1, v24;
	v1 =	vlaneseq.u32  }
0x1a7: {  	v19 =	vadd.s32 s30, v1;
	v44 =	vor.u32 v11, v15;
	v11 =	vld [tilespmem:$0x1FD00];
	[tilespmem:v36+s16+$0x0] =	vst.idx.msk $0xffff, v23  }
0x1a8: {  	v16 =	vand.u32 $0xF, v19;
	[tilespmem:v26+s16+$0x0] =	vst.idx.msk $0xffff, v25  }
0x1a9: {  	v42 =	vor.u32 v61, v6;
	v46 =	vor.u32 v8, v16;
	v8 =	vld [tilespmem:$0x1FF80];
	[tilespmem:v39+s16+$0x0] =	vst.idx.msk $0xffff, v38  }
0x1aa: {  	v23 =	vld [tilespmem:$0x1FCD0]  }
0x1ab: {  	v41 =	vld.idx.msk [tilespmem:v41+s17+$0x0], $0xffff;
	[tilespmem:v40+s16+$0x0] =	vst.idx.msk $0xffff, v27  }
0x1ac: {  	v43 =	vor.u32 v61, v5;
	v45 =	vor.u32 v21, v14;
	v39 =	vor.u32 v21, v12;
	v21 =	vld [tilespmem:$0x1FC50]  }
0x1ad: {  	v47 =	vor.u32 v35, v52;
	v28 =	vld.idx.msk [tilespmem:v28+s17+$0x0], $0xffff  }
0x1ae: {  	v27 =	vld.idx.msk [tilespmem:v42+s17+$0x0], $0xffff;
	v40 =	vor.u32 v34, v48  }
0x1af: {  	v37 =	vld.idx.msk [tilespmem:v37+s17+$0x0], $0xffff;
	v38 =	vadd.s32 v23, v22;
	_ =	sdelay $0x1  }
0x1b0: {  	v42 =	vld.idx.msk [tilespmem:v43+s17+$0x0], $0xffff;
	[tilespmem:v44+s16+$0x0] =	vst.idx.msk $0xffff, v41;
	v43 =	vadd.s32 v21, v4  }
0x1b1: {  	[tilespmem:v47+s16+$0x0] =	vst.idx.msk $0xffff, v28  }
0x1b2: {  	v26 =	vshll.u32 v19, $0x6;
	v44 =	vld.idx.msk [tilespmem:v46+s17+$0x0], $0xffff;
	[tilespmem:v40+s16+$0x0] =	vst.idx.msk $0xffff, v27  }
0x1b3: {  	v21 =	vand.u32 $0x40, v26;
	[tilespmem:v38+s16+$0x0] =	vst.idx.msk $0xffff, v37;
	v37 =	vld.idx.msk [tilespmem:v39+s17+$0x0], $0xffff  }
0x1b4: {  	v48 =	vor.u32 v51, v2;
	v26 =	vand.u32 $0x380, v26;
	v36 =	vor.u32 v1, v21;
	v1 =	vld [tilespmem:$0x1FCE0]  }
0x1b5: {  	v46 =	vor.u32 v36, v26;
	v23 =	vld [tilespmem:$0x1FD20];
	[tilespmem:v43+s16+$0x0] =	vst.idx.msk $0xffff, v42  }
0x1b6: {  	v39 =	vor.u32 v35, v60;
	v60 =	vmov v0;
	v0 =	vld [tilespmem:$0x1FC60];
	_ =	sdelay $0x1  }
0x1b7: {  	v45 =	vld.idx.msk [tilespmem:v45+s17+$0x0], $0xffff  }
0x1b8: {  	v52 =	vor.u32 v51, v17;
	v51 =	vor.u32 v13, v6;
	v42 =	vld.idx.msk [tilespmem:v48+s17+$0x0], $0xffff  }
0x1b9: {  	v48 =	vor.u32 v13, v5;
	v13 =	vld [tilespmem:$0x1FCF0];
	[tilespmem:v46+s16+$0x0] =	vst.idx.msk $0xffff, v44;
	v27 =	vadd.s32 v1, v22  }
0x1ba: {  	v28 =	vor.u32 v50, v10;
	v38 =	vor.u32 v50, v19;
	v50 =	vadd.s32 v0, v4;
	v0 =	vld [tilespmem:$0x1FC10];
	_ =	sdelay $0x2  }
0x1bb: {  	[tilespmem:v39+s16+$0x0] =	vst.idx.msk $0xffff, v37  }
0x1bc: {  	v47 =	vor.u32 v34, v58;
	v43 =	vor.u32 v23, v24;
	[tilespmem:v27+s16+$0x0] =	vst.idx.msk $0xffff, v45  }
0x1bd: {  	v40 =	vor.u32 v23, v30;
	v44 =	vadd.s32 v0, v15;
	v0 =	vld [tilespmem:$0x1FC00]  }
0x1be: {  	v41 =	vld.idx.msk [tilespmem:v52+s17+$0x0], $0xffff  }
0x1bf: {  	v52 =	vld.idx.msk [tilespmem:v28+s17+$0x0], $0xffff;
	v23 =	vor.u32 $0x400, v26  }
0x1c0: {  	v38 =	vld.idx.msk [tilespmem:v38+s17+$0x0], $0xffff;
	v37 =	vor.u32 v36, v23  }
0x1c1: {  	v43 =	vld.idx.msk [tilespmem:v43+s17+$0x0], $0xffff;
	[tilespmem:v47+s16+$0x0] =	vst.idx.msk $0xffff, v42;
	v42 =	vadd.s32 v13, v22  }
0x1c2: {  	v40 =	vld.idx.msk [tilespmem:v40+s17+$0x0], $0xffff;
	v45 =	vor.u32 v35, v0  }
0x1c3: {  	v0 =	vld [tilespmem:$0x1FDA0];
	[tilespmem:v50+s16+$0x0] =	vst.idx.msk $0xffff, v41  }
0x1c4: {  	[tilespmem:v44+s16+$0x0] =	vst.idx.msk $0xffff, v52  }
0x1c5: {  	v1 =	vld [tilespmem:$0x1FC70];
	[tilespmem:v37+s16+$0x0] =	vst.idx.msk $0xffff, v38  }
0x1c6: {  	v39 =	vor.u32 v29, v20;
	[tilespmem:v42+s16+$0x0] =	vst.idx.msk $0xffff, v43  }
0x1c7: {  	v58 =	vor.u32 v29, v16;
	v41 =	vld.idx.msk [tilespmem:v51+s17+$0x0], $0xffff;
	v50 =	vor.u32 v34, v9;
	[tilespmem:v45+s16+$0x0] =	vst.idx.msk $0xffff, v40  }
0x1c8: {  	v47 =	vor.u32 v0, v12;
	v51 =	vor.u32 v0, v14;
	v0 =	vld [tilespmem:$0x1FAD0]  }
0x1c9: {  	v37 =	vor.u32 v18, v2  }
0x1ca: {  	v44 =	vld.idx.msk [tilespmem:v48+s17+$0x0], $0xffff;
	v48 =	vadd.s32 v1, v4  }
0x1cb: {  	v38 =	vld.idx.msk [tilespmem:v39+s17+$0x0], $0xffff  }
0x1cc: {  	v39 =	vadd.s32 v7, v15;
	v40 =	vld.idx.msk [tilespmem:v58+s17+$0x0], $0xffff;
	[tilespmem:v50+s16+$0x0] =	vst.idx.msk $0xffff, v41  }
0x1cd: {  	v25 =	vmov v0;
	v35 =	vor.u32 v35, v0;
	v0 =	vld [tilespmem:$0x1FE20]  }
0x1ce: {  	v37 =	vld.idx.msk [tilespmem:v37+s17+$0x0], $0xffff  }
0x1cf: {  	v42 =	vld.idx.msk [tilespmem:v47+s17+$0x0], $0xffff;
	[tilespmem:v48+s16+$0x0] =	vst.idx.msk $0xffff, v44  }
0x1d0: {  	v13 =	vmov v16;
	v16 =	vmov v9;
	v9 =	vor.u32 $0x800, v26;
	v41 =	vld.idx.msk [tilespmem:v51+s17+$0x0], $0xffff;
	[tilespmem:$0x1FAE0] =	vst v49  }
0x1d1: {  	v52 =	vor.u32 v18, v17;
	v58 =	vor.u32 v36, v9;
	[tilespmem:v39+s16+$0x0] =	vst.idx.msk $0xffff, v38  }
0x1d2: {  	v50 =	vor.u32 v0, v30;
	v48 =	vor.u32 v0, v24;
	v0 =	vld [tilespmem:$0x1FC80];
	_ =	sdelay $0x1  }
0x1d3: {  	v45 =	vor.u32 v32, v10  }
0x1d4: {  	v43 =	vor.u32 v32, v19  }
0x1d5: {  	v47 =	vadd.s32 v11, v22;
	v38 =	vld.idx.msk [tilespmem:v52+s17+$0x0], $0xffff;
	[tilespmem:v58+s16+$0x0] =	vst.idx.msk $0xffff, v40  }
0x1d6: {  	v51 =	vor.u32 v34, v49;
	v46 =	vld [tilespmem:$0x1FFD0];
	[tilespmem:v35+s16+$0x0] =	vst.idx.msk $0xffff, v42;
	v39 =	vadd.s32 v0, v4;
	v0 =	vlaneseq.u32  }
0x1d7: {  	v1 =	vor.u32 $0x30, v0;
	v0 =	vld [tilespmem:$0x1FB00]  }
0x1d8: {  	v45 =	vld.idx.msk [tilespmem:v45+s17+$0x0], $0xffff  }
0x1d9: {  	v43 =	vld.idx.msk [tilespmem:v43+s17+$0x0], $0xffff;
	[tilespmem:$0x1FAF0] =	vst v1  }
0x1da: {  	[tilespmem:v47+s16+$0x0] =	vst.idx.msk $0xffff, v41  }
0x1db: {  	[tilespmem:v51+s16+$0x0] =	vst.idx.msk $0xffff, v37  }
0x1dc: {  	v35 =	vor.u32 v1, v0;
	v0 =	vld [tilespmem:$0x1FD30];
	_ =	sdelay $0x1  }
0x1dd: {  	v40 =	vadd.s32 v46, v15  }
0x1de: {  	v52 =	vor.u32 v55, v6;
	v58 =	vor.u32 $0xC00, v26  }
0x1df: {  	v42 =	vor.u32 v36, v58  }
0x1e0: {  	v37 =	vor.u32 v0, v22;
	v0 =	vld [tilespmem:$0x1FD60]  }
0x1e1: {  	v41 =	vld.idx.msk [tilespmem:v50+s17+$0x0], $0xffff;
	[tilespmem:v39+s16+$0x0] =	vst.idx.msk $0xffff, v38  }
0x1e2: {  	v47 =	vld.idx.msk [tilespmem:v48+s17+$0x0], $0xffff;
	[tilespmem:v40+s16+$0x0] =	vst.idx.msk $0xffff, v45  }
0x1e3: {  	v31 =	vor.u32 v35, v31;
	v39 =	vld.idx.msk [tilespmem:v52+s17+$0x0], $0xffff;
	[tilespmem:$0x1FB10] =	vst v33  }
0x1e4: {  	[tilespmem:v42+s16+$0x0] =	vst.idx.msk $0xffff, v43  }
0x1e5: {  	v44 =	vor.u32 v55, v5;
	v55 =	vor.u32 v0, v12;
	v38 =	vor.u32 v0, v14;
	v0 =	vld [tilespmem:$0x1FC90];
	_ =	sdelay $0x1  }
0x1e6: {  	v46 =	vor.u32 v62, v13;
	v1 =	vor.u32 v62, v20  }
0x1e7: {  	v27 =	vmov v2;
	v45 =	vor.u32 v34, v33;
	v33 =	vor.u32 v8, v2;
	v2 =	vld [tilespmem:$0x1FFB0];
	[tilespmem:v31+s16+$0x0] =	vst.idx.msk $0xffff, v41  }
0x1e8: {  	[tilespmem:v37+s16+$0x0] =	vst.idx.msk $0xffff, v47  }
0x1e9: {  	v42 =	vadd.s32 v0, v4;
	v0 =	vld [tilespmem:$0x1FB20]  }
0x1ea: {  	v44 =	vld.idx.msk [tilespmem:v44+s17+$0x0], $0xffff  }
0x1eb: {  	v50 =	vld.idx.msk [tilespmem:v1+s17+$0x0], $0xffff  }
0x1ec: {  	v31 =	vld.idx.msk [tilespmem:v46+s17+$0x0], $0xffff  }
0x1ed: {  	v40 =	vor.u32 v8, v17;
	v8 =	vld [tilespmem:$0x1FE00];
	v62 =	vadd.s32 v2, v15;
	[tilespmem:v45+s16+$0x0] =	vst.idx.msk $0xffff, v39  }
0x1ee: {  	v41 =	vor.u32 v56, v10;
	v47 =	vor.u32 v56, v19;
	v56 =	vor.u32 v35, v0;
	v0 =	vld [tilespmem:$0x1FDD0]  }
0x1ef: {  	v37 =	vld.idx.msk [tilespmem:v55+s17+$0x0], $0xffff  }
0x1f0: {  	v38 =	vld.idx.msk [tilespmem:v38+s17+$0x0], $0xffff;
	[tilespmem:v42+s16+$0x0] =	vst.idx.msk $0xffff, v44  }
0x1f1: {  	v42 =	vld.idx.msk [tilespmem:v33+s17+$0x0], $0xffff;
	[tilespmem:$0x1FB30] =	vst v54  }
0x1f2: {  	[tilespmem:v62+s16+$0x0] =	vst.idx.msk $0xffff, v50  }
0x1f3: {  	v45 =	vor.u32 v0, v30;
	v55 =	vor.u32 v0, v24;
	v0 =	vld [tilespmem:$0x1FCA0]  }
0x1f4: {  	v1 =	vor.u32 $0x1000, v26  }
0x1f5: {  	v46 =	vor.u32 v36, v1;
	_ =	sdelay $0x1  }
0x1f6: {  	v39 =	vadd.s32 v53, v22  }
0x1f7: {  	v33 =	vadd.s32 v0, v4;
	v0 =	vld [tilespmem:$0x1FD40];
	_ =	sdelay $0x1  }
0x1f8: {  	[tilespmem:v46+s16+$0x0] =	vst.idx.msk $0xffff, v31  }
0x1f9: {  	v18 =	vmov v9;
	v9 =	vld [tilespmem:$0x1FFC0];
	[tilespmem:v56+s16+$0x0] =	vst.idx.msk $0xffff, v37  }
0x1fa: {  	v34 =	vor.u32 v34, v54;
	v40 =	vld.idx.msk [tilespmem:v40+s17+$0x0], $0xffff;
	[tilespmem:v39+s16+$0x0] =	vst.idx.msk $0xffff, v38  }
0x1fb: {  	v50 =	vor.u32 v0, v6;
	v62 =	vor.u32 v0, v5;
	v0 =	vld [tilespmem:$0x1FB40];
	_ =	sdelay $0x2  }
0x1fc: {  	v41 =	vld.idx.msk [tilespmem:v41+s17+$0x0], $0xffff  }
0x1fd: {  	v38 =	vld.idx.msk [tilespmem:v45+s17+$0x0], $0xffff;
	[tilespmem:v34+s16+$0x0] =	vst.idx.msk $0xffff, v42  }
0x1fe: {  	v45 =	vor.u32 v35, v0;
	v0 =	vld [tilespmem:$0x1FDE0];
	[tilespmem:v33+s16+$0x0] =	vst.idx.msk $0xffff, v40  }
0x1ff: {  	v11 =	vld [tilespmem:$0x1FB50]  }
0x200: {  	v31 =	vadd.s32 v9, v15;
	v28 =	vld [tilespmem:$0x1FB60];
	_ =	sdelay $0x1  }
0x201: {  	v46 =	vld.idx.msk [tilespmem:v47+s17+$0x0], $0xffff  }
0x202: {  	v43 =	vld.idx.msk [tilespmem:v55+s17+$0x0], $0xffff  }
0x203: {  	v29 =	vor.u32 $0x1400, v26;
	v44 =	vld.idx.msk [tilespmem:v50+s17+$0x0], $0xffff  }
0x204: {  	v47 =	vor.u32 v36, v29;
	[tilespmem:v31+s16+$0x0] =	vst.idx.msk $0xffff, v41;
	v41 =	vld.idx.msk [tilespmem:v62+s17+$0x0], $0xffff;
	v34 =	vor.u32 v28, v11  }
0x205: {  	[tilespmem:$0x1FB70] =	vst v3;
	v62 =	vor.u32 v34, v3;
	v3 =	vld [tilespmem:$0x1FD70]  }
0x206: {  	v57 =	vadd.s32 v57, v22  }
0x207: {  	v2 =	vld [tilespmem:$0x1FD50];
	_ =	sdelay $0x1  }
0x208: {  	[tilespmem:v47+s16+$0x0] =	vst.idx.msk $0xffff, v46  }
0x209: {  	v53 =	vor.u32 v3, v17;
	v46 =	vor.u32 v3, v27;
	v3 =	vld [tilespmem:$0x1FC30];
	[tilespmem:v45+s16+$0x0] =	vst.idx.msk $0xffff, v38  }
0x20a: {  	[tilespmem:v57+s16+$0x0] =	vst.idx.msk $0xffff, v43  }
0x20b: {  	v54 =	vor.u32 v2, v4;
	v2 =	vld [tilespmem:$0x1FB80]  }
0x20c: {  	v56 =	vor.u32 v59, v20;
	_ =	sdelay $0x1  }
0x20d: {  	v39 =	vor.u32 v59, v13;
	v59 =	vor.u32 v0, v12;
	_ =	sdelay $0x1  }
0x20e: {  	v57 =	vor.u32 v35, v2;
	v2 =	vld [tilespmem:$0x1FEB0]  }
0x20f: {  	v37 =	vld.idx.msk [tilespmem:v56+s17+$0x0], $0xffff  }
0x210: {  	v11 =	vld [tilespmem:$0x1FFF0]  }
0x211: {  	v43 =	vld.idx.msk [tilespmem:v59+s17+$0x0], $0xffff;
	[tilespmem:v62+s16+$0x0] =	vst.idx.msk $0xffff, v44  }
0x212: {  	v47 =	vadd.s32 v3, v15;
	v9 =	vld [tilespmem:$0x1FF50];
	[tilespmem:v54+s16+$0x0] =	vst.idx.msk $0xffff, v41  }
0x213: {  	v59 =	vor.u32 v2, v10;
	v51 =	vor.u32 v2, v19;
	v2 =	vld [tilespmem:$0x1FD90];
	_ =	sdelay $0x2  }
0x214: {  	v31 =	vor.u32 $0x1800, v26  }
0x215: {  	v38 =	vld.idx.msk [tilespmem:v39+s17+$0x0], $0xffff;
	v39 =	vor.u32 v36, v31;
	[tilespmem:v47+s16+$0x0] =	vst.idx.msk $0xffff, v37  }
0x216: {  	v41 =	vor.u32 v2, v24;
	v56 =	vor.u32 v2, v30;
	v2 =	vld [tilespmem:$0x1FB90];
	_ =	sdelay $0x3  }
0x217: {  	v50 =	vor.u32 v0, v14;
	[tilespmem:v39+s16+$0x0] =	vst.idx.msk $0xffff, v38  }
0x218: {  	v37 =	vor.u32 v34, v2;
	v2 =	vld [tilespmem:$0x1FF40];
	_ =	sdelay $0x3  }
0x219: {  	v50 =	vld.idx.msk [tilespmem:v50+s17+$0x0], $0xffff;
	v62 =	vadd.s32 v9, v22  }
0x21a: {  	v38 =	vadd.s32 v2, v4;
	v2 =	vld [tilespmem:$0x1FD80];
	_ =	sdelay $0x2  }
0x21b: {  	v46 =	vld.idx.msk [tilespmem:v46+s17+$0x0], $0xffff;
	[tilespmem:v57+s16+$0x0] =	vst.idx.msk $0xffff, v43  }
0x21c: {  	s31 =	simm.s32 $0x6;
	v32 =	vlaneseq.u32;
	v9 =	vld [tilespmem:$0x1FC40];
	[tilespmem:v62+s16+$0x0] =	vst.idx.msk $0xffff, v50  }
0x21d: {  	v0 =	vadd.s32 s31, v32;
	v39 =	vor.u32 v2, v6;
	v62 =	vor.u32 v2, v5;
	v2 =	vld [tilespmem:$0x1FED0]  }
0x21e: {  	v40 =	vand.u32 $0xF, v0  }
0x21f: {  	vm1 =	veq.s32 v40, $0x0;
	v47 =	vld.idx.msk [tilespmem:v53+s17+$0x0], $0xffff  }
0x220: {  	v28 =	vimm.s32 $0x0;
	vm1 =	vmand vm1, vm0;
	v45 =	vld.idx.msk [tilespmem:v59+s17+$0x0], $0xffff  }
0x221: {  	v59 =	vsel vm1, $0xFFFFFFFF, v28;
	v28 =	vld [tilespmem:$0x1FBA0];
	[tilespmem:v37+s16+$0x0] =	vst.idx.msk $0xffff, v46  }
0x222: {  	v50 =	vor.u32 v2, v20;
	v37 =	vor.u32 v2, v13;
	v2 =	vld [tilespmem:$0x1FF90];
	_ =	sdelay $0x2  }
0x223: {  	v57 =	vshrl.u32 v40, $0x1  }
0x224: {  	v44 =	vadd.s32 v59, v57;
	v43 =	vadd.s32 v9, v15;
	[tilespmem:v38+s16+$0x0] =	vst.idx.msk $0xffff, v47  }
0x225: {  	v32 =	vshll.u32 v44, $0x7;
	v44 =	vadd.s32 v2, v22;
	v2 =	vld [tilespmem:$0x1FE40];
	_ =	sdelay $0x2  }
0x226: {  	v33 =	vor.u32 $0x1C00, v26  }
0x227: {  	v36 =	vor.u32 v36, v33;
	v51 =	vld.idx.msk [tilespmem:v51+s17+$0x0], $0xffff;
	[tilespmem:v43+s16+$0x0] =	vst.idx.msk $0xffff, v45  }
0x228: {  	v46 =	vor.u32 v2, v32;
	v2 =	vld [tilespmem:$0x1FBB0];
	_ =	sdelay $0x2  }
0x229: {  	v48 =	vor.u32 v8, v14;
	v52 =	vld.idx.msk [tilespmem:v56+s17+$0x0], $0xffff  }
0x22a: {  	v54 =	vor.u32 v35, v28;
	v38 =	vor.u32 v8, v12;
	v8 =	vld [tilespmem:$0x1FDB0];
	[tilespmem:v36+s16+$0x0] =	vst.idx.msk $0xffff, v51  }
0x22b: {  	v45 =	vor.u32 v34, v2;
	v2 =	vld [tilespmem:$0x1FCB0];
	_ =	sdelay $0x3  }
0x22c: {  	[tilespmem:v54+s16+$0x0] =	vst.idx.msk $0xffff, v52  }
0x22d: {  	v51 =	vadd.s32 v2, v4;
	v2 =	vld [tilespmem:$0x1FEC0];
	_ =	sdelay $0x3  }
0x22e: {  	v42 =	vor.u32 v11, v40;
	v41 =	vld.idx.msk [tilespmem:v41+s17+$0x0], $0xffff  }
0x22f: {  	v52 =	vor.u32 v2, v15;
	v2 =	vld [tilespmem:$0x1FBC0];
	_ =	sdelay $0x3  }
0x230: {  	v42 =	vld.idx.msk [tilespmem:v42+s17+$0x0], $0xffff;
	[tilespmem:v44+s16+$0x0] =	vst.idx.msk $0xffff, v41  }
0x231: {  	v36 =	vor.u32 v2, v21;
	v2 =	vld [tilespmem:$0x1FEE0];
	_ =	sdelay $0x3  }
0x232: {  	v39 =	vld.idx.msk [tilespmem:v39+s17+$0x0], $0xffff;
	[tilespmem:v46+s16+$0x0] =	vst.idx.msk $0xffff, v42  }
0x233: {  	v44 =	vor.u32 v2, v10;
	v46 =	vor.u32 v2, v19;
	v2 =	vld [tilespmem:$0x1FBD0];
	_ =	sdelay $0x3  }
0x234: {  	v47 =	vld.idx.msk [tilespmem:v62+s17+$0x0], $0xffff;
	[tilespmem:v45+s16+$0x0] =	vst.idx.msk $0xffff, v39  }
0x235: {  	v56 =	vor.u32 v35, v2;
	v2 =	vld [tilespmem:$0x1FFA0]  }
0x236: {  	v50 =	vld.idx.msk [tilespmem:v50+s17+$0x0], $0xffff  }
0x237: {  	v62 =	vor.u32 v8, v27;
	v54 =	vld.idx.msk [tilespmem:v37+s17+$0x0], $0xffff  }
0x238: {  	v3 =	vld [tilespmem:$0x1FDF0]  }
0x239: {  	v28 =	vmov v21;
	v21 =	vld.idx.msk [tilespmem:v38+s17+$0x0], $0xffff;
	[tilespmem:v51+s16+$0x0] =	vst.idx.msk $0xffff, v47  }
0x23a: {  	v55 =	vor.u32 v36, v26;
	v38 =	vadd.s32 v2, v22;
	v2 =	vld [tilespmem:$0x1FD10]  }
0x23b: {  	v43 =	vld.idx.msk [tilespmem:v48+s17+$0x0], $0xffff  }
0x23c: {  	v39 =	vld.idx.msk [tilespmem:v62+s17+$0x0], $0xffff;
	[tilespmem:v52+s16+$0x0] =	vst.idx.msk $0xffff, v50  }
0x23d: {  	v59 =	vor.u32 v3, v30;
	v62 =	vor.u32 v3, v24;
	v3 =	vld [tilespmem:$0x1FDC0]  }
0x23e: {  	v57 =	vor.u32 v8, v17  }
0x23f: {  	v37 =	vor.u32 v2, v17;
	v2 =	vld [tilespmem:$0x1FBE0];
	[tilespmem:v55+s16+$0x0] =	vst.idx.msk $0xffff, v54  }
0x240: {  	v8 =	vld [tilespmem:$0x1FFE0];
	[tilespmem:v56+s16+$0x0] =	vst.idx.msk $0xffff, v21  }
0x241: {  	[tilespmem:v38+s16+$0x0] =	vst.idx.msk $0xffff, v43  }
0x242: {  	v41 =	vor.u32 v3, v5;
	v45 =	vor.u32 v3, v6;
	v3 =	vld [tilespmem:$0x1FE30]  }
0x243: {  	v47 =	vld.idx.msk [tilespmem:v57+s17+$0x0], $0xffff  }
0x244: {  	v51 =	vld.idx.msk [tilespmem:v44+s17+$0x0], $0xffff  }
0x245: {  	v54 =	vld.idx.msk [tilespmem:v46+s17+$0x0], $0xffff  }
0x246: {  	v48 =	vld.idx.msk [tilespmem:v59+s17+$0x0], $0xffff  }
0x247: {  	v46 =	vld.idx.msk [tilespmem:v62+s17+$0x0], $0xffff;
	v43 =	vadd.s32 v3, v22;
	v3 =	vor.u32 $0x1870, v11  }
0x248: {  	[tilespmem:$0x1FBF0] =	vst v3;
	v3 =	vld [tilespmem:$0x1FC00];
	_ =	sdelay $0x2  }
0x249: {  	v50 =	vadd.s32 v60, v4  }
0x24a: {  	v52 =	vor.u32 v61, v20;
	v55 =	vor.u32 v36, v23;
	v42 =	vor.u32 v34, v2  }
0x24b: {  	s19 =	simm.s32 $0x7;
	s18 =	simm.s32 $0x8;
	v56 =	vor.u32 v61, v13;
	v2 =	vmovc v23;
	v53 =	vadd.s32 v8, v15;
	v44 =	vor.u32 v35, v3  }
.LBB2_4:
0x24c: {  	_ = 	snop  }
0x24d: {  	v3 =	vld [tilespmem:$0x1FBF0];
	_ =	sdelay $0x1  }
0x24e: {  	[tilespmem:v42+s16+$0x0] =	vst.idx.msk $0xffff, v39  }
0x24f: {  	v9 =	vld [tilespmem:$0x1FF00];
	[tilespmem:v50+s16+$0x0] =	vst.idx.msk $0xffff, v47  }
0x250: {  	v60 =	vlaneseq.u32;
	v47 =	vld.idx.msk [tilespmem:v45+s17+$0x0], $0xffff;
	[tilespmem:v55+s16+$0x0] =	vst.idx.msk $0xffff, v54  }
0x251: {  	v30 =	vmovc v1;
	v1 =	vld [tilespmem:$0x1FCD0];
	v57 =	vor.u32 v3, v14;
	v59 =	vor.u32 v3, v12;
	v3 =	vmovc v19;
	v19 =	vadd.s32 s19, v60  }
0x252: {  	[tilespmem:v53+s16+$0x0] =	vst.idx.msk $0xffff, v51;
	v56 =	vld.idx.msk [tilespmem:v56+s17+$0x0], $0xffff;
	v38 =	vand.u32 $0xF, v19  }
0x253: {  	v39 =	vmov v58;
	v42 =	vmov v16;
	v51 =	vld.idx.msk [tilespmem:v41+s17+$0x0], $0xffff;
	v50 =	vor.u32 v63, v38  }
0x254: {  	v8 =	vmovc v63;
	v58 =	vor.u32 v9, v10;
	v41 =	vor.u32 v34, v42;
	v63 =	vor.u32 v9, v3;
	v9 =	vld [tilespmem:$0x1FAE0]  }
0x255: {  	v52 =	vld.idx.msk [tilespmem:v52+s17+$0x0], $0xffff  }
0x256: {  	[tilespmem:v44+s16+$0x0] =	vst.idx.msk $0xffff, v48;
	v53 =	vadd.s32 v1, v4;
	v1 =	vld [tilespmem:$0x1FC50]  }
0x257: {  	[tilespmem:v43+s16+$0x0] =	vst.idx.msk $0xffff, v46;
	v43 =	vld.idx.msk [tilespmem:v59+s17+$0x0], $0xffff  }
0x258: {  	v24 =	vor.u32 v35, v25;
	v35 =	vld.idx.msk [tilespmem:v50+s17+$0x0], $0xffff  }
0x259: {  	[tilespmem:v41+s16+$0x0] =	vst.idx.msk $0xffff, v47;
	v41 =	vmov v9;
	v9 =	vld [tilespmem:$0x1FE50];
	_ =	sdelay $0x1  }
0x25a: {  	v11 =	vld [tilespmem:$0x1FD10]  }
0x25b: {  	v55 =	vadd.s32 v1, v15;
	v1 =	vld [tilespmem:$0x1FE10]  }
0x25c: {  	v14 =	vmov v10;
	v10 =	vmov v0;
	v57 =	vld.idx.msk [tilespmem:v57+s17+$0x0], $0xffff  }
0x25d: {  	[tilespmem:v53+s16+$0x0] =	vst.idx.msk $0xffff, v51;
	v44 =	vor.u32 v9, v10;
	v51 =	vor.u32 v9, v19;
	v9 =	vld [tilespmem:$0x1FCE0];
	_ =	sdelay $0x1  }
0x25e: {  	v12 =	vmov v27  }
0x25f: {  	v62 =	vor.u32 v36, v18;
	v54 =	vor.u32 v11, v12;
	v61 =	vshll.u32 v19, $0x6  }
0x260: {  	v0 =	vand.u32 $0x380, v61  }
0x261: {  	v22 =	vadd.s32 v1, v22;
	v1 =	vand.u32 $0x40, v61;
	v61 =	vadd.s32 v9, v4;
	v9 =	vld [tilespmem:$0x1FD20];
	_ =	sdelay $0x2  }
0x262: {  	v50 =	vld.idx.msk [tilespmem:v54+s17+$0x0], $0xffff;
	[tilespmem:v62+s16+$0x0] =	vst.idx.msk $0xffff, v56  }
0x263: {  	v23 =	vmov v6;
	v49 =	vmov v29;
	v29 =	vld.idx.msk [tilespmem:v63+s17+$0x0], $0xffff  }
0x264: {  	v62 =	vor.u32 v9, v23;
	v63 =	vor.u32 v9, v5;
	v9 =	vld [tilespmem:$0x1FF10];
	_ =	sdelay $0x2  }
0x265: {  	[tilespmem:v55+s16+$0x0] =	vst.idx.msk $0xffff, v52  }
0x266: {  	[tilespmem:v24+s16+$0x0] =	vst.idx.msk $0xffff, v43;
	v43 =	vmov v5;
	v52 =	vld.idx.msk [tilespmem:v37+s17+$0x0], $0xffff;
	v5 =	vmov v20  }
0x267: {  	v56 =	vor.u32 v9, v5;
	v59 =	vor.u32 v9, v13;
	v9 =	vld [tilespmem:$0x1FE60]  }
0x268: {  	v45 =	vor.u32 v60, v1  }
0x269: {  	v16 =	vld [tilespmem:$0x1FC60];
	v47 =	vor.u32 v45, v0  }
0x26a: {  	v53 =	vor.u32 v34, v41;
	v55 =	vld.idx.msk [tilespmem:v58+s17+$0x0], $0xffff;
	[tilespmem:v22+s16+$0x0] =	vst.idx.msk $0xffff, v57  }
0x26b: {  	v24 =	vor.u32 v36, v39;
	v57 =	vld.idx.msk [tilespmem:v44+s17+$0x0], $0xffff;
	v20 =	vmov v40  }
0x26c: {  	[tilespmem:v61+s16+$0x0] =	vst.idx.msk $0xffff, v52;
	v40 =	vor.u32 v9, v20;
	v52 =	vor.u32 v9, v38;
	v9 =	vld [tilespmem:$0x1FCF0]  }
0x26d: {  	v21 =	vld [tilespmem:$0x1FC10]  }
0x26e: {  	v25 =	vld [tilespmem:$0x1FB10];
	[tilespmem:v47+s16+$0x0] =	vst.idx.msk $0xffff, v35  }
0x26f: {  	v51 =	vld.idx.msk [tilespmem:v51+s17+$0x0], $0xffff;
	[tilespmem:v53+s16+$0x0] =	vst.idx.msk $0xffff, v50  }
0x270: {  	v22 =	vadd.s32 v16, v15;
	v48 =	vld.idx.msk [tilespmem:v62+s17+$0x0], $0xffff  }
0x271: {  	[tilespmem:v24+s16+$0x0] =	vst.idx.msk $0xffff, v29;
	v29 =	vadd.s32 v9, v4;
	v9 =	vld [tilespmem:$0x1FDA0]  }
0x272: {  	v47 =	vadd.s32 v21, v32  }
0x273: {  	v37 =	vor.u32 $0x400, v0;
	v46 =	vld.idx.msk [tilespmem:v63+s17+$0x0], $0xffff  }
0x274: {  	v50 =	vor.u32 v45, v37;
	v62 =	vadd.s32 v7, v32;
	v7 =	vld [tilespmem:$0x1FE70]  }
0x275: {  	v6 =	vmov v17;
	v53 =	vor.u32 v34, v25;
	[tilespmem:v22+s16+$0x0] =	vst.idx.msk $0xffff, v55;
	v22 =	vmov v4;
	v4 =	vld [tilespmem:$0x1FF20]  }
0x276: {  	v61 =	vmov v31;
	v31 =	vor.u32 v9, v12;
	v54 =	vor.u32 v9, v6;
	v9 =	vld [tilespmem:$0x1FC70]  }
0x277: {  	[tilespmem:v47+s16+$0x0] =	vst.idx.msk $0xffff, v57;
	v35 =	vld.idx.msk [tilespmem:v59+s17+$0x0], $0xffff  }
0x278: {  	v47 =	vld.idx.msk [tilespmem:v56+s17+$0x0], $0xffff  }
0x279: {  	[tilespmem:v50+s16+$0x0] =	vst.idx.msk $0xffff, v51;
	v40 =	vld.idx.msk [tilespmem:v40+s17+$0x0], $0xffff  }
0x27a: {  	v59 =	vmov v33;
	v56 =	vor.u32 v36, v30;
	v33 =	vor.u32 $0x800, v0;
	v52 =	vld.idx.msk [tilespmem:v52+s17+$0x0], $0xffff;
	[tilespmem:v53+s16+$0x0] =	vst.idx.msk $0xffff, v48  }
0x27b: {  	v63 =	vor.u32 v4, v3;
	[tilespmem:v29+s16+$0x0] =	vst.idx.msk $0xffff, v46;
	v50 =	vadd.s32 v9, v15;
	v29 =	vld.idx.msk [tilespmem:v31+s17+$0x0], $0xffff  }
0x27c: {  	v53 =	vor.u32 v45, v33;
	v9 =	vld [tilespmem:$0x1FF30]  }
0x27d: {  	v48 =	vor.u32 v7, v10;
	v31 =	vor.u32 v7, v19;
	v7 =	vld [tilespmem:$0x1FD00]  }
0x27e: {  	v16 =	vld [tilespmem:$0x1FB30]  }
0x27f: {  	v46 =	vld.idx.msk [tilespmem:v54+s17+$0x0], $0xffff;
	[tilespmem:v56+s16+$0x0] =	vst.idx.msk $0xffff, v35  }
0x280: {  	[tilespmem:v50+s16+$0x0] =	vst.idx.msk $0xffff, v47;
	v50 =	vld.idx.msk [tilespmem:v63+s17+$0x0], $0xffff  }
0x281: {  	v47 =	vor.u32 v9, v5;
	[tilespmem:v53+s16+$0x0] =	vst.idx.msk $0xffff, v52;
	v53 =	vor.u32 v9, v13;
	v9 =	vld [tilespmem:$0x1FFD0]  }
0x282: {  	v55 =	vor.u32 v4, v14;
	v4 =	vmovc v15;
	v15 =	vmov v32;
	v32 =	vadd.s32 v7, v22;
	v7 =	vld [tilespmem:$0x1FE20];
	_ =	sdelay $0x1  }
0x283: {  	v17 =	vmov v16  }
0x284: {  	v44 =	vmov v25;
	v25 =	vmov v17;
	v34 =	vor.u32 v34, v17;
	v17 =	vld [tilespmem:$0x1FAF0]  }
0x285: {  	v57 =	vadd.s32 v9, v15;
	v9 =	vld [tilespmem:$0x1FB50]  }
0x286: {  	v54 =	vor.u32 v7, v23;
	v63 =	vor.u32 v7, v43;
	v7 =	vld [tilespmem:$0x1FEA0];
	_ =	sdelay $0x1  }
0x287: {  	v16 =	vmov v30;
	v30 =	vld [tilespmem:$0x1FC80]  }
0x288: {  	v31 =	vld.idx.msk [tilespmem:v31+s17+$0x0], $0xffff  }
0x289: {  	[tilespmem:v62+s16+$0x0] =	vst.idx.msk $0xffff, v40;
	v62 =	vor.u32 v36, v49;
	v35 =	vor.u32 v17, v9;
	v17 =	vmov v1;
	v1 =	vld [tilespmem:$0x1FD30]  }
0x28a: {  	[tilespmem:v34+s16+$0x0] =	vst.idx.msk $0xffff, v29;
	v40 =	vor.u32 v7, v20;
	v34 =	vor.u32 v7, v38;
	v7 =	vld [tilespmem:$0x1FB70]  }
0x28b: {  	v55 =	vld.idx.msk [tilespmem:v55+s17+$0x0], $0xffff  }
0x28c: {  	v52 =	vadd.s32 v30, v4;
	v48 =	vld.idx.msk [tilespmem:v48+s17+$0x0], $0xffff  }
0x28d: {  	[tilespmem:v32+s16+$0x0] =	vst.idx.msk $0xffff, v46;
	v32 =	vld.idx.msk [tilespmem:v54+s17+$0x0], $0xffff  }
0x28e: {  	v58 =	vor.u32 $0xC00, v0;
	[tilespmem:v62+s16+$0x0] =	vst.idx.msk $0xffff, v50;
	v50 =	vor.u32 v1, v22;
	v1 =	vld [tilespmem:$0x1FD60]  }
0x28f: {  	v29 =	vor.u32 v45, v58;
	v51 =	vor.u32 v35, v7;
	v7 =	vld [tilespmem:$0x1FF80];
	_ =	sdelay $0x1  }
0x290: {  	v46 =	vld.idx.msk [tilespmem:v63+s17+$0x0], $0xffff;
	[tilespmem:v52+s16+$0x0] =	vst.idx.msk $0xffff, v55  }
0x291: {  	v52 =	vld.idx.msk [tilespmem:v53+s17+$0x0], $0xffff;
	[tilespmem:v57+s16+$0x0] =	vst.idx.msk $0xffff, v48  }
0x292: {  	v62 =	vmov v26;
	v26 =	vmov v0;
	v0 =	vld.idx.msk [tilespmem:v47+s17+$0x0], $0xffff;
	v54 =	vor.u32 v1, v12  }
0x293: {  	[tilespmem:v29+s16+$0x0] =	vst.idx.msk $0xffff, v31;
	v47 =	vor.u32 v7, v14;
	v31 =	vor.u32 v7, v3;
	v7 =	vld [tilespmem:$0x1FE80]  }
0x294: {  	v40 =	vld.idx.msk [tilespmem:v40+s17+$0x0], $0xffff  }
0x295: {  	v34 =	vld.idx.msk [tilespmem:v34+s17+$0x0], $0xffff  }
0x296: {  	v53 =	vor.u32 v1, v6;
	v1 =	vld [tilespmem:$0x1FC90];
	[tilespmem:v51+s16+$0x0] =	vst.idx.msk $0xffff, v32  }
0x297: {  	[tilespmem:v50+s16+$0x0] =	vst.idx.msk $0xffff, v46;
	v50 =	vld.idx.msk [tilespmem:v54+s17+$0x0], $0xffff  }
0x298: {  	v32 =	vor.u32 v7, v10;
	v54 =	vor.u32 v7, v19;
	v7 =	vld [tilespmem:$0x1FB90];
	_ =	sdelay $0x2  }
0x299: {  	v29 =	vadd.s32 v1, v4;
	v1 =	vld [tilespmem:$0x1FFB0];
	_ =	sdelay $0x1  }
0x29a: {  	v56 =	vor.u32 v35, v7;
	v7 =	vld [tilespmem:$0x1FF70]  }
0x29b: {  	v63 =	vor.u32 v36, v61;
	_ =	sdelay $0x1  }
0x29c: {  	v27 =	vmov v18;
	v18 =	vld [tilespmem:$0x1FBB0];
	v55 =	vadd.s32 v1, v15;
	v1 =	vor.u32 $0x1000, v26  }
0x29d: {  	v9 =	vld [tilespmem:$0x1FCA0];
	v51 =	vor.u32 v45, v1  }
0x29e: {  	v48 =	vadd.s32 v7, v22;
	v7 =	vld [tilespmem:$0x1FDD0]  }
0x29f: {  	v53 =	vld.idx.msk [tilespmem:v53+s17+$0x0], $0xffff;
	[tilespmem:v63+s16+$0x0] =	vst.idx.msk $0xffff, v52  }
0x2a0: {  	v24 =	vmov v28;
	v28 =	vld.idx.msk [tilespmem:v31+s17+$0x0], $0xffff  }
0x2a1: {  	[tilespmem:v29+s16+$0x0] =	vst.idx.msk $0xffff, v0;
	v0 =	vld [tilespmem:$0x1FD40]  }
0x2a2: {  	[tilespmem:v51+s16+$0x0] =	vst.idx.msk $0xffff, v34;
	v34 =	vadd.s32 v9, v4;
	v9 =	vld [tilespmem:$0x1FFC0]  }
0x2a3: {  	[tilespmem:v55+s16+$0x0] =	vst.idx.msk $0xffff, v40;
	v52 =	vor.u32 v7, v23;
	v31 =	vor.u32 v7, v43;
	v7 =	vld [tilespmem:$0x1FDE0]  }
0x2a4: {  	v47 =	vld.idx.msk [tilespmem:v47+s17+$0x0], $0xffff  }
0x2a5: {  	v32 =	vld.idx.msk [tilespmem:v32+s17+$0x0], $0xffff  }
0x2a6: {  	[tilespmem:$0x1FB30] =	vst v59;
	v40 =	vor.u32 v36, v59;
	v54 =	vld.idx.msk [tilespmem:v54+s17+$0x0], $0xffff  }
0x2a7: {  	v29 =	vor.u32 $0x1400, v26;
	v51 =	vor.u32 v0, v13;
	[tilespmem:v56+s16+$0x0] =	vst.idx.msk $0xffff, v50;
	v59 =	vadd.s32 v9, v15;
	v9 =	vld [tilespmem:$0x1FE90]  }
0x2a8: {  	[tilespmem:$0x1FB10] =	vst v61;
	v56 =	vor.u32 v45, v29;
	v57 =	vor.u32 v7, v6;
	v61 =	vor.u32 v7, v12;
	v7 =	vld [tilespmem:$0x1FD50]  }
0x2a9: {  	[tilespmem:v48+s16+$0x0] =	vst.idx.msk $0xffff, v53;
	v48 =	vld.idx.msk [tilespmem:v52+s17+$0x0], $0xffff  }
0x2aa: {  	v55 =	vor.u32 v0, v5;
	v0 =	vadd.s32 s18, v60;
	v60 =	vld.idx.msk [tilespmem:v31+s17+$0x0], $0xffff  }
0x2ab: {  	[tilespmem:v40+s16+$0x0] =	vst.idx.msk $0xffff, v28;
	v28 =	vld [tilespmem:$0x1FF60]  }
0x2ac: {  	[tilespmem:v34+s16+$0x0] =	vst.idx.msk $0xffff, v47;
	v47 =	vld.idx.msk [tilespmem:v51+s17+$0x0], $0xffff  }
0x2ad: {  	[tilespmem:v56+s16+$0x0] =	vst.idx.msk $0xffff, v54;
	v54 =	vor.u32 v7, v4;
	v7 =	vld [tilespmem:$0x1FC30];
	_ =	sdelay $0x2  }
0x2ae: {  	v63 =	vmov v2;
	v2 =	vld [tilespmem:$0x1FB60];
	v50 =	vor.u32 v9, v20  }
0x2af: {  	v18 =	vor.u32 v35, v18;
	v52 =	vor.u32 v9, v38  }
0x2b0: {  	v36 =	vadd.s32 v28, v22;
	v56 =	vadd.s32 v7, v15;
	v7 =	vld [tilespmem:$0x1FEB0]  }
0x2b1: {  	v30 =	vld [tilespmem:$0x1FD70];
	[tilespmem:v59+s16+$0x0] =	vst.idx.msk $0xffff, v32  }
0x2b2: {  	v32 =	vld.idx.msk [tilespmem:v55+s17+$0x0], $0xffff  }
0x2b3: {  	v34 =	vor.u32 v2, v24;
	v50 =	vld.idx.msk [tilespmem:v50+s17+$0x0], $0xffff  }
0x2b4: {  	v51 =	vor.u32 v34, v62;
	v52 =	vld.idx.msk [tilespmem:v52+s17+$0x0], $0xffff;
	[tilespmem:v18+s16+$0x0] =	vst.idx.msk $0xffff, v48  }
0x2b5: {  	[tilespmem:v36+s16+$0x0] =	vst.idx.msk $0xffff, v60;
	v48 =	vor.u32 v7, v10;
	v60 =	vor.u32 v7, v19;
	v7 =	vld [tilespmem:$0x1FD90]  }
0x2b6: {  	v40 =	vand.u32 $0xF, v0  }
0x2b7: {  	v2 =	vmov v13;
	v13 =	vmov v37;
	v37 =	vor.u32 v8, v40  }
0x2b8: {  	v31 =	vor.u32 $0x1800, v26;
	v55 =	vor.u32 v30, v3;
	v18 =	vld [tilespmem:$0x1FBE0]  }
0x2b9: {  	v59 =	vor.u32 v45, v31;
	v36 =	vld.idx.msk [tilespmem:v61+s17+$0x0], $0xffff  }
0x2ba: {  	[tilespmem:v51+s16+$0x0] =	vst.idx.msk $0xffff, v47;
	v61 =	vor.u32 v7, v43;
	v51 =	vor.u32 v7, v23;
	v7 =	vld [tilespmem:$0x1FD80]  }
0x2bb: {  	v57 =	vld.idx.msk [tilespmem:v57+s17+$0x0], $0xffff  }
0x2bc: {  	v37 =	vld.idx.msk [tilespmem:v37+s17+$0x0], $0xffff  }
0x2bd: {  	[tilespmem:v54+s16+$0x0] =	vst.idx.msk $0xffff, v32;
	v55 =	vld.idx.msk [tilespmem:v55+s17+$0x0], $0xffff  }
0x2be: {  	v53 =	vor.u32 v30, v14;
	[tilespmem:v59+s16+$0x0] =	vst.idx.msk $0xffff, v52;
	v59 =	vld [tilespmem:$0x1FF40]  }
0x2bf: {  	[tilespmem:v56+s16+$0x0] =	vst.idx.msk $0xffff, v50;
	v54 =	vor.u32 v7, v5;
	v56 =	vor.u32 v7, v2;
	v7 =	vld [tilespmem:$0x1FC40];
	_ =	sdelay $0x2  }
0x2c0: {  	[tilespmem:$0x1FB50] =	vst v24;
	v24 =	vmov v27;
	v27 =	vld [tilespmem:$0x1FF50];
	v9 =	vmov v21;
	v21 =	vor.u32 v35, v18  }
0x2c1: {  	v50 =	vld.idx.msk [tilespmem:v53+s17+$0x0], $0xffff  }
0x2c2: {  	v53 =	vor.u32 v34, v63;
	v52 =	vadd.s32 v59, v4;
	v59 =	vadd.s32 v7, v15;
	v7 =	vld [tilespmem:$0x1FF90]  }
0x2c3: {  	[tilespmem:$0x1FAE0] =	vst v49;
	v49 =	vld [tilespmem:$0x1FE00]  }
0x2c4: {  	v30 =	vld [tilespmem:$0x1FED0]  }
0x2c5: {  	v47 =	vadd.s32 v27, v22;
	v18 =	vmov v33;
	v33 =	vor.u32 $0x1C00, v26;
	v60 =	vld.idx.msk [tilespmem:v60+s17+$0x0], $0xffff;
	[tilespmem:v21+s16+$0x0] =	vst.idx.msk $0xffff, v36  }
0x2c6: {  	[tilespmem:$0x1FB90] =	vst v63;
	vm1 =	veq.s32 v40, $0x0;
	v63 =	vor.u32 v45, v33;
	v45 =	vld.idx.msk [tilespmem:v51+s17+$0x0], $0xffff  }
0x2c7: {  	vm1 =	vmand vm1, vm0;
	v27 =	vmovc v3;
	v3 =	vimm.s32 $0x0;
	[tilespmem:v53+s16+$0x0] =	vst.idx.msk $0xffff, v55;
	v53 =	vadd.s32 v7, v22;
	v7 =	vld [tilespmem:$0x1FE40]  }
0x2c8: {  	v32 =	vsel vm1, $0xFFFFFFFF, v3;
	v3 =	vld [tilespmem:$0x1FBC0]  }
0x2c9: {  	[tilespmem:$0x1FB70] =	vst v62;
	v62 =	vor.u32 v30, v20;
	v48 =	vld.idx.msk [tilespmem:v48+s17+$0x0], $0xffff;
	v21 =	vshrl.u32 v40, $0x1  }
0x2ca: {  	[tilespmem:v47+s16+$0x0] =	vst.idx.msk $0xffff, v57;
	v47 =	vor.u32 v30, v38;
	v30 =	vld [tilespmem:$0x1FEE0];
	v21 =	vadd.s32 v32, v21  }
0x2cb: {  	v32 =	vshll.u32 v21, $0x7;
	v21 =	vld [tilespmem:$0x1FCB0]  }
0x2cc: {  	v57 =	vor.u32 v7, v32;
	v7 =	vld [tilespmem:$0x1FDB0]  }
0x2cd: {  	v42 =	vor.u32 v35, v42;
	v51 =	vld.idx.msk [tilespmem:v61+s17+$0x0], $0xffff;
	[tilespmem:v52+s16+$0x0] =	vst.idx.msk $0xffff, v50  }
0x2ce: {  	v55 =	vor.u32 v49, v12;
	v52 =	vld.idx.msk [tilespmem:v56+s17+$0x0], $0xffff;
	[tilespmem:v59+s16+$0x0] =	vst.idx.msk $0xffff, v48  }
0x2cf: {  	v46 =	vor.u32 v49, v6;
	v49 =	vor.u32 v34, v24;
	v48 =	vld.idx.msk [tilespmem:v54+s17+$0x0], $0xffff  }
0x2d0: {  	v59 =	vld.idx.msk [tilespmem:v62+s17+$0x0], $0xffff  }
0x2d1: {  	[tilespmem:v63+s16+$0x0] =	vst.idx.msk $0xffff, v60;
	v50 =	vor.u32 v7, v14;
	v60 =	vor.u32 v7, v27;
	v7 =	vld [tilespmem:$0x1FEC0]  }
0x2d2: {  	v62 =	vld.idx.msk [tilespmem:v47+s17+$0x0], $0xffff;
	[tilespmem:v42+s16+$0x0] =	vst.idx.msk $0xffff, v45  }
0x2d3: {  	v55 =	vld.idx.msk [tilespmem:v55+s17+$0x0], $0xffff  }
0x2d4: {  	v36 =	vor.u32 v3, v17;
	v54 =	vadd.s32 v21, v4;
	[tilespmem:v49+s16+$0x0] =	vst.idx.msk $0xffff, v52;
	v52 =	vld [tilespmem:$0x1FFA0]  }
0x2d5: {  	v28 =	vmov v17;
	v17 =	vmov v14;
	v63 =	vor.u32 v36, v26;
	[tilespmem:v53+s16+$0x0] =	vst.idx.msk $0xffff, v51;
	v53 =	vld [tilespmem:$0x1FDF0]  }
0x2d6: {  	[tilespmem:v57+s16+$0x0] =	vst.idx.msk $0xffff, v37;
	v37 =	vor.u32 v11, v17;
	v11 =	vld [tilespmem:$0x1FDC0];
	v61 =	vor.u32 v7, v15  }
0x2d7: {  	v45 =	vor.u32 v30, v10;
	v14 =	vmov v6;
	v6 =	vmov v2;
	v2 =	vld [tilespmem:$0x1FFE0]  }
0x2d8: {  	v46 =	vld.idx.msk [tilespmem:v46+s17+$0x0], $0xffff  }
0x2d9: {  	v21 =	vmov v39;
	[tilespmem:v54+s16+$0x0] =	vst.idx.msk $0xffff, v48;
	v39 =	vld.idx.msk [tilespmem:v60+s17+$0x0], $0xffff  }
0x2da: {  	v57 =	vor.u32 v30, v19;
	v30 =	vor.u32 v35, v41;
	[tilespmem:v63+s16+$0x0] =	vst.idx.msk $0xffff, v62;
	v63 =	vmov v8;
	v8 =	vld [tilespmem:$0x1FCC0]  }
0x2db: {  	v49 =	vor.u32 v53, v23;
	v62 =	vld [tilespmem:$0x1FEF0];
	[tilespmem:v61+s16+$0x0] =	vst.idx.msk $0xffff, v59  }
0x2dc: {  	v56 =	vadd.s32 v52, v22;
	v51 =	vld.idx.msk [tilespmem:v45+s17+$0x0], $0xffff  }
0x2dd: {  	p2 =	slt.u32 s18, $0xE;
	[tilespmem:$0x1FBB0] =	vst v24;
	v23 =	vor.u32 v53, v43;
	v41 =	vor.u32 v11, v5;
	v45 =	vor.u32 v11, v6;
	v11 =	vld [tilespmem:$0x1FE30]  }
.Ltmp5:
0x2de: {  	[tilespmem:$0x1FBE0] =	vst v21;
	v7 =	vld [tilespmem:$0x1FC20];
	(pc) =	sbr.rel @p2 .LBB2_4-.Ltmp5, $4  }
0x2df: {  	v44 =	vor.u32 v35, v44;
	v54 =	vld.idx.msk [tilespmem:v57+s17+$0x0], $0xffff;
	[tilespmem:v30+s16+$0x0] =	vst.idx.msk $0xffff, v55  }
0x2e0: {  	v42 =	vor.u32 v34, v21;
	v53 =	vadd.s32 v2, v15;
	v55 =	vor.u32 v36, v13;
	v48 =	vld.idx.msk [tilespmem:v49+s17+$0x0], $0xffff  }
0x2e1: {  	v2 =	vmov v13;
	v13 =	vmov v38;
	v52 =	vor.u32 v62, v20;
	v47 =	vld.idx.msk [tilespmem:v50+s17+$0x0], $0xffff;
	[tilespmem:v56+s16+$0x0] =	vst.idx.msk $0xffff, v46  }
0x2e2: {  	s19 =	sadd.s32 $0x1, s18;
	s18 =	sadd.s32 $0x2, s18;
	v50 =	vadd.s32 v8, v4;
	v56 =	vor.u32 v62, v38;
	v46 =	vld.idx.msk [tilespmem:v23+s17+$0x0], $0xffff;
	v43 =	vadd.s32 v11, v22  }
0x2e3: {  	v8 =	vlaneseq.u32  }
0x2e4: {  	v62 =	vadd.s32 s19, v8  }
0x2e5: {  	v11 =	vand.u32 $0xF, v62  }
0x2e6: {  	v30 =	vor.u32 v63, v11;
	_ =	sdelay $0x1  }
0x2e7: {  	v38 =	vshll.u32 v62, $0x6  }
0x2e8: {  	v3 =	vand.u32 $0x40, v38  }
0x2e9: {  	v61 =	vld [tilespmem:$0x1FE50];
	v23 =	vand.u32 $0x380, v38;
	v38 =	vor.u32 v8, v3;
	[tilespmem:$0x1FA60] =	vst v3  }
0x2ea: {  	v49 =	vor.u32 v38, v23;
	v30 =	vld.idx.msk [tilespmem:v30+s17+$0x0], $0xffff;
	_ =	sdelay $0x4  }
0x2eb: {  	v57 =	vor.u32 v61, v62;
	[tilespmem:v49+s16+$0x0] =	vst.idx.msk $0xffff, v30  }
0x2ec: {  	v8 =	vmov v3;
	v3 =	vld [tilespmem:$0x1FE60]  }
0x2ed: {  	v59 =	vor.u32 v61, v0;
	_ =	sdelay $0x1  }
0x2ee: {  	v21 =	vor.u32 $0x400, v23  }
0x2ef: {  	v49 =	vor.u32 v38, v21;
	v30 =	vld.idx.msk [tilespmem:v57+s17+$0x0], $0xffff  }
0x2f0: {  	[tilespmem:$0x1FA80] =	vst v21;
	v57 =	vor.u32 v3, v11  }
0x2f1: {  	v60 =	vadd.s32 v9, v32;
	v59 =	vld.idx.msk [tilespmem:v59+s17+$0x0], $0xffff;
	_ =	sdelay $0x1  }
0x2f2: {  	v61 =	vor.u32 v3, v40  }
0x2f3: {  	v24 =	vor.u32 $0x800, v23;
	[tilespmem:v49+s16+$0x0] =	vst.idx.msk $0xffff, v30  }
0x2f4: {  	v30 =	vld.idx.msk [tilespmem:v57+s17+$0x0], $0xffff;
	[tilespmem:$0x1FA40] =	vst v24  }
0x2f5: {  	v49 =	vor.u32 v38, v24;
	[tilespmem:v60+s16+$0x0] =	vst.idx.msk $0xffff, v59  }
0x2f6: {  	v3 =	vld [tilespmem:$0x1FE70]  }
0x2f7: {  	v60 =	vadd.s32 v7, v32;
	v59 =	vld.idx.msk [tilespmem:v61+s17+$0x0], $0xffff;
	_ =	sdelay $0x2  }
0x2f8: {  	[tilespmem:v49+s16+$0x0] =	vst.idx.msk $0xffff, v30;
	v49 =	vor.u32 $0xC00, v23  }
0x2f9: {  	[tilespmem:$0x1FA90] =	vst v49;
	v57 =	vor.u32 v3, v62  }
0x2fa: {  	[tilespmem:v60+s16+$0x0] =	vst.idx.msk $0xffff, v59  }
0x2fb: {  	v7 =	vor.u32 v3, v0;
	v61 =	vld [tilespmem:$0x1FFD0];
	_ =	sdelay $0x2  }
0x2fc: {  	v49 =	vor.u32 v38, v49;
	v30 =	vld.idx.msk [tilespmem:v57+s17+$0x0], $0xffff  }
0x2fd: {  	v3 =	vld [tilespmem:$0x1FEA0]  }
0x2fe: {  	v59 =	vld.idx.msk [tilespmem:v7+s17+$0x0], $0xffff;
	v60 =	vadd.s32 v61, v32;
	_ =	sdelay $0x2  }
0x2ff: {  	[tilespmem:v49+s16+$0x0] =	vst.idx.msk $0xffff, v30;
	v49 =	vor.u32 $0x1000, v23  }
0x300: {  	v57 =	vor.u32 v3, v11;
	[tilespmem:$0x1FAA0] =	vst v49  }
0x301: {  	[tilespmem:v60+s16+$0x0] =	vst.idx.msk $0xffff, v59  }
0x302: {  	v7 =	vor.u32 v3, v40;
	v61 =	vld [tilespmem:$0x1FFB0];
	_ =	sdelay $0x2  }
0x303: {  	v49 =	vor.u32 v38, v49;
	v30 =	vld.idx.msk [tilespmem:v57+s17+$0x0], $0xffff  }
0x304: {  	v3 =	vld [tilespmem:$0x1FE80]  }
0x305: {  	v59 =	vld.idx.msk [tilespmem:v7+s17+$0x0], $0xffff;
	v60 =	vadd.s32 v61, v32;
	_ =	sdelay $0x2  }
0x306: {  	[tilespmem:v49+s16+$0x0] =	vst.idx.msk $0xffff, v30;
	v49 =	vor.u32 $0x1400, v23  }
0x307: {  	[tilespmem:$0x1FAB0] =	vst v49  }
0x308: {  	v57 =	vor.u32 v3, v62;
	[tilespmem:v60+s16+$0x0] =	vst.idx.msk $0xffff, v59  }
0x309: {  	v7 =	vor.u32 v3, v0;
	v3 =	vld [tilespmem:$0x1FE90]  }
0x30a: {  	v61 =	vld [tilespmem:$0x1FFC0];
	_ =	sdelay $0x2  }
0x30b: {  	v49 =	vor.u32 v38, v49;
	v30 =	vld.idx.msk [tilespmem:v57+s17+$0x0], $0xffff  }
0x30c: {  	v57 =	vor.u32 v3, v11  }
0x30d: {  	v59 =	vld.idx.msk [tilespmem:v7+s17+$0x0], $0xffff;
	v60 =	vadd.s32 v61, v32;
	_ =	sdelay $0x1  }
0x30e: {  	v61 =	vor.u32 v3, v40  }
0x30f: {  	v7 =	vor.u32 $0x1800, v23;
	[tilespmem:v49+s16+$0x0] =	vst.idx.msk $0xffff, v30  }
0x310: {  	v30 =	vld.idx.msk [tilespmem:v57+s17+$0x0], $0xffff;
	[tilespmem:$0x1FA50] =	vst v7  }
0x311: {  	[tilespmem:v60+s16+$0x0] =	vst.idx.msk $0xffff, v59  }
0x312: {  	v3 =	vld [tilespmem:$0x1FEB0]  }
0x313: {  	v59 =	vld.idx.msk [tilespmem:v61+s17+$0x0], $0xffff  }
0x314: {  	v61 =	vld [tilespmem:$0x1FC30];
	_ =	sdelay $0x1  }
0x315: {  	v49 =	vor.u32 v38, v7;
	_ =	sdelay $0x1  }
0x316: {  	v57 =	vor.u32 v3, v62  }
0x317: {  	v60 =	vadd.s32 v61, v32;
	_ =	sdelay $0x1  }
0x318: {  	[tilespmem:v49+s16+$0x0] =	vst.idx.msk $0xffff, v30  }
0x319: {  	v49 =	vor.u32 $0x1C00, v23;
	[tilespmem:$0x1FA70] =	vst v23  }
0x31a: {  	v30 =	vld.idx.msk [tilespmem:v57+s17+$0x0], $0xffff;
	[tilespmem:$0x1FAC0] =	vst v49  }
0x31b: {  	[tilespmem:v60+s16+$0x0] =	vst.idx.msk $0xffff, v59  }
0x31c: {  	v7 =	vor.u32 v3, v0;
	v61 =	vld [tilespmem:$0x1FC40];
	_ =	sdelay $0x2  }
0x31d: {  	v38 =	vor.u32 v38, v49  }
0x31e: {  	v60 =	vld [tilespmem:$0x1FED0]  }
0x31f: {  	v57 =	vld.idx.msk [tilespmem:v7+s17+$0x0], $0xffff;
	v59 =	vadd.s32 v61, v32;
	_ =	sdelay $0x2  }
0x320: {  	[tilespmem:v38+s16+$0x0] =	vst.idx.msk $0xffff, v30  }
0x321: {  	v38 =	vld [tilespmem:$0x1FBC0];
	v49 =	vor.u32 v60, v11  }
0x322: {  	[tilespmem:v59+s16+$0x0] =	vst.idx.msk $0xffff, v57  }
0x323: {  	v7 =	vor.u32 v60, v40;
	v61 =	vld [tilespmem:$0x1FEC0];
	_ =	sdelay $0x2  }
0x324: {  	v30 =	vor.u32 v38, v8;
	v38 =	vld.idx.msk [tilespmem:v49+s17+$0x0], $0xffff  }
0x325: {  	v49 =	vor.u32 v30, v23;
	v3 =	vld [tilespmem:$0x1FEE0]  }
0x326: {  	v59 =	vld.idx.msk [tilespmem:v7+s17+$0x0], $0xffff;
	v7 =	vor.u32 v61, v32;
	_ =	sdelay $0x3  }
0x327: {  	[tilespmem:v49+s16+$0x0] =	vst.idx.msk $0xffff, v38;
	v57 =	vor.u32 v3, v62  }
0x328: {  	v61 =	vor.u32 v3, v0;
	[tilespmem:v7+s16+$0x0] =	vst.idx.msk $0xffff, v59  }
0x329: {  	v3 =	vld [tilespmem:$0x1FEF0];
	[tilespmem:v55+s16+$0x0] =	vst.idx.msk $0xffff, v54  }
0x32a: {  	v60 =	vld [tilespmem:$0x1FFE0];
	[tilespmem:v53+s16+$0x0] =	vst.idx.msk $0xffff, v51  }
0x32b: {  	v7 =	vld [tilespmem:$0x1FC50]  }
0x32c: {  	v38 =	vld.idx.msk [tilespmem:v57+s17+$0x0], $0xffff  }
0x32d: {  	v49 =	vor.u32 v30, v21;
	v54 =	vld.idx.msk [tilespmem:v61+s17+$0x0], $0xffff  }
0x32e: {  	v51 =	vld.idx.msk [tilespmem:v56+s17+$0x0], $0xffff;
	v53 =	vor.u32 v36, v18  }
0x32f: {  	v57 =	vor.u32 v3, v11;
	v56 =	vor.u32 v3, v40;
	v3 =	vld [tilespmem:$0x1FF00];
	v55 =	vadd.s32 v60, v32  }
0x330: {  	v52 =	vld.idx.msk [tilespmem:v52+s17+$0x0], $0xffff;
	v59 =	vadd.s32 v7, v15;
	_ =	sdelay $0x1  }
0x331: {  	[tilespmem:v49+s16+$0x0] =	vst.idx.msk $0xffff, v38  }
0x332: {  	[tilespmem:v53+s16+$0x0] =	vst.idx.msk $0xffff, v51  }
0x333: {  	v60 =	vor.u32 v3, v19;
	[tilespmem:v55+s16+$0x0] =	vst.idx.msk $0xffff, v54  }
0x334: {  	v61 =	vor.u32 v3, v10;
	v49 =	vld.idx.msk [tilespmem:v57+s17+$0x0], $0xffff;
	v57 =	vor.u32 v30, v24;
	[tilespmem:v59+s16+$0x0] =	vst.idx.msk $0xffff, v52  }
0x335: {  	v53 =	vadd.s32 v7, v32;
	v7 =	vld [tilespmem:$0x1FC60]  }
0x336: {  	v51 =	vld.idx.msk [tilespmem:v56+s17+$0x0], $0xffff  }
0x337: {  	v54 =	vor.u32 v3, v62;
	v56 =	vor.u32 v3, v0;
	v3 =	vld [tilespmem:$0x1FF10]  }
0x338: {  	v52 =	vld.idx.msk [tilespmem:v60+s17+$0x0], $0xffff  }
0x339: {  	v55 =	vor.u32 v36, v58;
	v38 =	vld.idx.msk [tilespmem:v61+s17+$0x0], $0xffff;
	[tilespmem:v57+s16+$0x0] =	vst.idx.msk $0xffff, v49  }
0x33a: {  	v8 =	vmov v11;
	v11 =	vld [tilespmem:$0x1FA90];
	v59 =	vadd.s32 v7, v15;
	_ =	sdelay $0x2  }
0x33b: {  	[tilespmem:v53+s16+$0x0] =	vst.idx.msk $0xffff, v51;
	v60 =	vor.u32 v3, v13  }
0x33c: {  	[tilespmem:v55+s16+$0x0] =	vst.idx.msk $0xffff, v52  }
0x33d: {  	v54 =	vld.idx.msk [tilespmem:v54+s17+$0x0], $0xffff;
	v61 =	vor.u32 v3, v20;
	v57 =	vor.u32 v30, v11;
	[tilespmem:v59+s16+$0x0] =	vst.idx.msk $0xffff, v38  }
0x33e: {  	v53 =	vadd.s32 v7, v32;
	v7 =	vld [tilespmem:$0x1FC70]  }
0x33f: {  	v52 =	vld.idx.msk [tilespmem:v56+s17+$0x0], $0xffff  }
0x340: {  	v38 =	vld.idx.msk [tilespmem:v60+s17+$0x0], $0xffff  }
0x341: {  	v51 =	vor.u32 v3, v8;
	v56 =	vor.u32 v3, v40;
	v3 =	vld [tilespmem:$0x1FF20]  }
0x342: {  	v55 =	vor.u32 v36, v1;
	v49 =	vld.idx.msk [tilespmem:v61+s17+$0x0], $0xffff;
	[tilespmem:v57+s16+$0x0] =	vst.idx.msk $0xffff, v54  }
0x343: {  	v61 =	vld [tilespmem:$0x1FAA0];
	v59 =	vadd.s32 v7, v15;
	_ =	sdelay $0x2  }
0x344: {  	[tilespmem:v53+s16+$0x0] =	vst.idx.msk $0xffff, v52;
	v60 =	vor.u32 v3, v19  }
0x345: {  	[tilespmem:v55+s16+$0x0] =	vst.idx.msk $0xffff, v38;
	v54 =	vor.u32 v3, v10  }
0x346: {  	v51 =	vld.idx.msk [tilespmem:v51+s17+$0x0], $0xffff;
	v57 =	vor.u32 v30, v61;
	[tilespmem:v59+s16+$0x0] =	vst.idx.msk $0xffff, v49  }
0x347: {  	v53 =	vadd.s32 v7, v32;
	v7 =	vld [tilespmem:$0x1FC80]  }
0x348: {  	v38 =	vld.idx.msk [tilespmem:v56+s17+$0x0], $0xffff  }
0x349: {  	v49 =	vld.idx.msk [tilespmem:v60+s17+$0x0], $0xffff  }
0x34a: {  	v55 =	vor.u32 v36, v29;
	v54 =	vld.idx.msk [tilespmem:v54+s17+$0x0], $0xffff  }
0x34b: {  	v52 =	vor.u32 v3, v62;
	v56 =	vor.u32 v3, v0;
	v3 =	vld [tilespmem:$0x1FF30];
	[tilespmem:v57+s16+$0x0] =	vst.idx.msk $0xffff, v51  }
0x34c: {  	v21 =	vmov v18;
	v18 =	vld [tilespmem:$0x1FAB0];
	v59 =	vadd.s32 v7, v15;
	_ =	sdelay $0x2  }
0x34d: {  	[tilespmem:v53+s16+$0x0] =	vst.idx.msk $0xffff, v38  }
0x34e: {  	v52 =	vld.idx.msk [tilespmem:v52+s17+$0x0], $0xffff;
	[tilespmem:v55+s16+$0x0] =	vst.idx.msk $0xffff, v49  }
0x34f: {  	v49 =	vld.idx.msk [tilespmem:v56+s17+$0x0], $0xffff;
	v60 =	vor.u32 v3, v13;
	v57 =	vor.u32 v30, v18;
	[tilespmem:v59+s16+$0x0] =	vst.idx.msk $0xffff, v54  }
0x350: {  	v53 =	vadd.s32 v7, v32;
	v7 =	vld [tilespmem:$0x1FC90]  }
0x351: {  	v51 =	vor.u32 v3, v20;
	v38 =	vor.u32 v3, v8;
	v56 =	vor.u32 v3, v40;
	v3 =	vld [tilespmem:$0x1FF80];
	_ =	sdelay $0x2  }
0x352: {  	v54 =	vld.idx.msk [tilespmem:v60+s17+$0x0], $0xffff;
	[tilespmem:v57+s16+$0x0] =	vst.idx.msk $0xffff, v52  }
0x353: {  	v55 =	vor.u32 v36, v31;
	v23 =	vld [tilespmem:$0x1FA50]  }
0x354: {  	v51 =	vld.idx.msk [tilespmem:v51+s17+$0x0], $0xffff;
	v59 =	vadd.s32 v7, v15;
	v60 =	vor.u32 v3, v19;
	_ =	sdelay $0x2  }
0x355: {  	[tilespmem:v53+s16+$0x0] =	vst.idx.msk $0xffff, v49  }
0x356: {  	v38 =	vld.idx.msk [tilespmem:v38+s17+$0x0], $0xffff;
	[tilespmem:v55+s16+$0x0] =	vst.idx.msk $0xffff, v54;
	v57 =	vor.u32 v30, v23  }
0x357: {  	[tilespmem:v59+s16+$0x0] =	vst.idx.msk $0xffff, v51;
	v51 =	vld.idx.msk [tilespmem:v60+s17+$0x0], $0xffff  }
0x358: {  	v23 =	vld [tilespmem:$0x1FCA0]  }
0x359: {  	v52 =	vor.u32 v3, v10;
	v60 =	vld [tilespmem:$0x1FD40];
	_ =	sdelay $0x1  }
0x35a: {  	v53 =	vld.idx.msk [tilespmem:v56+s17+$0x0], $0xffff;
	v49 =	vor.u32 v3, v62;
	v54 =	vadd.s32 v7, v32;
	[tilespmem:v57+s16+$0x0] =	vst.idx.msk $0xffff, v38  }
0x35b: {  	v36 =	vor.u32 v36, v33;
	v55 =	vor.u32 v3, v0;
	v57 =	vld [tilespmem:$0x1FAC0];
	_ =	sdelay $0x1  }
0x35c: {  	v52 =	vld.idx.msk [tilespmem:v52+s17+$0x0], $0xffff;
	v56 =	vadd.s32 v23, v15;
	v59 =	vor.u32 v60, v13;
	_ =	sdelay $0x1  }
0x35d: {  	v49 =	vld.idx.msk [tilespmem:v49+s17+$0x0], $0xffff;
	[tilespmem:v54+s16+$0x0] =	vst.idx.msk $0xffff, v53;
	v38 =	vor.u32 v60, v20  }
0x35e: {  	[tilespmem:v36+s16+$0x0] =	vst.idx.msk $0xffff, v51;
	v51 =	vld.idx.msk [tilespmem:v55+s17+$0x0], $0xffff;
	v30 =	vor.u32 v30, v57  }
0x35f: {  	v3 =	vld [tilespmem:$0x1FB60]  }
0x360: {  	v53 =	vor.u32 v60, v8;
	[tilespmem:v56+s16+$0x0] =	vst.idx.msk $0xffff, v52;
	v52 =	vld.idx.msk [tilespmem:v59+s17+$0x0], $0xffff  }
0x361: {  	v7 =	vld [tilespmem:$0x1FD50]  }
0x362: {  	v57 =	vld.idx.msk [tilespmem:v38+s17+$0x0], $0xffff  }
0x363: {  	v54 =	vadd.s32 v23, v32;
	v23 =	vld [tilespmem:$0x1FD70];
	[tilespmem:v30+s16+$0x0] =	vst.idx.msk $0xffff, v49  }
0x364: {  	v36 =	vor.u32 v3, v28;
	v24 =	vld [tilespmem:$0x1FA60]  }
0x365: {  	v60 =	vmov v60;
	v55 =	vor.u32 v36, v26;
	v49 =	vld.idx.msk [tilespmem:v53+s17+$0x0], $0xffff  }
0x366: {  	v56 =	vor.u32 v60, v40;
	v53 =	vld [tilespmem:$0x1FA70];
	v59 =	vor.u32 v7, v15;
	_ =	sdelay $0x1  }
0x367: {  	[tilespmem:v54+s16+$0x0] =	vst.idx.msk $0xffff, v51  }
0x368: {  	[tilespmem:v42+s16+$0x0] =	vst.idx.msk $0xffff, v39  }
0x369: {  	[tilespmem:v55+s16+$0x0] =	vst.idx.msk $0xffff, v52;
	v38 =	vor.u32 v3, v24  }
0x36a: {  	v60 =	vor.u32 v23, v19;
	v52 =	vld.idx.msk [tilespmem:v56+s17+$0x0], $0xffff;
	v53 =	vor.u32 v38, v53;
	[tilespmem:v59+s16+$0x0] =	vst.idx.msk $0xffff, v57  }
0x36b: {  	v3 =	vld [tilespmem:$0x1FF40]  }
0x36c: {  	v9 =	vmov v2;
	v30 =	vor.u32 v23, v10;
	v56 =	vor.u32 v36, v2;
	v2 =	vld [tilespmem:$0x1FD80];
	_ =	sdelay $0x1  }
0x36d: {  	[tilespmem:v50+s16+$0x0] =	vst.idx.msk $0xffff, v47  }
0x36e: {  	v51 =	vor.u32 v23, v62;
	v54 =	vor.u32 v7, v32;
	v55 =	vld.idx.msk [tilespmem:v60+s17+$0x0], $0xffff;
	[tilespmem:v53+s16+$0x0] =	vst.idx.msk $0xffff, v49  }
0x36f: {  	v57 =	vor.u32 v23, v0;
	v53 =	vld [tilespmem:$0x1FA80]  }
0x370: {  	v30 =	vld.idx.msk [tilespmem:v30+s17+$0x0], $0xffff;
	v39 =	vadd.s32 v3, v15;
	v42 =	vor.u32 v2, v13  }
0x371: {  	v60 =	vor.u32 v2, v20;
	_ =	sdelay $0x1  }
0x372: {  	v47 =	vld.idx.msk [tilespmem:v51+s17+$0x0], $0xffff;
	[tilespmem:v54+s16+$0x0] =	vst.idx.msk $0xffff, v52  }
0x373: {  	[tilespmem:v56+s16+$0x0] =	vst.idx.msk $0xffff, v55;
	v52 =	vld.idx.msk [tilespmem:v57+s17+$0x0], $0xffff;
	v59 =	vor.u32 v38, v53  }
0x374: {  	[tilespmem:v39+s16+$0x0] =	vst.idx.msk $0xffff, v30;
	v30 =	vld.idx.msk [tilespmem:v42+s17+$0x0], $0xffff  }
0x375: {  	[tilespmem:v44+s16+$0x0] =	vst.idx.msk $0xffff, v48;
	v53 =	vadd.s32 v3, v32;
	v44 =	vld.idx.msk [tilespmem:v60+s17+$0x0], $0xffff  }
0x376: {  	v51 =	vor.u32 v2, v8;
	v42 =	vor.u32 v2, v40;
	v2 =	vld [tilespmem:$0x1FCB0]  }
0x377: {  	v60 =	vld [tilespmem:$0x1FDB0];
	[tilespmem:v43+s16+$0x0] =	vst.idx.msk $0xffff, v46  }
0x378: {  	[tilespmem:v59+s16+$0x0] =	vst.idx.msk $0xffff, v47  }
0x379: {  	v7 =	vld [tilespmem:$0x1FBF0]  }
0x37a: {  	v54 =	vld [tilespmem:$0x1FA40];
	[tilespmem:v53+s16+$0x0] =	vst.idx.msk $0xffff, v52  }
0x37b: {  	v56 =	vmov v16;
	v39 =	vor.u32 v36, v21;
	v47 =	vor.u32 v34, v16;
	v16 =	vld [tilespmem:$0x1FCD0]  }
0x37c: {  	v45 =	vld.idx.msk [tilespmem:v45+s17+$0x0], $0xffff  }
0x37d: {  	v48 =	vadd.s32 v2, v15;
	_ =	sdelay $0x1  }
0x37e: {  	v43 =	vld.idx.msk [tilespmem:v51+s17+$0x0], $0xffff;
	v57 =	vor.u32 v38, v54  }
0x37f: {  	v41 =	vld.idx.msk [tilespmem:v41+s17+$0x0], $0xffff;
	[tilespmem:v39+s16+$0x0] =	vst.idx.msk $0xffff, v30;
	v59 =	vadd.s32 v16, v4  }
0x380: {  	v30 =	vld.idx.msk [tilespmem:v42+s17+$0x0], $0xffff;
	v39 =	vadd.s32 v2, v32;
	[tilespmem:v47+s16+$0x0] =	vst.idx.msk $0xffff, v45  }
0x381: {  	[tilespmem:v48+s16+$0x0] =	vst.idx.msk $0xffff, v44  }
0x382: {  	v49 =	vor.u32 v60, v19;
	v2 =	vld [tilespmem:$0x1FCC0]  }
0x383: {  	v12 =	vor.u32 v7, v12;
	v53 =	vld [tilespmem:$0x1FDC0];
	[tilespmem:v57+s16+$0x0] =	vst.idx.msk $0xffff, v43  }
0x384: {  	v52 =	vor.u32 v60, v62;
	[tilespmem:v59+s16+$0x0] =	vst.idx.msk $0xffff, v41  }
0x385: {  	v3 =	vor.u32 v60, v10;
	v59 =	vld [tilespmem:$0x1FD10];
	[tilespmem:v39+s16+$0x0] =	vst.idx.msk $0xffff, v30  }
0x386: {  	v14 =	vor.u32 v7, v14;
	v50 =	vld [tilespmem:$0x1FE10]  }
0x387: {  	v42 =	vld.idx.msk [tilespmem:v49+s17+$0x0], $0xffff;
	v44 =	vor.u32 v36, v58;
	v48 =	vor.u32 v60, v0  }
0x388: {  	v24 =	vor.u32 v35, v25;
	v12 =	vld.idx.msk [tilespmem:v12+s17+$0x0], $0xffff  }
0x389: {  	v60 =	vor.u32 v38, v11;
	v43 =	vld.idx.msk [tilespmem:v52+s17+$0x0], $0xffff  }
0x38a: {  	v45 =	vld.idx.msk [tilespmem:v3+s17+$0x0], $0xffff;
	v47 =	vadd.s32 v2, v15  }
0x38b: {  	v14 =	vld.idx.msk [tilespmem:v14+s17+$0x0], $0xffff;
	v22 =	vadd.s32 v50, v22  }
0x38c: {  	v3 =	vadd.s32 v2, v32;
	[tilespmem:v44+s16+$0x0] =	vst.idx.msk $0xffff, v42;
	v39 =	vld.idx.msk [tilespmem:v48+s17+$0x0], $0xffff  }
0x38d: {  	[tilespmem:v24+s16+$0x0] =	vst.idx.msk $0xffff, v12  }
0x38e: {  	v49 =	vor.u32 v53, v13;
	[tilespmem:v60+s16+$0x0] =	vst.idx.msk $0xffff, v43  }
0x38f: {  	v55 =	vor.u32 v53, v20;
	[tilespmem:v47+s16+$0x0] =	vst.idx.msk $0xffff, v45  }
0x390: {  	v57 =	vor.u32 v59, v27;
	v11 =	vld [tilespmem:$0x1FAE0];
	[tilespmem:v22+s16+$0x0] =	vst.idx.msk $0xffff, v14  }
0x391: {  	v30 =	vor.u32 v53, v8;
	v52 =	vld [tilespmem:$0x1FD20];
	[tilespmem:v3+s16+$0x0] =	vst.idx.msk $0xffff, v39  }
0x392: {  	v3 =	vld [tilespmem:$0x1FCE0]  }
0x393: {  	v44 =	vld.idx.msk [tilespmem:v49+s17+$0x0], $0xffff;
	v45 =	vor.u32 v36, v1;
	v47 =	vor.u32 v53, v40  }
0x394: {  	v24 =	vadd.s32 v16, v15;
	v12 =	vld.idx.msk [tilespmem:v55+s17+$0x0], $0xffff  }
0x395: {  	v41 =	vld.idx.msk [tilespmem:v57+s17+$0x0], $0xffff;
	v48 =	vor.u32 v34, v11  }
0x396: {  	v22 =	vld.idx.msk [tilespmem:v30+s17+$0x0], $0xffff;
	v30 =	vor.u32 v38, v61  }
0x397: {  	v37 =	vld.idx.msk [tilespmem:v37+s17+$0x0], $0xffff;
	v57 =	vadd.s32 v3, v4  }
0x398: {  	v2 =	vadd.s32 v16, v32;
	[tilespmem:v45+s16+$0x0] =	vst.idx.msk $0xffff, v44;
	v61 =	vld.idx.msk [tilespmem:v47+s17+$0x0], $0xffff  }
0x399: {  	[tilespmem:v24+s16+$0x0] =	vst.idx.msk $0xffff, v12  }
0x39a: {  	v35 =	vor.u32 v59, v19;
	[tilespmem:v48+s16+$0x0] =	vst.idx.msk $0xffff, v41  }
0x39b: {  	v49 =	vor.u32 v59, v10;
	[tilespmem:v30+s16+$0x0] =	vst.idx.msk $0xffff, v22  }
0x39c: {  	v14 =	vor.u32 v52, v6;
	v48 =	vld [tilespmem:$0x1FB10];
	[tilespmem:v57+s16+$0x0] =	vst.idx.msk $0xffff, v37  }
0x39d: {  	v60 =	vor.u32 v59, v62;
	v55 =	vld [tilespmem:$0x1FDA0];
	[tilespmem:v2+s16+$0x0] =	vst.idx.msk $0xffff, v61  }
0x39e: {  	v44 =	vor.u32 v52, v5;
	v2 =	vld [tilespmem:$0x1FCF0]  }
0x39f: {  	v24 =	vor.u32 v36, v29;
	v12 =	vld.idx.msk [tilespmem:v35+s17+$0x0], $0xffff;
	v35 =	vor.u32 v59, v0  }
0x3a0: {  	v41 =	vld.idx.msk [tilespmem:v49+s17+$0x0], $0xffff;
	v43 =	vadd.s32 v3, v15  }
0x3a1: {  	v14 =	vld.idx.msk [tilespmem:v14+s17+$0x0], $0xffff;
	v22 =	vor.u32 v34, v48  }
0x3a2: {  	v59 =	vld.idx.msk [tilespmem:v60+s17+$0x0], $0xffff;
	v60 =	vor.u32 v38, v18;
	v57 =	vor.u32 v55, v27  }
0x3a3: {  	v44 =	vld.idx.msk [tilespmem:v44+s17+$0x0], $0xffff;
	v45 =	vadd.s32 v2, v4  }
0x3a4: {  	[tilespmem:v24+s16+$0x0] =	vst.idx.msk $0xffff, v12;
	v24 =	vld.idx.msk [tilespmem:v35+s17+$0x0], $0xffff;
	v35 =	vadd.s32 v3, v32  }
0x3a5: {  	[tilespmem:v43+s16+$0x0] =	vst.idx.msk $0xffff, v41  }
0x3a6: {  	v46 =	vor.u32 v52, v13;
	[tilespmem:v22+s16+$0x0] =	vst.idx.msk $0xffff, v14  }
0x3a7: {  	v30 =	vor.u32 v52, v20;
	[tilespmem:v60+s16+$0x0] =	vst.idx.msk $0xffff, v59;
	v37 =	vld.idx.msk [tilespmem:v57+s17+$0x0], $0xffff  }
0x3a8: {  	v57 =	vld [tilespmem:$0x1FB30];
	[tilespmem:v45+s16+$0x0] =	vst.idx.msk $0xffff, v44  }
0x3a9: {  	v61 =	vor.u32 v52, v8;
	v47 =	vld [tilespmem:$0x1FA50];
	[tilespmem:v35+s16+$0x0] =	vst.idx.msk $0xffff, v24  }
0x3aa: {  	v12 =	vor.u32 v55, v17;
	v16 =	vld [tilespmem:$0x1FD00]  }
0x3ab: {  	v51 =	vor.u32 v36, v31;
	v49 =	vld.idx.msk [tilespmem:v46+s17+$0x0], $0xffff  }
0x3ac: {  	v53 =	vor.u32 v52, v40;
	v14 =	vld.idx.msk [tilespmem:v30+s17+$0x0], $0xffff;
	v22 =	vadd.s32 v2, v15  }
0x3ad: {  	v30 =	vor.u32 v55, v19;
	v59 =	vor.u32 v34, v57  }
0x3ae: {  	v42 =	vld.idx.msk [tilespmem:v61+s17+$0x0], $0xffff;
	v61 =	vor.u32 v38, v47  }
0x3af: {  	v60 =	vor.u32 v55, v10;
	v12 =	vld.idx.msk [tilespmem:v12+s17+$0x0], $0xffff;
	v24 =	vadd.s32 v16, v4  }
0x3b0: {  	[tilespmem:v51+s16+$0x0] =	vst.idx.msk $0xffff, v49  }
0x3b1: {  	v45 =	vld.idx.msk [tilespmem:v53+s17+$0x0], $0xffff;
	[tilespmem:v22+s16+$0x0] =	vst.idx.msk $0xffff, v14  }
0x3b2: {  	v14 =	vld.idx.msk [tilespmem:v30+s17+$0x0], $0xffff;
	[tilespmem:v59+s16+$0x0] =	vst.idx.msk $0xffff, v37  }
0x3b3: {  	v46 =	vadd.s32 v2, v32;
	v51 =	vld [tilespmem:$0x1FE20];
	[tilespmem:v61+s16+$0x0] =	vst.idx.msk $0xffff, v42  }
0x3b4: {  	v3 =	vor.u32 v55, v62;
	v22 =	vor.u32 v36, v33;
	v52 =	vld.idx.msk [tilespmem:v60+s17+$0x0], $0xffff;
	[tilespmem:v24+s16+$0x0] =	vst.idx.msk $0xffff, v12  }
0x3b5: {  	v53 =	vadd.s32 v16, v15;
	v57 =	vld [tilespmem:$0x1FAC0];
	_ =	sdelay $0x1  }
0x3b6: {  	v30 =	vor.u32 v55, v0;
	v12 =	vld [tilespmem:$0x1FB50]  }
0x3b7: {  	v2 =	vld [tilespmem:$0x1FAF0];
	[tilespmem:v46+s16+$0x0] =	vst.idx.msk $0xffff, v45;
	v49 =	vor.u32 v51, v6  }
0x3b8: {  	v35 =	vld.idx.msk [tilespmem:v3+s17+$0x0], $0xffff;
	[tilespmem:v22+s16+$0x0] =	vst.idx.msk $0xffff, v14;
	v55 =	vor.u32 v51, v5  }
0x3b9: {  	v23 =	vmov v13;
	v24 =	vor.u32 v51, v13;
	v13 =	vld [tilespmem:$0x1FB70];
	[tilespmem:v53+s16+$0x0] =	vst.idx.msk $0xffff, v52;
	v38 =	vor.u32 v38, v57  }
0x3ba: {  	v52 =	vld [tilespmem:$0x1FD30]  }
0x3bb: {  	v22 =	vld.idx.msk [tilespmem:v30+s17+$0x0], $0xffff  }
0x3bc: {  	v34 =	vld.idx.msk [tilespmem:v49+s17+$0x0], $0xffff  }
0x3bd: {  	v30 =	vadd.s32 v16, v32;
	v59 =	vor.u32 v51, v8;
	v12 =	vor.u32 v2, v12;
	v46 =	vld.idx.msk [tilespmem:v55+s17+$0x0], $0xffff  }
0x3be: {  	v42 =	vor.u32 v12, v13;
	v55 =	vld [tilespmem:$0x1FD60];
	[tilespmem:v38+s16+$0x0] =	vst.idx.msk $0xffff, v35  }
0x3bf: {  	v45 =	vor.u32 v51, v40;
	v14 =	vor.u32 v2, v28;
	v53 =	vor.u32 v52, v4;
	v13 =	vld [tilespmem:$0x1FA60]  }
0x3c0: {  	v26 =	vor.u32 v14, v26;
	v24 =	vld.idx.msk [tilespmem:v24+s17+$0x0], $0xffff;
	_ =	sdelay $0x1  }
0x3c1: {  	v3 =	vmov v17;
	v17 =	vor.u32 v51, v20;
	[tilespmem:v30+s16+$0x0] =	vst.idx.msk $0xffff, v22;
	v30 =	vld.idx.msk [tilespmem:v59+s17+$0x0], $0xffff  }
0x3c2: {  	v59 =	vld [tilespmem:$0x1FA70];
	[tilespmem:v42+s16+$0x0] =	vst.idx.msk $0xffff, v34  }
0x3c3: {  	v57 =	vor.u32 v55, v27;
	[tilespmem:v53+s16+$0x0] =	vst.idx.msk $0xffff, v46;
	v16 =	vor.u32 v2, v13;
	v2 =	vld.idx.msk [tilespmem:v45+s17+$0x0], $0xffff  }
0x3c4: {  	v25 =	vor.u32 v55, v3;
	v13 =	vld [tilespmem:$0x1FB90];
	[tilespmem:v26+s16+$0x0] =	vst.idx.msk $0xffff, v24  }
0x3c5: {  	v45 =	vld [tilespmem:$0x1FF70]  }
0x3c6: {  	v17 =	vld.idx.msk [tilespmem:v17+s17+$0x0], $0xffff;
	v35 =	vor.u32 v52, v15;
	v38 =	vor.u32 v55, v19  }
0x3c7: {  	v51 =	vor.u32 v52, v32  }
0x3c8: {  	v60 =	vor.u32 v16, v59;
	v53 =	vld.idx.msk [tilespmem:v57+s17+$0x0], $0xffff  }
0x3c9: {  	v25 =	vld.idx.msk [tilespmem:v25+s17+$0x0], $0xffff;
	v13 =	vor.u32 v12, v13  }
0x3ca: {  	v22 =	vor.u32 v55, v10;
	v46 =	vld [tilespmem:$0x1FDD0];
	v24 =	vadd.s32 v45, v4  }
0x3cb: {  	v28 =	vor.u32 v14, v9;
	[tilespmem:v35+s16+$0x0] =	vst.idx.msk $0xffff, v17;
	v59 =	vld.idx.msk [tilespmem:v38+s17+$0x0], $0xffff  }
0x3cc: {  	[tilespmem:v51+s16+$0x0] =	vst.idx.msk $0xffff, v2  }
0x3cd: {  	v52 =	vor.u32 v55, v62;
	[tilespmem:v60+s16+$0x0] =	vst.idx.msk $0xffff, v30  }
0x3ce: {  	v55 =	vor.u32 v55, v0;
	v51 =	vld [tilespmem:$0x1FA80];
	[tilespmem:v13+s16+$0x0] =	vst.idx.msk $0xffff, v53  }
0x3cf: {  	v22 =	vld.idx.msk [tilespmem:v22+s17+$0x0], $0xffff;
	v26 =	vor.u32 v46, v6;
	[tilespmem:v24+s16+$0x0] =	vst.idx.msk $0xffff, v25  }
0x3d0: {  	v17 =	vor.u32 v46, v5;
	v18 =	vld [tilespmem:$0x1FBB0];
	[tilespmem:v28+s16+$0x0] =	vst.idx.msk $0xffff, v59  }
0x3d1: {  	v57 =	vld [tilespmem:$0x1FF60]  }
0x3d2: {  	v30 =	vadd.s32 v45, v15;
	v60 =	vor.u32 v46, v23;
	v49 =	vld.idx.msk [tilespmem:v52+s17+$0x0], $0xffff  }
0x3d3: {  	v13 =	vld.idx.msk [tilespmem:v55+s17+$0x0], $0xffff;
	v53 =	vadd.s32 v45, v32  }
0x3d4: {  	v24 =	vld.idx.msk [tilespmem:v26+s17+$0x0], $0xffff;
	v52 =	vor.u32 v16, v51  }
0x3d5: {  	v61 =	vor.u32 v46, v20;
	v17 =	vld.idx.msk [tilespmem:v17+s17+$0x0], $0xffff;
	v18 =	vor.u32 v12, v18  }
0x3d6: {  	v55 =	vor.u32 v46, v8;
	v45 =	vld [tilespmem:$0x1FDE0];
	v26 =	vadd.s32 v57, v4  }
0x3d7: {  	v59 =	vor.u32 v14, v21;
	[tilespmem:v30+s16+$0x0] =	vst.idx.msk $0xffff, v22;
	v30 =	vld.idx.msk [tilespmem:v60+s17+$0x0], $0xffff  }
0x3d8: {  	[tilespmem:v53+s16+$0x0] =	vst.idx.msk $0xffff, v13  }
0x3d9: {  	v25 =	vor.u32 v46, v40;
	[tilespmem:v52+s16+$0x0] =	vst.idx.msk $0xffff, v49  }
0x3da: {  	v34 =	vld.idx.msk [tilespmem:v61+s17+$0x0], $0xffff;
	[tilespmem:v18+s16+$0x0] =	vst.idx.msk $0xffff, v24  }
0x3db: {  	v61 =	vor.u32 v45, v19;
	v46 =	vld.idx.msk [tilespmem:v55+s17+$0x0], $0xffff;
	[tilespmem:v26+s16+$0x0] =	vst.idx.msk $0xffff, v17  }
0x3dc: {  	v28 =	vor.u32 v45, v27;
	v60 =	vadd.s32 v57, v15;
	v21 =	vld [tilespmem:$0x1FBE0];
	[tilespmem:v59+s16+$0x0] =	vst.idx.msk $0xffff, v30  }
0x3dd: {  	v49 =	vor.u32 v16, v54;
	v22 =	vor.u32 v45, v3;
	v41 =	vld [tilespmem:$0x1FF50]  }
0x3de: {  	v18 =	vld.idx.msk [tilespmem:v25+s17+$0x0], $0xffff;
	v24 =	vadd.s32 v57, v32  }
0x3df: {  	v51 =	vld [tilespmem:$0x1FD90]  }
0x3e0: {  	v2 =	vmov v27;
	v59 =	vor.u32 v14, v58;
	v57 =	vld.idx.msk [tilespmem:v61+s17+$0x0], $0xffff  }
0x3e1: {  	v13 =	vor.u32 v45, v10;
	v17 =	vld.idx.msk [tilespmem:v28+s17+$0x0], $0xffff;
	[tilespmem:v60+s16+$0x0] =	vst.idx.msk $0xffff, v34;
	v21 =	vor.u32 v12, v21  }
0x3e2: {  	v25 =	vor.u32 v45, v62;
	v22 =	vld.idx.msk [tilespmem:v22+s17+$0x0], $0xffff;
	[tilespmem:v49+s16+$0x0] =	vst.idx.msk $0xffff, v46;
	v27 =	vadd.s32 v41, v4  }
0x3e3: {  	[tilespmem:v24+s16+$0x0] =	vst.idx.msk $0xffff, v18  }
0x3e4: {  	v26 =	vor.u32 v45, v0;
	v9 =	vld [tilespmem:$0x1FA90]  }
0x3e5: {  	v28 =	vor.u32 v51, v6;
	[tilespmem:v59+s16+$0x0] =	vst.idx.msk $0xffff, v57  }
0x3e6: {  	v13 =	vld.idx.msk [tilespmem:v13+s17+$0x0], $0xffff;
	[tilespmem:v21+s16+$0x0] =	vst.idx.msk $0xffff, v17  }
0x3e7: {  	v24 =	vld.idx.msk [tilespmem:v25+s17+$0x0], $0xffff;
	v61 =	vor.u32 v51, v23;
	[tilespmem:v27+s16+$0x0] =	vst.idx.msk $0xffff, v22  }
0x3e8: {  	v30 =	vor.u32 v51, v5;
	v60 =	vadd.s32 v41, v15;
	v44 =	vld [tilespmem:$0x1FF90]  }
0x3e9: {  	v25 =	vor.u32 v16, v9;
	v17 =	vld.idx.msk [tilespmem:v26+s17+$0x0], $0xffff  }
0x3ea: {  	v21 =	vadd.s32 v41, v32;
	v26 =	vor.u32 v51, v8;
	v22 =	vld.idx.msk [tilespmem:v28+s17+$0x0], $0xffff  }
0x3eb: {  	v9 =	vor.u32 v12, v56;
	v42 =	vld [tilespmem:$0x1FE00]  }
0x3ec: {  	v45 =	vor.u32 v14, v1;
	v35 =	vld.idx.msk [tilespmem:v61+s17+$0x0], $0xffff  }
0x3ed: {  	v18 =	vor.u32 v51, v20;
	v28 =	vld.idx.msk [tilespmem:v30+s17+$0x0], $0xffff;
	[tilespmem:v60+s16+$0x0] =	vst.idx.msk $0xffff, v13;
	v30 =	vadd.s32 v44, v4  }
0x3ee: {  	[tilespmem:v25+s16+$0x0] =	vst.idx.msk $0xffff, v24  }
0x3ef: {  	v27 =	vor.u32 v51, v40;
	[tilespmem:v21+s16+$0x0] =	vst.idx.msk $0xffff, v17;
	v21 =	vld.idx.msk [tilespmem:v26+s17+$0x0], $0xffff  }
0x3f0: {  	v26 =	vld [tilespmem:$0x1FAA0];
	[tilespmem:v9+s16+$0x0] =	vst.idx.msk $0xffff, v22;
	v43 =	vor.u32 v42, v2  }
0x3f1: {  	[tilespmem:v45+s16+$0x0] =	vst.idx.msk $0xffff, v35  }
0x3f2: {  	v18 =	vld.idx.msk [tilespmem:v18+s17+$0x0], $0xffff;
	v24 =	vadd.s32 v44, v15;
	v25 =	vor.u32 v42, v19;
	[tilespmem:v30+s16+$0x0] =	vst.idx.msk $0xffff, v28  }
0x3f3: {  	v13 =	vor.u32 v42, v3;
	v49 =	vld [tilespmem:$0x1FFA0]  }
0x3f4: {  	v9 =	vld.idx.msk [tilespmem:v27+s17+$0x0], $0xffff;
	v22 =	vadd.s32 v44, v32  }
0x3f5: {  	v26 =	vor.u32 v16, v26;
	v28 =	vld.idx.msk [tilespmem:v43+s17+$0x0], $0xffff  }
0x3f6: {  	v11 =	vor.u32 v12, v11;
	v51 =	vld [tilespmem:$0x1FDF0]  }
0x3f7: {  	[tilespmem:v24+s16+$0x0] =	vst.idx.msk $0xffff, v18;
	v18 =	vld.idx.msk [tilespmem:v25+s17+$0x0], $0xffff;
	v24 =	vor.u32 v14, v29  }
0x3f8: {  	v46 =	vld.idx.msk [tilespmem:v13+s17+$0x0], $0xffff;
	v13 =	vadd.s32 v49, v4  }
0x3f9: {  	[tilespmem:v22+s16+$0x0] =	vst.idx.msk $0xffff, v9  }
0x3fa: {  	v17 =	vor.u32 v42, v10;
	[tilespmem:v26+s16+$0x0] =	vst.idx.msk $0xffff, v21  }
0x3fb: {  	v27 =	vor.u32 v42, v62;
	v22 =	vld [tilespmem:$0x1FAB0];
	[tilespmem:v11+s16+$0x0] =	vst.idx.msk $0xffff, v28  }
0x3fc: {  	v30 =	vor.u32 v42, v0;
	[tilespmem:v24+s16+$0x0] =	vst.idx.msk $0xffff, v18  }
0x3fd: {  	v52 =	vor.u32 v51, v6;
	[tilespmem:v13+s16+$0x0] =	vst.idx.msk $0xffff, v46  }
0x3fe: {  	v53 =	vor.u32 v51, v5;
	v24 =	vld [tilespmem:$0x1FE30]  }
0x3ff: {  	v17 =	vld.idx.msk [tilespmem:v17+s17+$0x0], $0xffff;
	v21 =	vadd.s32 v49, v15;
	v23 =	vor.u32 v51, v23  }
0x400: {  	v9 =	vor.u32 v51, v20;
	v20 =	vld.idx.msk [tilespmem:v27+s17+$0x0], $0xffff;
	v22 =	vor.u32 v16, v22  }
0x401: {  	v11 =	vld.idx.msk [tilespmem:v30+s17+$0x0], $0xffff;
	v25 =	vadd.s32 v49, v32;
	v26 =	vor.u32 v51, v8  }
0x402: {  	v55 =	vor.u32 v12, v48;
	v8 =	vor.u32 v51, v40;
	v54 =	vld.idx.msk [tilespmem:v52+s17+$0x0], $0xffff  }
0x403: {  	v5 =	vld.idx.msk [tilespmem:v53+s17+$0x0], $0xffff;
	v13 =	vadd.s32 v24, v4  }
0x404: {  	v18 =	vor.u32 v14, v31;
	[tilespmem:v21+s16+$0x0] =	vst.idx.msk $0xffff, v17;
	v17 =	vld.idx.msk [tilespmem:v23+s17+$0x0], $0xffff  }
0x405: {  	v9 =	vld.idx.msk [tilespmem:v9+s17+$0x0], $0xffff;
	[tilespmem:v22+s16+$0x0] =	vst.idx.msk $0xffff, v20;
	v20 =	vadd.s32 v24, v15  }
0x406: {  	[tilespmem:v25+s16+$0x0] =	vst.idx.msk $0xffff, v11;
	v21 =	vor.u32 v16, v47;
	v11 =	vld.idx.msk [tilespmem:v26+s17+$0x0], $0xffff  }
0x407: {  	v3 =	vor.u32 v7, v3;
	v57 =	vld.idx.msk [tilespmem:v8+s17+$0x0], $0xffff;
	[tilespmem:v55+s16+$0x0] =	vst.idx.msk $0xffff, v54;
	v56 =	vadd.s32 v24, v32  }
0x408: {  	[tilespmem:v13+s16+$0x0] =	vst.idx.msk $0xffff, v5  }
0x409: {  	v19 =	vor.u32 v7, v19;
	v5 =	vld [tilespmem:$0x1FB30];
	[tilespmem:v18+s16+$0x0] =	vst.idx.msk $0xffff, v17  }
0x40a: {  	v10 =	vor.u32 v7, v10;
	[tilespmem:v20+s16+$0x0] =	vst.idx.msk $0xffff, v9  }
0x40b: {  	v58 =	vor.u32 v7, v0;
	[tilespmem:v21+s16+$0x0] =	vst.idx.msk $0xffff, v11  }
0x40c: {  	v2 =	vor.u32 v7, v2;
	v3 =	vld.idx.msk [tilespmem:v3+s17+$0x0], $0xffff;
	[tilespmem:v56+s16+$0x0] =	vst.idx.msk $0xffff, v57  }
0x40d: {  	v59 =	vadd.s32 v50, v4;
	v8 =	vor.u32 v7, v62;
	v1 =	vld [tilespmem:$0x1FAC0]  }
0x40e: {  	v60 =	vor.u32 v14, v33;
	v9 =	vld.idx.msk [tilespmem:v19+s17+$0x0], $0xffff  }
0x40f: {  	v11 =	vadd.s32 v50, v15;
	v10 =	vld.idx.msk [tilespmem:v10+s17+$0x0], $0xffff  }
0x410: {  	v62 =	vadd.s32 v50, v32;
	v0 =	vld.idx.msk [tilespmem:v58+s17+$0x0], $0xffff  }
0x411: {  	v2 =	vld.idx.msk [tilespmem:v2+s17+$0x0], $0xffff;
	v5 =	vor.u32 v12, v5  }
0x412: {  	v61 =	vld.idx.msk [tilespmem:v8+s17+$0x0], $0xffff;
	[tilespmem:v59+s16+$0x0] =	vst.idx.msk $0xffff, v3;
	v1 =	vor.u32 v16, v1  }
0x413: {  	[tilespmem:v60+s16+$0x0] =	vst.idx.msk $0xffff, v9  }
0x414: {  	[tilespmem:v11+s16+$0x0] =	vst.idx.msk $0xffff, v10  }
0x415: {  	[tilespmem:v62+s16+$0x0] =	vst.idx.msk $0xffff, v0  }
0x416: {  	[tilespmem:v5+s16+$0x0] =	vst.idx.msk $0xffff, v2  }
0x417: {  	[tilespmem:v1+s16+$0x0] =	vst.idx.msk $0xffff, v61  }
0x418: {  	v40 =	vld [tilespmem:$0x1FFD0]  }
0x419: {  	v37 =	vld [tilespmem:$0x1FFB0]  }
0x41a: {  	v39 =	vld [tilespmem:$0x1FFC0]  }
0x41b: {  	v36 =	vld [tilespmem:$0x1FFE0]  }
0x41c: {  	v11 =	vld [tilespmem:$0x1FE40]  }
0x41d: {  	v13 =	vld [tilespmem:$0x1FE50]  }
0x41e: {  	v15 =	vld [tilespmem:$0x1FE60]  }
0x41f: {  	v16 =	vld [tilespmem:$0x1FE70]  }
0x420: {  	v62 =	vld [tilespmem:$0x1FEA0]  }
0x421: {  	v18 =	vld [tilespmem:$0x1FE80]  }
0x422: {  	v19 =	vld [tilespmem:$0x1FE90]  }
0x423: {  	v20 =	vld [tilespmem:$0x1FEB0]  }
0x424: {  	v21 =	vld [tilespmem:$0x1FED0]  }
0x425: {  	v23 =	vld [tilespmem:$0x1FEC0]  }
0x426: {  	v25 =	vld [tilespmem:$0x1FEE0]  }
0x427: {  	v26 =	vld [tilespmem:$0x1FEF0]  }
.Ltmp6:
0x428: {  	p2 =	seq.s32 s14, $0x1E84;
	v27 =	vld [tilespmem:$0x1FF00];
	(pc) =	sbr.rel .LBB2_6-.Ltmp6, $4  }
0x429: {  	s15 =	sadd.s32 $0x3, s15;
	s14 =	sshll.u32 @!p2 s14, $0xA;
	s17 =	simm.s32 @p2 $0x0;
	v28 =	vld [tilespmem:$0x1FF10]  }
0x42a: {  	[hbm4b:s9+s17] =	stream.linear.scatter @p2 [tilespmem:s16], [sflag:s15], $0x1000, $0x38;
	v34 =	vld [tilespmem:$0x1FF20]  }
0x42b: {  	s14 =	sadd.s32 @!p2 s6, s14;
	s17 =	simm.s32 @!p2 $0x0;
	v35 =	vld [tilespmem:$0x1FF30]  }
0x42c: {  	v10 =	vimm.s32 $0x0;
	v24 =	vld [tilespmem:$0x1FF80];
	[hbm4b:s14+s17] =	stream.linear.scatter @!p2 [tilespmem:s16], [sflag:s15], $0x2000, $0x38  }
.LBB2_8:
0x42d: {  	_ =	sfence.sel $0x180000  }
0x42e: {  	[bflag:$0x0] =	sbarrier.arrive $0xFFFF  }
0x42f: {  	p0 =	sne.s32 s3, $0x0;
	_ =	strace $0x90000047  }
0x430: {  	s0 =	sadd.s32 @!p0 $0x100000, s2;
	[bflag:$0x2] =	sbarrier.arrive $0xFFFF  }
0x431: {  	[sflag:s0] =	ssyncadd.tile.s32 @!p0 $0x1;
	_ =	shalt  }
.Lfunc_end2:
_tile_overlayer_lowered:
.L_overlay_start_2:
0x432: {  	(tag) =	ssettag $0x2  }
0x433: {  	s0 =	rddreg [dreg:$0x0];
	s2 =	stileid.u32  }
0x434: {  	s1 =	rddreg [dreg:$0x1];
	p0 =	sne.s32 s2, $0x0  }
0x435: {  	s3 =	rddreg [dreg:$0x2];
	[bflag:$0x3] =	sbarrier.arrive $0xFFFF;
	s2 =	simm.s32 @!p0 $0x1C05  }
0x436: {  	[timem:s3], [sflag:s2] =	dma.local @!p0 [hbm:s0], s1  }
0x437: {  	s0 =	simm.s32 @!p0 $0x5  }
0x438: {  	_ =	swait.ge @!p0 [sflag:s0], s1  }
0x439: {  	s1 =	ssub.s32 @!p0 $0x0, s1;
	[sflag:s0] =	ssyncset.done @!p0 $0x0  }
0x43a: {  	[sflag:s0] =	ssyncadd.s32 @!p0 s1  }
0x43b: {  	[bflag:$0x3] =	sbarrier.arrive $0xFFFF  }
0x43c: {  	_ =	shalt  }

// kernel: kernel.7.cloned.1.call-start
scs
__scs_entry_jumppad:
0x0: {  	(pc) =	sbr.rel $0x88, $3  }
0x1: {  	(tag) =	ssettag $0x0;
	lr =	simm.s32 $0x1  }
0x2: {  	[smem:$0x3F9F] =	sst lr;
	_ =	strace $0xD0000000  }
0x3: {  	_ = 	snop  }
0x4: {  	_ = 	snop  }
0x5: {  	_ = 	snop  }
0x6: {  	_ = 	snop  }
0x7: {  	_ = 	snop  }
__scs_overlays_trampoline_lowered:
0x8: {  	[smem:$0x3FAE] =	sst s0  }
0x9: {  	[smem:$0x3FAF] =	sst s1  }
0xa: {  	[smem:$0x3FB0] =	sst s2  }
0xb: {  	[smem:$0x3FB1] =	sst s3  }
0xc: {  	[smem:$0x3FB2] =	sst s4  }
0xd: {  	[smem:$0x3FB3] =	sst s5  }
0xe: {  	[smem:$0x3FB4] =	sst s6  }
0xf: {  	[smem:$0x3FB5] =	sst s7  }
0x10: {  	[smem:$0x3FB6] =	sst s8  }
0x11: {  	[smem:$0x3FB7] =	sst s9;
	s0 =	simm.s32 @!p0 $0x0  }
0x12: {  	s1 =	sld [smem:$0x3F9D];
	s0 =	simm.s32 @p0 $0x1  }
0x13: {  	[smem:$0x3FB8] =	sst s0;
	s0 =	simm.s32 @!p1 $0x0  }
0x14: {  	s2 =	sld [smem:$0x3F9C];
	s0 =	simm.s32 @p1 $0x1  }
0x15: {  	[smem:$0x3FB9] =	sst s0;
	s0 =	simm.s32 @!p2 $0x0  }
0x16: {  	s3 =	sld [smem:$0x3FDB];
	s0 =	simm.s32 @p2 $0x1  }
0x17: {  	s4 =	simm.s32 $0x1BF5;
	[smem:$0x3FBB] =	sst s0  }
0x18: {  	s0 =	sld [smem:$0x3F9E];
	_ =	swait.ge [sflag:s4], $0x0  }
0x19: {  	s7 =	sld [smem:$0x3F9F]  }
0x1a: {  	s8 =	sadd.s32 $0xFFFFE003, lr  }
0x1b: {  	s9 =	sadd.s32 $0xFFFFFEF7, lr;
	s5 =	simm.s32 $0xFFFFFFFF;
	p2 =	slt.u32 s8, $0xFFFFF086  }
0x1c: {  	p1 =	slt.u32 s9, $0xF7A;
	s5 =	simm.s32 @!p2 $0x0  }
0x1d: {  	s5 =	simm.s32 @p1 $0x1;
	p0 =	seq.s32 s7, s2  }
0x1e: {  	s7 =	smul.u32 @!p0 $0xF7A, s2;
	p2 =	seq.s32 @!p0 s5, $0x0  }
0x1f: {  	s9 =	smul.u32 $0xF7A, s1;
	s8 =	simm.s32 @!p0 $0x1BF5;
	p2 =	por !p2, p0  }
0x20: {  	[sflag:s8] =	ssyncset.s32 @!p0 $0xFFFFF086;
	s6 =	sadd.s32 @!p0 s3, s7;
	s7 =	simm.s32 @!p0 $0x108  }
0x21: {  	s3 =	sadd.s32 s3, s9;
	s6 =	sadd.s32 @!p0 $0x88, s6;
	s7 =	simm.s32 @p2 $0x1082  }
0x22: {  	[simem:s7], [sflag:s8] =	dma.local @!p0 [hbm:s6], $0xF7A  }
0x23: {  	s9 =	sor.u32 $0xD0000000, s2;
	s6 =	simm.s32 $0x108;
	_ =	swait.ge @!p0 [sflag:s8], $0x0  }
0x24: {  	s3 =	sadd.s32 $0x88, s3;
	s6 =	simm.s32 @!p1 $0x1082;
	[sflag:s4] =	ssyncset.s32 $0xFFFFF086  }
0x25: {  	[simem:s6], [sflag:s4] =	dma.local [hbm:s3], $0xF7A  }
0x26: {  	[smem:$0x3F9F] =	sst s1;
	(tag) =	ssettag s2;
	_ =	strace s9  }
0x27: {  	s1 =	sld [smem:$0x3FAF]  }
0x28: {  	s2 =	sld [smem:$0x3FB0]  }
0x29: {  	s4 =	sld [smem:$0x3FB2]  }
0x2a: {  	p0 =	seq.s32 s5, $0x0;
	s5 =	sld [smem:$0x3FB3]  }
0x2b: {  	s6 =	sld [smem:$0x3FB4]  }
0x2c: {  	s7 =	sld [smem:$0x3FB5]  }
0x2d: {  	s3 =	simm.s32 $0x108;
	s8 =	sld [smem:$0x3FB6]  }
0x2e: {  	s3 =	simm.s32 @!p0 $0x1082;
	s9 =	sld [smem:$0x3FB7]  }
0x2f: {  	lr =	sadd.s32 s0, s3;
	s0 =	sld [smem:$0x3FAE]  }
0x30: {  	s3 =	sld [smem:$0x3FB1]  }
0x31: {  	[smem:$0x3FBA] =	sst s10  }
0x32: {  	s10 =	sld [smem:$0x3FB8];
	_ =	sdelay $0x3  }
0x33: {  	p0 =	seq.s32 s10, $0x1;
	s10 =	sld [smem:$0x3FBA];
	_ =	sdelay $0x3  }
0x34: {  	[smem:$0x3FBA] =	sst s10  }
0x35: {  	s10 =	sld [smem:$0x3FB9];
	_ =	sdelay $0x3  }
0x36: {  	p1 =	seq.s32 s10, $0x1;
	s10 =	sld [smem:$0x3FBA];
	_ =	sdelay $0x3  }
0x37: {  	[smem:$0x3FBA] =	sst s10  }
0x38: {  	s10 =	sld [smem:$0x3FBB]  }
0x39: {  	_ = 	snop;
	(pc) =	sbr.ind lr, $3  }
0x3a: {  	_ = 	snop  }
0x3b: {  	_ = 	snop  }
0x3c: {  	p2 =	seq.s32 s10, $0x1;
	s10 =	sld [smem:$0x3FBA]  }
0x3d: {  	_ =	shalt  }
0x3e: {  	_ =	shalt  }
0x3f: {  	_ =	shalt  }
0x40: {  	_ =	shalt  }
0x41: {  	_ =	shalt  }
0x42: {  	_ =	shalt  }
0x43: {  	_ =	shalt  }
0x44: {  	_ =	shalt  }
0x45: {  	_ =	shalt  }
0x46: {  	_ =	shalt  }
0x47: {  	_ =	shalt  }
0x48: {  	_ =	shalt  }
0x49: {  	_ =	shalt  }
0x4a: {  	_ =	shalt  }
0x4b: {  	_ =	shalt  }
0x4c: {  	_ =	shalt  }
0x4d: {  	_ =	shalt  }
0x4e: {  	_ =	shalt  }
0x4f: {  	_ =	shalt  }
0x50: {  	_ =	shalt  }
0x51: {  	_ =	shalt  }
0x52: {  	_ =	shalt  }
0x53: {  	_ =	shalt  }
0x54: {  	_ =	shalt  }
0x55: {  	_ =	shalt  }
0x56: {  	_ =	shalt  }
0x57: {  	_ =	shalt  }
0x58: {  	_ =	shalt  }
0x59: {  	_ =	shalt  }
0x5a: {  	_ =	shalt  }
0x5b: {  	_ =	shalt  }
0x5c: {  	_ =	shalt  }
0x5d: {  	_ =	shalt  }
0x5e: {  	_ =	shalt  }
0x5f: {  	_ =	shalt  }
0x60: {  	_ =	shalt  }
0x61: {  	_ =	shalt  }
0x62: {  	_ =	shalt  }
0x63: {  	_ =	shalt  }
0x64: {  	_ =	shalt  }
0x65: {  	_ =	shalt  }
0x66: {  	_ =	shalt  }
0x67: {  	_ =	shalt  }
0x68: {  	_ =	shalt  }
0x69: {  	_ =	shalt  }
0x6a: {  	_ =	shalt  }
0x6b: {  	_ =	shalt  }
0x6c: {  	_ =	shalt  }
0x6d: {  	_ =	shalt  }
0x6e: {  	_ =	shalt  }
0x6f: {  	_ =	shalt  }
0x70: {  	_ =	shalt  }
0x71: {  	_ =	shalt  }
0x72: {  	_ =	shalt  }
0x73: {  	_ =	shalt  }
0x74: {  	_ =	shalt  }
0x75: {  	_ =	shalt  }
0x76: {  	_ =	shalt  }
0x77: {  	_ =	shalt  }
0x78: {  	_ =	shalt  }
0x79: {  	_ =	shalt  }
0x7a: {  	_ =	shalt  }
0x7b: {  	_ =	shalt  }
0x7c: {  	_ =	shalt  }
0x7d: {  	_ =	shalt  }
0x7e: {  	_ =	shalt  }
0x7f: {  	_ =	shalt  }
0x80: {  	_ =	shalt  }
0x81: {  	_ =	shalt  }
0x82: {  	_ =	shalt  }
0x83: {  	_ =	shalt  }
0x84: {  	_ =	shalt  }
0x85: {  	_ =	shalt  }
0x86: {  	_ =	shalt  }
0x87: {  	_ =	shalt  }
.Lfunc_end0:
.L_simem_size_0:
called_computation.1_lowered:
.L_overlay_start_0:
0x88: {  	s2 =	sld [smem:$0x3FD9]  }
0x89: {  	s3 =	sld [smem:$0x3FFE];
	_ =	sdelay $0x1  }
0x8a: {  	s1 =	srdreg.scid  }
0x8b: {  	s0 =	sand.u32 $0x1, s1  }
0x8c: {  	s17 =	sshll.u32 s0, $0xA;
	s2 =	sadd.s32 s3, s2  }
0x8d: {  	s2 =	sadd.s32 s2, s17  }
0x8e: {  	[smem:$0x3FC6] =	sst s2  }
0x8f: {  	_ = 	snop  }
0x90: {  	s2 =	sld [smem:$0x3FD0];
	(tm) =	ssettm $0x1  }
0x91: {  	s18 =	sld [smem:$0x3FFB];
	_ =	sdelay $0x3  }
0x92: {  	_ =	strace s18  }
0x93: {  	s3 =	sld [smem:$0x3FFC];
	_ =	sdelay $0x3  }
0x94: {  	_ =	strace s3  }
0x95: {  	s3 =	sld [smem:$0x3FFD];
	_ =	sdelay $0x3  }
0x96: {  	_ =	strace s3  }
0x97: {  	_ =	strace $0x8FFFFFFF  }
0x98: {  	s19 =	sld [smem:$0x3FDB];
	_ =	sdelay $0x1  }
0x99: {  	s4 =	simm.s32 $_scs_section_size  }
0x9a: {  	s5 =	simm.s32 $_size__tile_overlayer_lowered;
	s6 =	simm.s32 $_tile_overlayer_lowered  }
0x9b: {  	s22 =	simm.s32 $0x1BFF;
	s21 =	sshll.u32 s6, $0x1;
	s3 =	sadd.s32 s4, s19  }
0x9c: {  	s7 =	simm.s32 $0x0;
	s20 =	sshll.u32 s5, $0x1;
	s5 =	sadd.s32 s21, s3  }
0x9d: {  	[timem:s7], [sflag:s22] =	dma.local [hbm:s5], s20  }
0x9e: {  	_ =	swait.ge [sflag:s22], s20  }
0x9f: {  	s4 =	ssub.s32 $0x0, s20;
	[sflag:s22] =	ssyncset.done $0x0  }
0xa0: {  	[sflag:s22] =	ssyncadd.s32 s4;
	_ =	sdelay $0x1  }
0xa1: {  	s23 =	simm.s32 $0x1B8B  }
0xa2: {  	_ =	swait.ge [sflag:s23], $0x1  }
0xa3: {  	[sflag:s23] =	ssyncset.done $0x0  }
0xa4: {  	s25 =	simm.s32 $0x1B8E;
	s24 =	sld [smem:$0x3FFE];
	[sflag:s23] =	ssyncadd.s32 $0xFFFFFFFF  }
0xa5: {  	s26 =	simm.s32 $execute0_lowered;
	[smem:$0x3FD2] =	sst s25  }
0xa6: {  	s5 =	sshll.u32 s26, $0x1;
	_ =	strace $0x80000049;
	[dreg:$0x1] =	wrdreg $0xFFFFFFFF  }
0xa7: {  	s28 =	simm.s32 $_size_execute0_lowered;
	s3 =	sadd.s32 s3, s5;
	[dreg:$0x0] =	wrdreg $0x0  }
0xa8: {  	s5 =	sshll.u32 s28, $0x1;
	[dreg:$0x2] =	wrdreg s3  }
0xa9: {  	[dreg:$0x3] =	wrdreg s5  }
0xaa: {  	[dreg:$0x4] =	wrdreg $0xC0  }
0xab: {  	_ =	task [dreg:s7], $0x5FFFF  }
0xac: {  	[dreg:$0x1] =	wrdreg $0xFFFFFFFF  }
0xad: {  	[dreg:$0x0] =	wrdreg $0x60  }
0xae: {  	[dreg:$0x2] =	wrdreg s24  }
0xaf: {  	[dreg:$0x3] =	wrdreg s2  }
0xb0: {  	[dreg:$0x4] =	wrdreg $0x9  }
0xb1: {  	_ =	task.clear_ibuf [dreg:s7], $0x5FFFF;
	_ =	strace $0x90000049  }
0xb2: {  	s29 =	simm.s32 $0x9;
	_ =	strace $0x8000004B  }
0xb3: {  	_ =	swait.ge [sflag:s29], $0x1  }
0xb4: {  	[sflag:s29] =	ssyncadd.s32 $0xFFFFFFFF  }
0xb5: {  	_ =	strace $0x9000004B  }
0xb6: {  	_ =	sfence  }
0xb7: {  	s30 =	sld [smem:$0x0];
	_ =	sdelay $0x2  }
0xb8: {  	s31 =	sshll.u32 s1, $0xD;
	s1 =	sshrl.u32 s1, $0x2  }
0xb9: {  	s3 =	sand.u32 $0x4000, s31;
	s1 =	sadd.s32 s1, s30  }
0xba: {  	s0 =	sor.u32 s3, s0;
	s1 =	sshll.u32 s1, $0x11  }
0xbb: {  	s0 =	sor.u32 s1, s0  }
0xbc: {  	s0 =	sadd.s32 $0x8F2B, s0  }
0xbd: {  	[sflag:s0] =	ssyncadd.remote.s32 $0x1  }
0xbe: {  	_ =	sfence.sel $0xFFFF  }
0xbf: {  	[dreg:$0x0] =	wrdreg $0xFFFFFFFF;
	(pc) =	sbr.abs _section_cstart, $3  }
0xc0: {  	[dreg:$0x1] =	wrdreg $0xFFFFFFFF  }
0xc1: {  	_ =	task.clear_ibuf [dreg:s7], $0x2FFFF;
	_ =	strace $0x9FFFFFFF  }
0xc2: {  	(tm) =	ssettm $0x7FFFFFFF  }
0xc3: {  	_ =	shalt  }
tec
execute0_lowered:
.L_overlay_start_1:
0x0: {  	(tag) =	ssettag $0x1  }
0x1: {  	s5 =	rddreg [dreg:$0x0];
	s0 =	srdreg.scid  }
0x2: {  	s2 =	rddreg [dreg:$0x1];
	s1 =	stileid.u32;
	s3 =	simm.s32 $0x0  }
0x3: {  	s9 =	simm.s32 $0x4000;
	s10 =	simm.s32 $0x5;
	s11 =	simm.s32 $0x3  }
0x4: {  	v0 =	vlaneseq.u32;
	s12 =	simm.s32 $0x4;
	s13 =	simm.s32 $0x0;
	s6 =	sand.u32 $0x1, s0  }
0x5: {  	s0 =	rddreg [dreg:$0x2];
	s4 =	sshll.u32 s1, $0x3;
	v0 =	vmul.u32 $0x88, v0;
	s7 =	sshll.u32 s6, $0x2  }
0x6: {  	v1 =	vimm.s32 $0x0;
	vm0 =	vcmask $0x300;
	[smem:$0x7FF] =	sst s3;
	s6 =	ssub.s32 $0x2, s6;
	s4 =	sor.u32 s7, s4  }
0x7: {  	v1 =	vsel vm0, $0x3, v1;
	_ =	strace $0x8000004A;
	s8 =	sshrl.u32 s6, $0x1;
	v2 =	vor.u32 $0x1, v0;
	s7 =	sshll.u32 s4, $0x4  }
0x8: {  	v3 =	vor.u32 $0x2, v0;
	v4 =	vor.u32 $0x3, v0;
	v5 =	vor.u32 $0x4, v0;
	s8 =	ssub.s32 s6, s8;
	s7 =	sadd.s32 s7, s5;
	s5 =	sadd.s32 $0xA00, s5  }
0x9: {  	v6 =	vor.u32 $0x5, v0;
	v7 =	vor.u32 $0x6, v0;
	v8 =	vor.u32 $0x7, v0;
	s6 =	sadd.s32 $0x7A1C00, s7;
	s7 =	smax.u32 s8, $0x1;
	s8 =	simm.s32 $0x200  }
.LBB2_1:
0xa: {  	[tilespmem:s3], [sflag:$0x5] =	stream.strided.gather [hbm4b:s6+s8], $0x6400, s9, s8, $0x38;
	[tilespmem:$0xE800] =	vst v63  }
0xb: {  	_ =	swait.ge [sflag:s10], $0x6400  }
0xc: {  	[sflag:s10] =	ssyncset.done $0x0  }
0xd: {  	p0 =	por $0x0, $0x0;
	s14 =	simm.s32 $0x0;
	[sflag:s10] =	ssyncadd.s32 $0xFFFF9C00  }
.LBB2_2:
0xe: {  	s17 =	sand.u32 $0x1, s14  }
0xf: {  	p1 =	sne.s32 s14, $0x0;
	s21 =	simm.s32 $0x0;
	s22 =	simm.s32 $0x1  }
0x10: {  	s23 =	simm.s32 $0x2;
	s24 =	simm.s32 $0x3;
	s25 =	simm.s32 $0x4  }
0x11: {  	s26 =	simm.s32 $0x7;
	s15 =	sadd.s32 @!p1 $0x1, s17;
	s16 =	simm.s32 @!p1 $0x80  }
0x12: {  	s18 =	simm.s32 @!p1 $0x0;
	s19 =	simm.s32 @!p1 $0x6400;
	s20 =	sadd.s32 $0x1, s17  }
0x13: {  	[tilespmem:s19], [sflag:s15] =	stream.indirect.gather @!p1 [hbm4b:s5+s16], $0x40, s18, s16, $0xb8;
	[tilespmem:$0xE800] =	vst v63  }
0x14: {  	s28 =	simm.s32 $0x5;
	p1 =	seq.s32 s14, $0xC7;
	_ =	swait.ge [sflag:s20], $0x2000  }
0x15: {  	s16 =	sxor.u32 @!p1 $0x1, s17;
	s18 =	sshll.u32 @!p1 s14, $0x9;
	p2 =	slt.u32 @!p1 s14, $0x2  }
0x16: {  	[sflag:s20] =	ssyncset.done $0x0;
	s19 =	sshll.u32 @!p1 s16, $0xD;
	s18 =	sadd.s32 @!p1 $0x200, s18  }
0x17: {  	v9 =	vmov s21;
	v10 =	vmov s22;
	s16 =	sadd.s32 @!p1 $0x1, s16;
	[sflag:s20] =	ssyncadd.s32 $0xFFFFE000;
	s18 =	sand.u32 @!p1 $0x3FE00, s18  }
0x18: {  	v11 =	vmov s23;
	v12 =	vmov s24;
	v13 =	vmov s25;
	s15 =	sadd.s32 @!p1 $0x6400, s19;
	s19 =	simm.s32 @!p1 $0x80;
	s18 =	sshrl.u32 @!p1 s18, $0x2  }
0x19: {  	v14 =	vmov s26;
	v15 =	vmov s28;
	[tilespmem:s15], [sflag:s16] =	stream.indirect.gather @!p1 [hbm4b:s5+s19], $0x40, s18, s19, $0xb8;
	[tilespmem:$0xE800] =	vst v63  }
0x1a: {  	v9 =	vshrl.u32 v9, $0x3;
	v14 =	vshrl.u32 v14, $0x3;
	v10 =	vshrl.u32 v10, $0x3;
	p1 =	por p1, !p2;
	s15 =	sadd.s32 $0x3, s17;
	s16 =	simm.s32 $0x1  }
0x1b: {  	v11 =	vshrl.u32 v11, $0x3;
	v12 =	vshrl.u32 v12, $0x3;
	v14 =	vshll.u32 v14, v1;
	_ =	swait.ge @p1 [sflag:s15], $0x2000;
	s16 =	simm.s32 @!p0 $0x0  }
0x1c: {  	v17 =	vshrl.u32 v13, $0x3;
	v9 =	vshll.u32 v9, v1;
	v14 =	vbroadcast v14, $0x0;
	[sflag:s15] =	ssyncset.done @p1 $0x0;
	s29 =	sshll.u32 s16, $0xD  }
0x1d: {  	v15 =	vshrl.u32 v15, $0x3;
	v10 =	vshll.u32 v10, v1;
	v9 =	vbroadcast v9, $0x0;
	[sflag:s15] =	ssyncadd.s32 @p1 $0xFFFFE000;
	s22 =	sadd.s32 $0x6500, s29  }
0x1e: {  	v11 =	vshll.u32 v11, v1;
	v10 =	vbroadcast v10, $0x0;
	v19 =	vadd.s32 v8, v14;
	v18 =	vld [tilespmem:s22+$0xC0]  }
0x1f: {  	v12 =	vshll.u32 v12, v1;
	v11 =	vbroadcast v11, $0x0;
	v9 =	vadd.s32 v0, v9;
	s17 =	smul.u32 $0x8800, s17;
	v14 =	vld [tilespmem:s22+$0xFFFFFF00]  }
0x20: {  	v17 =	vshll.u32 v17, v1;
	v13 =	vadd.s32 v2, v10;
	v10 =	vbroadcast v12, $0x0;
	v20 =	vld [tilespmem:s22+$0xFFFFFF40]  }
0x21: {  	v15 =	vshll.u32 v15, v1;
	v17 =	vbroadcast v17, $0x0;
	s20 =	simm.s32 $0x6;
	v12 =	vadd.s32 v3, v11;
	s30 =	sshrl.u32 s17, $0x2;
	v21 =	vld [tilespmem:s22+$0xFFFFFF80]  }
0x22: {  	v15 =	vbroadcast v15, $0x0;
	v16 =	vmov s20;
	v11 =	vadd.s32 v4, v10;
	s17 =	sadd.s32 $0xA400, s30;
	v22 =	vld [tilespmem:s22+$0xFFFFFFC0]  }
0x23: {  	v16 =	vshrl.u32 v16, $0x3;
	v10 =	vadd.s32 v5, v17;
	v23 =	vld [tilespmem:s22+$0x0];
	[tilespmem:v19+s17+$0x0] =	vst.idx.msk $0xffff, v18  }
0x24: {  	v15 =	vadd.s32 v6, v15;
	v16 =	vshll.u32 v16, v1;
	v17 =	vld [tilespmem:s22+$0x40];
	[tilespmem:v9+s17+$0x0] =	vst.idx.msk $0xffff, v14  }
0x25: {  	v14 =	vbroadcast v16, $0x0;
	[tilespmem:v13+s17+$0x0] =	vst.idx.msk $0xffff, v20;
	v16 =	vld [tilespmem:s22+$0xD0]  }
0x26: {  	[tilespmem:v12+s17+$0x0] =	vst.idx.msk $0xffff, v21;
	v20 =	vld [tilespmem:s22+$0xFFFFFF50]  }
0x27: {  	[tilespmem:v11+s17+$0x0] =	vst.idx.msk $0xffff, v22;
	v21 =	vld [tilespmem:s22+$0xFFFFFF90]  }
0x28: {  	v18 =	vld [tilespmem:s22+$0x80];
	[tilespmem:v10+s17+$0x0] =	vst.idx.msk $0xffff, v23;
	v14 =	vadd.s32 v7, v14  }
0x29: {  	s20 =	sadd.s32 $0xAC80, s30;
	[tilespmem:v15+s17+$0x0] =	vst.idx.msk $0xffff, v17;
	v22 =	vld [tilespmem:s22+$0xFFFFFFD0]  }
0x2a: {  	v17 =	vld [tilespmem:s22+$0x10];
	[tilespmem:v19+s20+$0x0] =	vst.idx.msk $0xffff, v16  }
0x2b: {  	[tilespmem:v13+s20+$0x0] =	vst.idx.msk $0xffff, v20;
	v16 =	vld [tilespmem:s22+$0xE0]  }
0x2c: {  	[tilespmem:v12+s20+$0x0] =	vst.idx.msk $0xffff, v21;
	v21 =	vld [tilespmem:s22+$0xFFFFFF10]  }
0x2d: {  	[tilespmem:v14+s17+$0x0] =	vst.idx.msk $0xffff, v18;
	v18 =	vld [tilespmem:s22+$0x50]  }
0x2e: {  	[tilespmem:v11+s20+$0x0] =	vst.idx.msk $0xffff, v22;
	v22 =	vld [tilespmem:s22+$0xFFFFFF60]  }
0x2f: {  	s19 =	sadd.s32 $0xB500, s30;
	[tilespmem:v10+s20+$0x0] =	vst.idx.msk $0xffff, v17;
	v20 =	vld [tilespmem:s22+$0x90]  }
0x30: {  	v23 =	vld [tilespmem:s22+$0xFFFFFFA0];
	[tilespmem:v19+s19+$0x0] =	vst.idx.msk $0xffff, v16  }
0x31: {  	[tilespmem:v9+s20+$0x0] =	vst.idx.msk $0xffff, v21;
	v16 =	vld [tilespmem:s22+$0xF0]  }
0x32: {  	v25 =	vld [tilespmem:s22+$0xFFFFFFE0];
	[tilespmem:v15+s20+$0x0] =	vst.idx.msk $0xffff, v18  }
0x33: {  	v26 =	vld [tilespmem:s22+$0x20];
	[tilespmem:v13+s19+$0x0] =	vst.idx.msk $0xffff, v22  }
0x34: {  	[tilespmem:v14+s20+$0x0] =	vst.idx.msk $0xffff, v20;
	v20 =	vld [tilespmem:s22+$0x60]  }
0x35: {  	s31 =	simm.s32 $0xA;
	s16 =	smul.u32 $0x8800, s16;
	s18 =	sadd.s32 $0xBD80, s30;
	[tilespmem:v12+s19+$0x0] =	vst.idx.msk $0xffff, v23;
	v17 =	vld [tilespmem:s22+$0xA0]  }
0x36: {  	s23 =	simm.s32 $0x8;
	s24 =	simm.s32 $0x9;
	s21 =	sand.u32 $0x3, s14;
	[tilespmem:v19+s18+$0x0] =	vst.idx.msk $0xffff, v16;
	v16 =	vld [tilespmem:s22+$0xFFFFFF20]  }
0x37: {  	s25 =	simm.s32 $0xB;
	s26 =	simm.s32 $0xC;
	v24 =	vmov s23;
	s16 =	sshrl.u32 s16, $0x2;
	v21 =	vmov s24;
	[tilespmem:v11+s19+$0x0] =	vst.idx.msk $0xffff, v25;
	v18 =	vld [tilespmem:s22+$0xFFFFFF70]  }
0x38: {  	s16 =	sadd.s32 $0xA400, s16;
	s24 =	simm.s32 $0x10;
	v22 =	vmov s31;
	v23 =	vmov s25;
	s25 =	simm.s32 $0xF;
	[tilespmem:v10+s19+$0x0] =	vst.idx.msk $0xffff, v26;
	v19 =	vld [tilespmem:s22+$0xFFFFFFB0]  }
.LBB2_3:
0x39: {  	p1 =	slt.u32 s24, $0x78;
	v24 =	vshrl.u32 v24, $0x3;
	v25 =	vmov s26;
	s26 =	sadd.s32 $0x5, s23;
	s23 =	sadd.s32 $0x6, s23;
	v26 =	vmov s25;
	v27 =	vld [tilespmem:s22+$0xFFFFFFF0];
	[tilespmem:v15+s19+$0x0] =	vst.idx.msk $0xffff, v20  }
0x3a: {  	v20 =	vmov s26;
	v28 =	vmov s23;
	v26 =	vshrl.u32 v26, $0x3;
	v29 =	vld [tilespmem:s22+$0x30];
	[tilespmem:v14+s19+$0x0] =	vst.idx.msk $0xffff, v17;
	s23 =	smov.u32 s24  }
0x3b: {  	v21 =	vshrl.u32 v21, $0x3;
	v17 =	vshll.u32 v24, v1;
	v24 =	vshll.u32 v26, v1;
	[tilespmem:v9+s19+$0x0] =	vst.idx.msk $0xffff, v16;
	v16 =	vld [tilespmem:s22+$0x70]  }
0x3c: {  	v22 =	vshrl.u32 v22, $0x3;
	v23 =	vshrl.u32 v23, $0x3;
	v24 =	vbroadcast v24, $0x0;
	[tilespmem:v13+s18+$0x0] =	vst.idx.msk $0xffff, v18;
	v18 =	vld [tilespmem:s22+$0xB0]  }
0x3d: {  	v13 =	vbroadcast v17, $0x0;
	v17 =	vshll.u32 v21, v1;
	v21 =	vshrl.u32 v25, $0x3;
	v25 =	vld [tilespmem:s22+$0xFFFFFF30];
	[tilespmem:v12+s18+$0x0] =	vst.idx.msk $0xffff, v19;
	s22 =	sadd.s32 $0x200, s22  }
0x3e: {  	v12 =	vbroadcast v17, $0x0;
	v17 =	vshll.u32 v22, v1;
	v19 =	vld [tilespmem:s22+$0xC0];
	v22 =	vadd.s32 v8, v24;
	[tilespmem:v11+s18+$0x0] =	vst.idx.msk $0xffff, v27  }
0x3f: {  	v26 =	vadd.s32 v0, v13;
	v11 =	vbroadcast v17, $0x0;
	v17 =	vshll.u32 v23, v1;
	v24 =	vld [tilespmem:s22+$0xFFFFFF00];
	[tilespmem:v10+s18+$0x0] =	vst.idx.msk $0xffff, v29  }
0x40: {  	v13 =	vadd.s32 v2, v12;
	v10 =	vbroadcast v17, $0x0;
	v17 =	vshll.u32 v21, v1;
	v23 =	vld [tilespmem:s22+$0xFFFFFF40];
	[tilespmem:v15+s18+$0x0] =	vst.idx.msk $0xffff, v16  }
0x41: {  	v12 =	vadd.s32 v3, v11;
	v15 =	vbroadcast v17, $0x0;
	v17 =	vshrl.u32 v20, $0x3;
	v16 =	vld [tilespmem:s22+$0xFFFFFF80];
	[tilespmem:v14+s18+$0x0] =	vst.idx.msk $0xffff, v18  }
0x42: {  	v11 =	vadd.s32 v4, v10;
	v14 =	vshll.u32 v17, v1;
	v17 =	vshrl.u32 v28, $0x3;
	v18 =	vld [tilespmem:s22+$0xFFFFFFC0];
	[tilespmem:v9+s18+$0x0] =	vst.idx.msk $0xffff, v25  }
0x43: {  	v10 =	vadd.s32 v5, v15;
	v14 =	vbroadcast v14, $0x0;
	v15 =	vshll.u32 v17, v1;
	v20 =	vld [tilespmem:s22+$0x0];
	[tilespmem:v22+s17+$0x0] =	vst.idx.msk $0xffff, v19  }
0x44: {  	v9 =	vmov v26;
	v17 =	vbroadcast v15, $0x0;
	[tilespmem:v26+s17+$0x0] =	vst.idx.msk $0xffff, v24;
	v19 =	vld [tilespmem:s22+$0xD0]  }
0x45: {  	v15 =	vadd.s32 v6, v14;
	[tilespmem:v13+s17+$0x0] =	vst.idx.msk $0xffff, v23;
	v21 =	vld [tilespmem:s22+$0x40]  }
0x46: {  	v14 =	vadd.s32 v7, v17;
	[tilespmem:v12+s17+$0x0] =	vst.idx.msk $0xffff, v16;
	v16 =	vld [tilespmem:s22+$0x80]  }
0x47: {  	v17 =	vld [tilespmem:s22+$0xFFFFFF50];
	[tilespmem:v11+s17+$0x0] =	vst.idx.msk $0xffff, v18  }
0x48: {  	v18 =	vld [tilespmem:s22+$0xFFFFFF90];
	[tilespmem:v10+s17+$0x0] =	vst.idx.msk $0xffff, v20  }
0x49: {  	v20 =	vld [tilespmem:s22+$0xFFFFFFD0];
	[tilespmem:v22+s20+$0x0] =	vst.idx.msk $0xffff, v19  }
0x4a: {  	[tilespmem:v15+s17+$0x0] =	vst.idx.msk $0xffff, v21;
	v19 =	vld [tilespmem:s22+$0xE0]  }
0x4b: {  	v21 =	vld [tilespmem:s22+$0x10];
	[tilespmem:v14+s17+$0x0] =	vst.idx.msk $0xffff, v16  }
0x4c: {  	[tilespmem:v13+s20+$0x0] =	vst.idx.msk $0xffff, v17;
	v16 =	vld [tilespmem:s22+$0x50]  }
0x4d: {  	[tilespmem:v12+s20+$0x0] =	vst.idx.msk $0xffff, v18;
	v17 =	vld [tilespmem:s22+$0x90]  }
0x4e: {  	v18 =	vld [tilespmem:s22+$0xFFFFFF10];
	[tilespmem:v11+s20+$0x0] =	vst.idx.msk $0xffff, v20  }
0x4f: {  	v20 =	vld [tilespmem:s22+$0xFFFFFF60];
	[tilespmem:v22+s19+$0x0] =	vst.idx.msk $0xffff, v19  }
0x50: {  	[tilespmem:v10+s20+$0x0] =	vst.idx.msk $0xffff, v21;
	v19 =	vld [tilespmem:s22+$0xF0]  }
0x51: {  	v21 =	vld [tilespmem:s22+$0xFFFFFFA0];
	[tilespmem:v15+s20+$0x0] =	vst.idx.msk $0xffff, v16  }
0x52: {  	v23 =	vld [tilespmem:s22+$0xFFFFFFE0];
	[tilespmem:v14+s20+$0x0] =	vst.idx.msk $0xffff, v17  }
0x53: {  	[tilespmem:v26+s20+$0x0] =	vst.idx.msk $0xffff, v18;
	v25 =	vld [tilespmem:s22+$0x20]  }
.Ltmp0:
0x54: {  	[tilespmem:v13+s19+$0x0] =	vst.idx.msk $0xffff, v20;
	v20 =	vld [tilespmem:s22+$0x60];
	(pc) =	sbr.rel @p1 .LBB2_3-.Ltmp0, $4  }
0x55: {  	v17 =	vld [tilespmem:s22+$0xA0];
	[tilespmem:v22+s18+$0x0] =	vst.idx.msk $0xffff, v19  }
0x56: {  	s25 =	sadd.s32 $0x1, s24;
	v16 =	vld [tilespmem:s22+$0xFFFFFF20];
	[tilespmem:v12+s19+$0x0] =	vst.idx.msk $0xffff, v21  }
0x57: {  	s26 =	sadd.s32 $0x3, s24;
	v24 =	vmov s24;
	v21 =	vmov s25;
	s25 =	sadd.s32 $0x2, s24;
	v18 =	vld [tilespmem:s22+$0xFFFFFF70];
	[tilespmem:v11+s19+$0x0] =	vst.idx.msk $0xffff, v23  }
0x58: {  	s24 =	sadd.s32 $0x8, s24;
	v22 =	vmov s25;
	v23 =	vmov s26;
	s26 =	sadd.s32 $0x4, s23;
	s25 =	sadd.s32 $0x7, s23;
	v19 =	vld [tilespmem:s22+$0xFFFFFFB0];
	[tilespmem:v10+s19+$0x0] =	vst.idx.msk $0xffff, v25  }
0x59: {  	_ =	sdelay $0x3  }
0x5a: {  	v24 =	vshrl.u32 v24, $0x3;
	v25 =	vmov s26;
	v26 =	vmov s25;
	v27 =	vld [tilespmem:s22+$0xFFFFFFF0];
	[tilespmem:v15+s19+$0x0] =	vst.idx.msk $0xffff, v20  }
0x5b: {  	s24 =	sadd.s32 $0x5, s23;
	v29 =	vld [tilespmem:s22+$0x30];
	v21 =	vshrl.u32 v21, $0x3;
	v22 =	vshrl.u32 v22, $0x3;
	v26 =	vshrl.u32 v26, $0x3;
	[tilespmem:v14+s19+$0x0] =	vst.idx.msk $0xffff, v17  }
0x5c: {  	v23 =	vshrl.u32 v23, $0x3;
	v63 =	vmov s24;
	v33 =	vld [tilespmem:s22+$0x70];
	v32 =	vshll.u32 v26, v1;
	[tilespmem:v9+s19+$0x0] =	vst.idx.msk $0xffff, v16  }
0x5d: {  	v31 =	vshll.u32 v24, v1;
	v35 =	vshll.u32 v21, v1;
	v34 =	vld [tilespmem:s22+$0xB0];
	v24 =	vbroadcast v32, $0x0;
	[tilespmem:v13+s18+$0x0] =	vst.idx.msk $0xffff, v18  }
0x5e: {  	s28 =	sadd.s32 $0x200, s22;
	v36 =	vshrl.u32 v25, $0x3;
	v39 =	vshll.u32 v22, v1;
	v38 =	vbroadcast v35, $0x0;
	v37 =	vld [tilespmem:s22+$0xFFFFFF30];
	[tilespmem:v12+s18+$0x0] =	vst.idx.msk $0xffff, v19  }
0x5f: {  	v40 =	vld [tilespmem:s28+$0xC0];
	v23 =	vshll.u32 v23, v1;
	v17 =	vbroadcast v31, $0x0;
	v41 =	vadd.s32 v8, v24;
	[tilespmem:v11+s18+$0x0] =	vst.idx.msk $0xffff, v27  }
0x60: {  	v23 =	vbroadcast v23, $0x0;
	v18 =	vbroadcast v39, $0x0;
	v12 =	vadd.s32 v2, v38;
	[tilespmem:v10+s18+$0x0] =	vst.idx.msk $0xffff, v29;
	v10 =	vld [tilespmem:s28+$0xFFFFFF40]  }
0x61: {  	v21 =	vshll.u32 v36, v1;
	v20 =	vshrl.u32 v63, $0x3;
	v17 =	vadd.s32 v0, v17;
	v11 =	vld [tilespmem:s28+$0xFFFFFF00];
	[tilespmem:v15+s18+$0x0] =	vst.idx.msk $0xffff, v33  }
0x62: {  	v42 =	vld [tilespmem:s28+$0xFFFFFF80];
	v44 =	vbroadcast v21, $0x0;
	v20 =	vshll.u32 v20, v1;
	v43 =	vadd.s32 v3, v18;
	[tilespmem:v14+s18+$0x0] =	vst.idx.msk $0xffff, v34  }
0x63: {  	s26 =	sadd.s32 $0x6, s23;
	v45 =	vld [tilespmem:s28+$0xFFFFFFC0];
	v46 =	vadd.s32 v4, v23;
	v20 =	vbroadcast v20, $0x0;
	[tilespmem:v9+s18+$0x0] =	vst.idx.msk $0xffff, v37  }
0x64: {  	v28 =	vmov s26;
	v18 =	vadd.s32 v5, v44;
	v9 =	vld [tilespmem:s28+$0x0];
	[tilespmem:v41+s17+$0x0] =	vst.idx.msk $0xffff, v40  }
0x65: {  	v47 =	vshrl.u32 v28, $0x3;
	v20 =	vadd.s32 v6, v20;
	[tilespmem:v12+s17+$0x0] =	vst.idx.msk $0xffff, v10;
	v10 =	vld [tilespmem:s28+$0x40]  }
0x66: {  	v21 =	vshll.u32 v47, v1;
	[tilespmem:v17+s17+$0x0] =	vst.idx.msk $0xffff, v11;
	v19 =	vld [tilespmem:s28+$0xD0]  }
0x67: {  	v11 =	vbroadcast v21, $0x0;
	[tilespmem:v43+s17+$0x0] =	vst.idx.msk $0xffff, v42;
	v49 =	vld [tilespmem:s28+$0xFFFFFF50]  }
0x68: {  	[tilespmem:v46+s17+$0x0] =	vst.idx.msk $0xffff, v45;
	v50 =	vld [tilespmem:s28+$0xFFFFFF90]  }
0x69: {  	v48 =	vld [tilespmem:s28+$0x80];
	v11 =	vadd.s32 v7, v11;
	[tilespmem:v18+s17+$0x0] =	vst.idx.msk $0xffff, v9  }
0x6a: {  	v54 =	vld [tilespmem:s28+$0xFFFFFF10];
	[tilespmem:v20+s17+$0x0] =	vst.idx.msk $0xffff, v10  }
0x6b: {  	v9 =	vld [tilespmem:s28+$0xFFFFFFD0];
	[tilespmem:v41+s20+$0x0] =	vst.idx.msk $0xffff, v19  }
0x6c: {  	v51 =	vld [tilespmem:s28+$0x10];
	[tilespmem:v12+s20+$0x0] =	vst.idx.msk $0xffff, v49  }
0x6d: {  	[tilespmem:v43+s20+$0x0] =	vst.idx.msk $0xffff, v50;
	v10 =	vld [tilespmem:s28+$0xE0]  }
0x6e: {  	v52 =	vld [tilespmem:s28+$0x50];
	[tilespmem:v11+s17+$0x0] =	vst.idx.msk $0xffff, v48  }
0x6f: {  	[tilespmem:v17+s20+$0x0] =	vst.idx.msk $0xffff, v54;
	v53 =	vld [tilespmem:s28+$0x90]  }
0x70: {  	[tilespmem:v46+s20+$0x0] =	vst.idx.msk $0xffff, v9;
	v9 =	vld [tilespmem:s28+$0xFFFFFF60]  }
0x71: {  	v55 =	vld [tilespmem:s28+$0xFFFFFFA0];
	[tilespmem:v18+s20+$0x0] =	vst.idx.msk $0xffff, v51  }
0x72: {  	v56 =	vld [tilespmem:s28+$0xFFFFFFE0];
	[tilespmem:v41+s19+$0x0] =	vst.idx.msk $0xffff, v10  }
0x73: {  	[tilespmem:v20+s20+$0x0] =	vst.idx.msk $0xffff, v52;
	v10 =	vld [tilespmem:s28+$0xF0]  }
0x74: {  	v57 =	vld [tilespmem:s28+$0x20];
	[tilespmem:v11+s20+$0x0] =	vst.idx.msk $0xffff, v53  }
0x75: {  	[tilespmem:v12+s19+$0x0] =	vst.idx.msk $0xffff, v9;
	v9 =	vld [tilespmem:s28+$0x60]  }
0x76: {  	[tilespmem:v43+s19+$0x0] =	vst.idx.msk $0xffff, v55;
	v58 =	vld [tilespmem:s28+$0xA0]  }
0x77: {  	v60 =	vld [tilespmem:s28+$0xFFFFFFB0];
	[tilespmem:v46+s19+$0x0] =	vst.idx.msk $0xffff, v56  }
0x78: {  	[tilespmem:v41+s18+$0x0] =	vst.idx.msk $0xffff, v10;
	v10 =	vld [tilespmem:s28+$0xFFFFFF20]  }
0x79: {  	v59 =	vld [tilespmem:s28+$0xFFFFFF70];
	[tilespmem:v18+s19+$0x0] =	vst.idx.msk $0xffff, v57  }
0x7a: {  	v61 =	vld [tilespmem:s28+$0xFFFFFFF0];
	[tilespmem:v20+s19+$0x0] =	vst.idx.msk $0xffff, v9  }
0x7b: {  	v9 =	vld [tilespmem:s28+$0x30];
	[tilespmem:v11+s19+$0x0] =	vst.idx.msk $0xffff, v58  }
0x7c: {  	[tilespmem:v43+s18+$0x0] =	vst.idx.msk $0xffff, v60;
	v62 =	vld [tilespmem:s28+$0xB0]  }
0x7d: {  	[tilespmem:v17+s19+$0x0] =	vst.idx.msk $0xffff, v10;
	v10 =	vld [tilespmem:s28+$0x70]  }
0x7e: {  	[tilespmem:v12+s18+$0x0] =	vst.idx.msk $0xffff, v59;
	v63 =	vld [tilespmem:s28+$0xFFFFFF30]  }
0x7f: {  	[tilespmem:v46+s18+$0x0] =	vst.idx.msk $0xffff, v61  }
0x80: {  	s29 =	sshll.u32 s14, $0xF;
	[tilespmem:v18+s18+$0x0] =	vst.idx.msk $0xffff, v9  }
0x81: {  	s30 =	sor.u32 s4, s21;
	s17 =	sand.u32 $0x7E0000, s29;
	[tilespmem:v11+s18+$0x0] =	vst.idx.msk $0xffff, v62  }
0x82: {  	s17 =	sadd.s32 s2, s17;
	s19 =	sshll.u32 s30, $0x7;
	[tilespmem:v20+s18+$0x0] =	vst.idx.msk $0xffff, v10  }
0x83: {  	s20 =	sadd.s32 $0x0, s16;
	s17 =	sadd.s32 s19, s17;
	[tilespmem:v17+s18+$0x0] =	vst.idx.msk $0xffff, v63  }
0x84: {  	[hbm4b:s17+s3] =	stream.linear.scatter [tilespmem:s20], [sflag:s15], $0x80, $0x38;
	[tilespmem:$0xE800] =	vst v63  }
0x85: {  	s31 =	sadd.s32 $0x88, s20;
	s19 =	sadd.s32 $0x10, s17  }
0x86: {  	[hbm4b:s19+s3] =	stream.linear.scatter [tilespmem:s31], [sflag:s15], $0x80, $0x38;
	[tilespmem:$0xE800] =	vst v63  }
0x87: {  	s21 =	sadd.s32 $0x110, s20;
	s23 =	sadd.s32 $0x198, s20;
	s22 =	sadd.s32 $0x20, s17  }
0x88: {  	[hbm4b:s22+s3] =	stream.linear.scatter [tilespmem:s21], [sflag:s15], $0x80, $0x38;
	[tilespmem:$0xE800] =	vst v63  }
0x89: {  	s25 =	sadd.s32 $0x220, s20;
	s30 =	sadd.s32 $0x330, s20;
	s24 =	sadd.s32 $0x30, s17  }
0x8a: {  	[hbm4b:s24+s3] =	stream.linear.scatter [tilespmem:s23], [sflag:s15], $0x80, $0x38;
	[tilespmem:$0xE800] =	vst v63  }
0x8b: {  	s28 =	sadd.s32 $0x2A8, s20;
	s26 =	sadd.s32 $0x40, s17;
	s29 =	sadd.s32 $0x50, s17  }
0x8c: {  	[hbm4b:s26+s3] =	stream.linear.scatter [tilespmem:s25], [sflag:s15], $0x80, $0x38;
	[tilespmem:$0xE800] =	vst v63  }
0x8d: {  	s18 =	simm.s32 $0x440;
	s20 =	sadd.s32 $0x3B8, s20;
	s31 =	sadd.s32 $0x60, s17  }
0x8e: {  	[hbm4b:s29+s3] =	stream.linear.scatter [tilespmem:s28], [sflag:s15], $0x80, $0x38;
	[tilespmem:$0xE800] =	vst v63  }
0x8f: {  	s19 =	simm.s32 $0x2200;
	s21 =	sadd.s32 $0x70, s17;
	s17 =	sadd.s32 $0x4000, s17  }
0x90: {  	[hbm4b:s31+s3] =	stream.linear.scatter [tilespmem:s30], [sflag:s15], $0x80, $0x38;
	[tilespmem:$0xE800] =	vst v63  }
.LBB2_5:
0x91: {  	[hbm4b:s21+s3] =	stream.linear.scatter [tilespmem:s20], [sflag:s15], $0x80, $0x38;
	[tilespmem:$0xE800] =	vst v63  }
0x92: {  	s20 =	smov.u32 s19  }
0x93: {  	s22 =	sadd.s32 $0x1100, s19;
	s21 =	sadd.s32 s18, s16;
	s18 =	sshra.s32 s20, $0x2  }
0x94: {  	[hbm4b:s17+s3] =	stream.linear.scatter [tilespmem:s21], [sflag:s15], $0x80, $0x38;
	[tilespmem:$0xE800] =	vst v63  }
0x95: {  	p1 =	sne.s32 s19, $0x7700;
	s19 =	sadd.s32 $0x88, s21;
	s20 =	sadd.s32 $0x10, s17  }
0x96: {  	[hbm4b:s20+s3] =	stream.linear.scatter [tilespmem:s19], [sflag:s15], $0x80, $0x38;
	[tilespmem:$0xE800] =	vst v63  }
0x97: {  	s19 =	sadd.s32 $0x110, s21;
	s20 =	sadd.s32 $0x20, s17  }
0x98: {  	[hbm4b:s20+s3] =	stream.linear.scatter [tilespmem:s19], [sflag:s15], $0x80, $0x38;
	[tilespmem:$0xE800] =	vst v63  }
0x99: {  	s19 =	sadd.s32 $0x198, s21;
	s20 =	sadd.s32 $0x30, s17  }
0x9a: {  	[hbm4b:s20+s3] =	stream.linear.scatter [tilespmem:s19], [sflag:s15], $0x80, $0x38;
	[tilespmem:$0xE800] =	vst v63  }
0x9b: {  	s19 =	sadd.s32 $0x220, s21;
	s20 =	sadd.s32 $0x40, s17  }
0x9c: {  	[hbm4b:s20+s3] =	stream.linear.scatter [tilespmem:s19], [sflag:s15], $0x80, $0x38;
	[tilespmem:$0xE800] =	vst v63  }
0x9d: {  	s19 =	sadd.s32 $0x2A8, s21;
	s20 =	sadd.s32 $0x50, s17  }
0x9e: {  	[hbm4b:s20+s3] =	stream.linear.scatter [tilespmem:s19], [sflag:s15], $0x80, $0x38;
	[tilespmem:$0xE800] =	vst v63  }
.Ltmp1:
0x9f: {  	_ = 	snop;
	(pc) =	sbr.rel @p1 .LBB2_5-.Ltmp1, $4  }
0xa0: {  	s19 =	sadd.s32 $0x330, s21;
	s20 =	sadd.s32 $0x60, s17  }
0xa1: {  	[hbm4b:s20+s3] =	stream.linear.scatter [tilespmem:s19], [sflag:s15], $0x80, $0x38;
	[tilespmem:$0xE800] =	vst v63  }
0xa2: {  	s20 =	sadd.s32 $0x3B8, s21  }
0xa3: {  	s21 =	sadd.s32 $0x70, s17;
	s17 =	sadd.s32 $0x4000, s17;
	s19 =	smov.u32 s22  }
0xa4: {  	[hbm4b:s21+s3] =	stream.linear.scatter [tilespmem:s20], [sflag:s15], $0x80, $0x38;
	[tilespmem:$0xE800] =	vst v63  }
0xa5: {  	s16 =	sadd.s32 s18, s16  }
0xa6: {  	[hbm4b:s17+s3] =	stream.linear.scatter [tilespmem:s16], [sflag:s15], $0x80, $0x38;
	[tilespmem:$0xE800] =	vst v63  }
0xa7: {  	s19 =	sadd.s32 $0x10, s17;
	s18 =	sadd.s32 $0x88, s16  }
0xa8: {  	[hbm4b:s19+s3] =	stream.linear.scatter [tilespmem:s18], [sflag:s15], $0x80, $0x38;
	[tilespmem:$0xE800] =	vst v63  }
0xa9: {  	s21 =	sadd.s32 $0x20, s17;
	s20 =	sadd.s32 $0x110, s16  }
0xaa: {  	[hbm4b:s21+s3] =	stream.linear.scatter [tilespmem:s20], [sflag:s15], $0x80, $0x38;
	[tilespmem:$0xE800] =	vst v63  }
0xab: {  	s23 =	sadd.s32 $0x30, s17;
	s22 =	sadd.s32 $0x198, s16  }
0xac: {  	[hbm4b:s23+s3] =	stream.linear.scatter [tilespmem:s22], [sflag:s15], $0x80, $0x38;
	[tilespmem:$0xE800] =	vst v63  }
0xad: {  	s25 =	sadd.s32 $0x40, s17;
	s14 =	sadd.s32 $0x1, s14;
	s24 =	sadd.s32 $0x220, s16  }
0xae: {  	[hbm4b:s25+s3] =	stream.linear.scatter [tilespmem:s24], [sflag:s15], $0x80, $0x38;
	[tilespmem:$0xE800] =	vst v63  }
0xaf: {  	s28 =	sadd.s32 $0x50, s17;
	s26 =	sadd.s32 $0x2A8, s16;
	p1 =	sne.s32 s14, $0xC8  }
0xb0: {  	[hbm4b:s28+s3] =	stream.linear.scatter [tilespmem:s26], [sflag:s15], $0x80, $0x38;
	[tilespmem:$0xE800] =	vst v63  }
.Ltmp2:
0xb1: {  	_ = 	snop;
	(pc) =	sbr.rel @p1 .LBB2_2-.Ltmp2, $4  }
0xb2: {  	s30 =	sadd.s32 $0x60, s17;
	s29 =	sadd.s32 $0x330, s16  }
0xb3: {  	[hbm4b:s30+s3] =	stream.linear.scatter [tilespmem:s29], [sflag:s15], $0x80, $0x38;
	[tilespmem:$0xE800] =	vst v63  }
0xb4: {  	s31 =	sadd.s32 $0x70, s17;
	p0 =	por !p0, !p0;
	s16 =	sadd.s32 $0x3B8, s16  }
0xb5: {  	[hbm4b:s31+s3] =	stream.linear.scatter [tilespmem:s16], [sflag:s15], $0x80, $0x38;
	[tilespmem:$0xE800] =	vst v63  }
0xb6: {  	s13 =	sadd.s32 $0x1, s13  }
0xb7: {  	_ =	swait.ge [sflag:s11], $0x2000;
	p0 =	sne.s32 s13, s7  }
.Ltmp3:
0xb8: {  	[sflag:s11] =	ssyncset.done $0x0;
	(pc) =	sbr.rel @p0 .LBB2_1-.Ltmp3, $4  }
0xb9: {  	[sflag:s11] =	ssyncadd.s32 $0xFFFFE000  }
0xba: {  	_ =	swait.ge [sflag:s12], $0x2000  }
0xbb: {  	[sflag:s12] =	ssyncset.done $0x0  }
0xbc: {  	[sflag:s12] =	ssyncadd.s32 $0xFFFFE000  }
0xbd: {  	_ =	sfence.sel $0x180000  }
0xbe: {  	[bflag:$0x0] =	sbarrier.arrive $0xFFFF  }
0xbf: {  	p0 =	sne.s32 s1, $0x0;
	_ =	strace $0x9000004A  }
0xc0: {  	s0 =	sadd.s32 @!p0 $0x100000, s0;
	[bflag:$0x2] =	sbarrier.arrive $0xFFFF  }
0xc1: {  	[sflag:s0] =	ssyncadd.tile.s32 @!p0 $0x1;
	_ =	shalt  }
.Lfunc_end2:
_tile_overlayer_lowered:
.L_overlay_start_2:
0xc2: {  	(tag) =	ssettag $0x2  }
0xc3: {  	s0 =	rddreg [dreg:$0x0];
	s2 =	stileid.u32  }
0xc4: {  	s1 =	rddreg [dreg:$0x1];
	p0 =	sne.s32 s2, $0x0  }
0xc5: {  	s3 =	rddreg [dreg:$0x2];
	[bflag:$0x3] =	sbarrier.arrive $0xFFFF;
	s2 =	simm.s32 @!p0 $0x1C05  }
0xc6: {  	[timem:s3], [sflag:s2] =	dma.local @!p0 [hbm:s0], s1  }
0xc7: {  	s0 =	simm.s32 @!p0 $0x5  }
0xc8: {  	_ =	swait.ge @!p0 [sflag:s0], s1  }
0xc9: {  	s1 =	ssub.s32 @!p0 $0x0, s1;
	[sflag:s0] =	ssyncset.done @!p0 $0x0  }
0xca: {  	[sflag:s0] =	ssyncadd.s32 @!p0 s1  }
0xcb: {  	[bflag:$0x3] =	sbarrier.arrive $0xFFFF  }
0xcc: {  	_ =	shalt  }

</sc_bundles>
